<compile_context>
chip_gen: v7x
topology: tpu7x:2x2x1
jax: 0.10.2.dev20260603
libtpu: 0.0.44.dev20260713+nightly
codegen_flags: <defaults>
</compile_context>

<pallas_src>
import functools

import jax
import jax.numpy as jnp
from jax import lax
from jax.experimental import pallas as pl
from jax.experimental.pallas import tpu as pltpu
from jax.experimental.pallas import tpu_sc as plsc

NC = 2
NS = 16
NW = NC * NS
L = 16


def _rsqrt16(deg):
    safe = jnp.maximum(deg, 1.0)
    bits = plsc.bitcast(safe, jnp.int32)
    g = plsc.bitcast(jnp.int32(0x5F3759DF) - (bits >> 1), jnp.float32)
    h = safe * 0.5
    for _ in range(3):
        g = g * (1.5 - h * g * g)
    return jnp.where(deg > 0.0, g, 0.0)


def _make_k1(n, d, e, npad, rch):
    seg = npad // NS
    eh = e // NS
    nchy = n // rch
    njj = (nchy + NW - 1) // NW
    mesh = plsc.VectorSubcoreMesh(
        core_axis_name="c", subcore_axis_name="s", num_cores=NC, num_subcores=NS
    )

    @functools.partial(
        pl.kernel,
        out_type=jax.ShapeDtypeStruct((n, d), jnp.float32),
        mesh=mesh,
        compiler_params=pltpu.CompilerParams(needs_layout_passes=False),
        scratch_types=(
            pltpu.VMEM((eh,), jnp.int32),
            pltpu.VMEM((npad,), jnp.float32),
            pltpu.VMEM((NS * seg,), jnp.float32),
            pltpu.VMEM((npad,), jnp.float32),
            pltpu.VMEM((seg,), jnp.float32),
            pltpu.VMEM((rch, d), jnp.float32),
            pltpu.VMEM((rch, d), jnp.float32),
            pltpu.VMEM_SHARED((NS * npad,), jnp.float32),
            pltpu.VMEM_SHARED((npad,), jnp.float32),
            pltpu.SemaphoreType.DMA,
            pltpu.SemaphoreType.DMA((2,)),
            pltpu.SemaphoreType.DMA((2,)),
        ),
    )
    def k1(x_hbm, src_hbm, y_hbm,
           sidx_all, hist_v, red_v, dinv_v, dvt_v, xbuf0, xbuf1,
           sh_hist, sh_dinv, sem_a, sem_yi, sem_yo):
        cid = lax.axis_index("c")
        sid = lax.axis_index("s")
        wid = cid * NS + sid
        ones = jnp.ones((L,), jnp.float32)
        zeros = jnp.zeros((L,), jnp.float32)
        xbufs = (xbuf0, xbuf1)

        pltpu.async_copy(src_hbm.at[pl.ds(sid * eh, eh)], sidx_all, sem_a)

        def zero_hist(i, _):
            hist_v[pl.ds(i * L, L)] = zeros
            return 0

        def accumulate(idx_all):
            def grp(g, _):
                idx16 = idx_all[pl.ds(g * L, L)]
                plsc.addupdate_scatter(hist_v, [idx16], ones)
                return 0

            lax.fori_loop(0, eh // L, grp, 0)

        def reduce_dinv(out_v):
            for k in range(NS):
                pltpu.async_copy(
                    sh_hist.at[pl.ds(k * npad + sid * seg, seg)],
                    red_v.at[pl.ds(k * seg, seg)],
                    sem_a,
                )
            for k in range(NS):
                pltpu.make_async_copy(
                    sh_hist.at[pl.ds(k * npad + sid * seg, seg)],
                    red_v.at[pl.ds(k * seg, seg)],
                    sem_a,
                ).wait()

            def red(i, _):
                acc = red_v[pl.ds(i * L, L)]
                for k in range(1, NS):
                    acc = acc + red_v[pl.ds(k * seg + i * L, L)]
                out_v[pl.ds(i * L, L)] = _rsqrt16(acc)
                return 0

            lax.fori_loop(0, seg // L, red, 0)

        lax.fori_loop(0, npad // L, zero_hist, 0)
        pltpu.make_async_copy(
            src_hbm.at[pl.ds(sid * eh, eh)], sidx_all, sem_a
        ).wait()
        accumulate(sidx_all)
        pltpu.sync_copy(hist_v, sh_hist.at[pl.ds(sid * npad, npad)])
        plsc.subcore_barrier()
        reduce_dinv(dvt_v)
        pltpu.sync_copy(dvt_v, sh_dinv.at[pl.ds(sid * seg, seg)])
        plsc.subcore_barrier()
        pltpu.sync_copy(sh_dinv, dinv_v)

        def y_in(jj, b):
            j = jj * NW + wid

            @pl.when(j < nchy)
            def _():
                pltpu.async_copy(
                    x_hbm.at[pl.ds(j * rch, rch), :], xbufs[b], sem_yi.at[b]
                )

        def y_wait_out(jj, b):
            j = jj * NW + wid

            @pl.when(j < nchy)
            def _():
                pltpu.make_async_copy(
                    xbufs[b], y_hbm.at[pl.ds(j * rch, rch), :], sem_yo.at[b]
                ).wait()

        y_in(0, 0)
        for jj in range(njj):
            b = jj % 2
            if jj >= 2:
                y_wait_out(jj - 2, b)
            if jj + 1 < njj:
                y_in(jj + 1, 1 - b)
            j = jj * NW + wid

            @pl.when(j < nchy)
            def _():
                row0 = j * rch
                pltpu.make_async_copy(
                    x_hbm.at[pl.ds(row0, rch), :], xbufs[b], sem_yi.at[b]
                ).wait()

                def row(r, _):
                    rv = jnp.full((L,), r, jnp.int32)
                    wv = plsc.load_gather(
                        dinv_v, [jnp.full((L,), row0 + r, jnp.int32)]
                    )
                    for c in range(d // L):
                        cv = lax.iota(jnp.int32, L) + (c * L)
                        v = plsc.load_gather(xbufs[b], [rv, cv])
                        plsc.store_scatter(xbufs[b], [rv, cv], v * wv)
                    return 0

                lax.fori_loop(0, rch, row, 0)
                pltpu.async_copy(
                    xbufs[b], y_hbm.at[pl.ds(row0, rch), :], sem_yo.at[b]
                )

        for jj in (njj - 2, njj - 1):
            if jj >= 0:
                y_wait_out(jj, jj % 2)

    return k1


def _make_k2(n, d, e, npad, ce, nb=4):
    seg = npad // NS
    ept = e // NW
    nck = ept // ce
    nzc = n // ce
    nzpt = (nzc + NS - 1) // NS
    nslot = nck + nb - 1
    ng = (nslot + nb - 1) // nb
    mesh = plsc.VectorSubcoreMesh(
        core_axis_name="c", subcore_axis_name="s", num_cores=NC, num_subcores=NS
    )

    scratch = (
        [pltpu.VMEM((ce,), jnp.int32) for _ in range(nb)]
        + [pltpu.VMEM((ce,), jnp.int32) for _ in range(nb)]
        + [pltpu.VMEM((ce, d), jnp.float32) for _ in range(nb)]
        + [
            pltpu.VMEM((ce,), jnp.float32),
            pltpu.VMEM((seg,), jnp.float32),
            pltpu.VMEM_SHARED((n, d), jnp.float32),
            pltpu.VMEM_SHARED((npad,), jnp.float32),
            pltpu.SemaphoreType.DMA((nb,)),
            pltpu.SemaphoreType.DMA((nb,)),
            pltpu.SemaphoreType.DMA((nb,)),
            pltpu.SemaphoreType.DMA((nb,)),
            pltpu.SemaphoreType.DMA,
        ]
    )

    @functools.partial(
        pl.kernel,
        out_type=(
            jax.ShapeDtypeStruct((n, d), jnp.float32),
            jax.ShapeDtypeStruct((n, d), jnp.float32),
            jax.ShapeDtypeStruct((npad,), jnp.float32),
            jax.ShapeDtypeStruct((npad,), jnp.float32),
        ),
        mesh=mesh,
        compiler_params=pltpu.CompilerParams(needs_layout_passes=False),
        scratch_types=tuple(scratch),
    )
    def k2(y_hbm, src_hbm, tgt_hbm, z_hbm, p0_hbm, p1_hbm, ht0_hbm, ht1_hbm,
           *scr):
        sidx = scr[:nb]
        tidx = scr[nb:2 * nb]
        rows = scr[2 * nb:3 * nb]
        (ones_v, zseg, acc_sh, sht,
         sem_i, sem_g, sem_s, sem_t, sem_z) = scr[3 * nb:]
        cid = lax.axis_index("c")
        sid = lax.axis_index("s")
        wid = cid * NS + sid
        ones = jnp.ones((L,), jnp.float32)
        zeros = jnp.zeros((L,), jnp.float32)

        def fill_ones(i, _):
            ones_v[pl.ds(i * L, L)] = ones
            return 0

        lax.fori_loop(0, ce // L, fill_ones, 0)

        def fill_zseg(i, _):
            zseg[pl.ds(i * L, L)] = zeros
            return 0

        lax.fori_loop(0, seg // L, fill_zseg, 0)
        pltpu.sync_copy(zseg, sht.at[pl.ds(sid * seg, seg)])

        def zfire(jj, _):
            j = jj * NS + sid

            @pl.when(j < nzc)
            def _():
                pltpu.async_copy(
                    z_hbm, acc_sh.at[pl.ds(j * ce, ce), :], sem_z
                )

            return 0

        lax.fori_loop(0, nzpt, zfire, 0)

        def zdrain(jj, _):
            j = jj * NS + sid

            @pl.when(j < nzc)
            def _():
                pltpu.make_async_copy(
                    z_hbm, acc_sh.at[pl.ds(j * ce, ce), :], sem_z
                ).wait()

            return 0

        lax.fori_loop(0, nzpt, zdrain, 0)
        plsc.subcore_barrier()

        base = wid * ept

        def slot(i, b):
            @pl.when((i >= nb) & (i < nck + nb))
            def _():
                pltpu.make_async_copy(
                    rows[b], acc_sh.at[tidx[b]], sem_s.at[b]
                ).wait()
                pltpu.make_async_copy(
                    ones_v, sht.at[tidx[b]], sem_t.at[b]
                ).wait()

            @pl.when(i < nck)
            def _():
                off = base + i * ce
                pltpu.async_copy(
                    src_hbm.at[pl.ds(off, ce)], sidx[b], sem_i.at[b]
                )
                pltpu.async_copy(
                    tgt_hbm.at[pl.ds(off, ce)], tidx[b], sem_i.at[b]
                )

            j = i - 1
            bj = (b - 1) % nb

            @pl.when((j >= 0) & (j < nck))
            def _():
                pltpu.make_async_copy(
                    src_hbm.at[pl.ds(0, ce)], sidx[bj], sem_i.at[bj]
                ).wait()
                pltpu.make_async_copy(
                    tgt_hbm.at[pl.ds(0, ce)], tidx[bj], sem_i.at[bj]
                ).wait()
                pltpu.async_copy(
                    y_hbm.at[sidx[bj]], rows[bj], sem_g.at[bj]
                )

            k = i - 3
            bk = (b - 3) % nb

            @pl.when((k >= 0) & (k < nck))
            def _():
                pltpu.make_async_copy(
                    y_hbm.at[sidx[bk]], rows[bk], sem_g.at[bk]
                ).wait()
                pltpu.async_copy(
                    rows[bk], acc_sh.at[tidx[bk]], sem_s.at[bk], add=True
                )
                pltpu.async_copy(
                    ones_v, sht.at[tidx[bk]], sem_t.at[bk], add=True
                )

        def outer(g, _):
            for b in range(nb):
                slot(g * nb + b, b)
            return 0

        lax.fori_loop(0, ng, outer, 0)
        plsc.subcore_barrier()

        @pl.when(cid == 0)
        def _():
            pltpu.sync_copy(
                sht.at[pl.ds(sid * seg, seg)],
                ht0_hbm.at[pl.ds(sid * seg, seg)],
            )

        @pl.when(cid == 1)
        def _():
            pltpu.sync_copy(
                sht.at[pl.ds(sid * seg, seg)],
                ht1_hbm.at[pl.ds(sid * seg, seg)],
            )

        def dump(p_hbm):
            def dfire(jj, _):
                j = jj * NS + sid

                @pl.when(j < nzc)
                def _():
                    pltpu.async_copy(
                        acc_sh.at[pl.ds(j * ce, ce), :],
                        p_hbm.at[pl.ds(j * ce, ce), :],
                        sem_z,
                    )

                return 0

            lax.fori_loop(0, nzpt, dfire, 0)

            def ddrain(jj, _):
                j = jj * NS + sid

                @pl.when(j < nzc)
                def _():
                    pltpu.make_async_copy(
                        acc_sh.at[pl.ds(j * ce, ce), :],
                        p_hbm.at[pl.ds(j * ce, ce), :],
                        sem_z,
                    ).wait()

                return 0

            lax.fori_loop(0, nzpt, ddrain, 0)

        @pl.when(cid == 0)
        def _():
            dump(p0_hbm)

        @pl.when(cid == 1)
        def _():
            dump(p1_hbm)

    return k2


def _k3_body(p0_ref, p1_ref, h0_ref, h1_ref, o_ref):
    deg = h0_ref[...] + h1_ref[...]
    dinv = jnp.where(deg > 0.0, jax.lax.rsqrt(deg), 0.0)
    o_ref[...] = (p0_ref[...] + p1_ref[...]) * dinv


def kernel(x, edge_index, num_nodes_target):
    n, d = x.shape
    e = edge_index.shape[1]
    npad = ((n + NS * L - 1) // (NS * L)) * (NS * L)
    src = edge_index[0]
    tgt = edge_index[1]

    y = _make_k1(n, d, e, npad, rch=80)(x, src)
    zeros2d = jnp.zeros((80, d), jnp.float32)
    p0, p1, ht0, ht1 = _make_k2(n, d, e, npad, ce=80)(y, src, tgt, zeros2d)

    br = 400
    out = pl.pallas_call(
        _k3_body,
        grid=(n // br,),
        in_specs=[
            pl.BlockSpec((br, d), lambda i: (i, 0)),
            pl.BlockSpec((br, d), lambda i: (i, 0)),
            pl.BlockSpec((br, 1), lambda i: (i, 0)),
            pl.BlockSpec((br, 1), lambda i: (i, 0)),
        ],
        out_specs=pl.BlockSpec((br, d), lambda i: (i, 0)),
        out_shape=jax.ShapeDtypeStruct((n, d), jnp.float32),
    )(p0, p1, ht0.reshape(npad, 1), ht1.reshape(npad, 1))
    return out

# --- scband reference (transcript-rebuilt; emitter-appended) ---
"""Pipeline reference for scband-inter-order-gcnconv-56040733278454 (READ-ONLY COPY).

The authoritative reference and input builder live on the scoring server;
editing this copy changes nothing except your own understanding.
"""

import jax, jax.numpy as jnp
import numpy as np

N = 10000
E = 320000
D = 128


def setup_inputs(seed: int = 0) -> dict:
    key = jax.random.key(seed)
    k1, k2 = jax.random.split(key)
    x = jax.random.normal(k1, (N, D), dtype=jnp.float32)
    edge_index = jax.random.randint(k2, (2, E), 0, N, dtype=jnp.int32)
    return {"x": x, "edge_index": edge_index, "num_nodes_target": N}


def _inter_order_gcn_norm(edge_index, edge_weight, num_nodes_source, num_nodes_target, dtype):
    if edge_weight is None:
        edge_weight = jnp.ones((edge_index.shape[1],), dtype=dtype)
    idx_source = edge_index[0]
    idx_target = edge_index[1]
    # out-degree of source nodes (weighted)
    deg_source = jax.ops.segment_sum(edge_weight, idx_source, num_segments=num_nodes_source)
    deg_inv_sqrt_source = jnp.where(deg_source > 0, deg_source ** -0.5, 0.0).astype(dtype)
    # in-degree of target nodes (weighted)
    deg_target = jax.ops.segment_sum(edge_weight, idx_target, num_segments=num_nodes_target)
    deg_inv_sqrt_target = jnp.where(deg_target > 0, deg_target ** -0.5, 0.0).astype(dtype)
    edge_weight = deg_inv_sqrt_source[idx_source] * edge_weight * deg_inv_sqrt_target[idx_target]
    return edge_index, edge_weight


def reference(x, edge_index, num_nodes_target):
    # normalize=True, edge_weight=None
    num_nodes_source = x.shape[0]
    num_segments_target = x.shape[0]
    edge_index, edge_weight = _inter_order_gcn_norm(
        edge_index, None, num_nodes_source, num_segments_target, x.dtype
    )
    idx_source = edge_index[0]
    idx_target = edge_index[1]
    message = x[idx_source] * edge_weight[:, None]
    aggregated = jax.ops.segment_sum(message, idx_target, num_segments=num_segments_target)
    aggregated = aggregated + jnp.zeros((), aggregated.dtype) * num_nodes_target
    return aggregated


if False:  # reference __main__ guard neutralized (emitter)
    out = reference(**setup_inputs())
    print(out.shape, out.dtype)

if __name__ == "__main__":
    import jax
    _d = setup_inputs()
    print(jax.jit(kernel)(*tuple(_d.values())))

</pallas_src>

<mosaic_0001>
#map = affine_map<(d0, d1) -> (0, 0)>
#map1 = affine_map<(d0, d1) -> (0)>
module attributes {stable_mosaic.version = 14 : i64} {
  func.func @k2(%arg0: i32, %arg1: i32, %arg2: memref<10000x128xf32, #tpu.memory_space<hbm>>, %arg3: memref<320000xi32, #tpu.memory_space<hbm>>, %arg4: memref<320000xi32, #tpu.memory_space<hbm>>, %arg5: memref<80x128xf32, #tpu.memory_space<hbm>>, %arg6: memref<10000x128xf32, #tpu.memory_space<hbm>>, %arg7: memref<10000x128xf32, #tpu.memory_space<hbm>>, %arg8: memref<10240xf32, #tpu.memory_space<hbm>>, %arg9: memref<10240xf32, #tpu.memory_space<hbm>>, %arg10: memref<80xi32, #tpu.memory_space<vmem>>, %arg11: memref<80xi32, #tpu.memory_space<vmem>>, %arg12: memref<80xi32, #tpu.memory_space<vmem>>, %arg13: memref<80xi32, #tpu.memory_space<vmem>>, %arg14: memref<80xi32, #tpu.memory_space<vmem>>, %arg15: memref<80xi32, #tpu.memory_space<vmem>>, %arg16: memref<80xi32, #tpu.memory_space<vmem>>, %arg17: memref<80xi32, #tpu.memory_space<vmem>>, %arg18: memref<80x128xf32, #tpu.memory_space<vmem>>, %arg19: memref<80x128xf32, #tpu.memory_space<vmem>>, %arg20: memref<80x128xf32, #tpu.memory_space<vmem>>, %arg21: memref<80x128xf32, #tpu.memory_space<vmem>>, %arg22: memref<80xf32, #tpu.memory_space<vmem>>, %arg23: memref<640xf32, #tpu.memory_space<vmem>>, %arg24: memref<10000x128xf32, #tpu.memory_space<vmem_shared>>, %arg25: memref<10240xf32, #tpu.memory_space<vmem_shared>>, %arg26: memref<4x!tpu.dma_semaphore, #tpu.memory_space<semaphore_mem>>, %arg27: memref<4x!tpu.dma_semaphore, #tpu.memory_space<semaphore_mem>>, %arg28: memref<4x!tpu.dma_semaphore, #tpu.memory_space<semaphore_mem>>, %arg29: memref<4x!tpu.dma_semaphore, #tpu.memory_space<semaphore_mem>>, %arg30: memref<!tpu.dma_semaphore, #tpu.memory_space<semaphore_mem>>) attributes {dimension_semantics = [#tpu.dimension_semantics<core_parallel>, #tpu.dimension_semantics<subcore_parallel>], iteration_bounds = array<i64: 2, 16>, scalar_prefetch = 0 : i64, scratch_operands = 21 : i64, tpu.core_type = #tpu.core_type<sc_vector_subcore>, window_params = [{transform_indices = #map}, {transform_indices = #map1}, {transform_indices = #map1}, {transform_indices = #map}, {transform_indices = #map}, {transform_indices = #map}, {transform_indices = #map1}, {transform_indices = #map1}]} {
    %mul3A = arith.constant 16 : i32
    %mul3A_0 = arith.muli %arg0, %mul3A : i32
    %add3A = arith.addi %mul3A_0, %arg1 : i32
    %broadcast_in_dim3A = arith.constant 1.000000e+00 : f32
    %broadcast_in_dim3A_1 = vector.broadcast %broadcast_in_dim3A : f32 to vector<16xf32>
    %broadcast_in_dim3A_2 = arith.constant 0.000000e+00 : f32
    %broadcast_in_dim3A_3 = vector.broadcast %broadcast_in_dim3A_2 : f32 to vector<16xf32>
    %scan3A = arith.constant 0 : i32
    %scan3A_4 = arith.constant 0 : i32
    %scan3A_5 = arith.constant 5 : i32
    %scan3A_6 = arith.addi %scan3A_4, %scan3A_5 : i32
    %scan3A_7 = arith.constant 1 : i32
    %scan3A_8 = scf.for %scan3A_60 = %scan3A_4 to %scan3A_6 step %scan3A_7 iter_args(%scan3A_61 = %scan3A) -> (i32)  : i32 {
      %mul3A_62 = arith.constant 16 : i32
      %mul3A_63 = arith.muli %scan3A_60, %mul3A_62 : i32
      %swap3A = arith.index_cast %mul3A_63 : i32 to index
      %swap3A_64 = tpu.vector_load %arg22[%swap3A] {strides = array<i32>} : memref<80xf32, #tpu.memory_space<vmem>>, vector<16xf32>,
      tpu.vector_store %arg22[%swap3A], %broadcast_in_dim3A_1 {strides = array<i32>} : memref<80xf32, #tpu.memory_space<vmem>>, vector<16xf32>,
      %scan3A_65 = arith.constant 0 : i32
      scf.yield %scan3A_65 : i32
    }
    %scan3A_9 = arith.constant 5 : i32
    %scan3A_10 = arith.constant 0 : i32
    %scan3A_11 = arith.constant 0 : i32
    %scan3A_12 = arith.constant 40 : i32
    %scan3A_13 = arith.addi %scan3A_11, %scan3A_12 : i32
    %scan3A_14 = arith.constant 1 : i32
    %scan3A_15 = scf.for %scan3A_60 = %scan3A_11 to %scan3A_13 step %scan3A_14 iter_args(%scan3A_61 = %scan3A_10) -> (i32)  : i32 {
      %mul3A_62 = arith.constant 16 : i32
      %mul3A_63 = arith.muli %scan3A_60, %mul3A_62 : i32
      %swap3A = arith.index_cast %mul3A_63 : i32 to index
      %swap3A_64 = tpu.vector_load %arg23[%swap3A] {strides = array<i32>} : memref<640xf32, #tpu.memory_space<vmem>>, vector<16xf32>,
      tpu.vector_store %arg23[%swap3A], %broadcast_in_dim3A_3 {strides = array<i32>} : memref<640xf32, #tpu.memory_space<vmem>>, vector<16xf32>,
      %scan3A_65 = arith.constant 0 : i32
      scf.yield %scan3A_65 : i32
    }
    %scan3A_16 = arith.constant 40 : i32
    %mul3A_17 = arith.constant 640 : i32
    %mul3A_18 = arith.muli %arg1, %mul3A_17 : i32
    "tpu.region"() ({
      %run_scoped3A = tpu.sem_alloc : memref<!tpu.dma_semaphore, #tpu.memory_space<semaphore_mem>>
      %dma_start3A = tpu.memref_slice %arg25[%mul3A_18] : memref<10240xf32, #tpu.memory_space<vmem_shared>> -> memref<640xf32, #tpu.memory_space<vmem_shared>>
      %dma_start3A_60 = tpu.memref_slice %arg25[%mul3A_18] : memref<10240xf32, #tpu.memory_space<vmem_shared>> -> memref<640xf32, #tpu.memory_space<vmem_shared>>
      tpu.enqueue_dma source(%arg23 : memref<640xf32, #tpu.memory_space<vmem>>) target(%dma_start3A_60 : memref<640xf32, #tpu.memory_space<vmem_shared>>) target_semaphore(%run_scoped3A : memref<!tpu.dma_semaphore, #tpu.memory_space<semaphore_mem>>)
      %dma_wait3A = tpu.memref_slice %arg25[%mul3A_18] : memref<10240xf32, #tpu.memory_space<vmem_shared>> -> memref<640xf32, #tpu.memory_space<vmem_shared>>
      %dma_wait3A_61 = tpu.memref_slice %arg25[%mul3A_18] : memref<10240xf32, #tpu.memory_space<vmem_shared>> -> memref<640xf32, #tpu.memory_space<vmem_shared>>
      tpu.wait_dma2 semaphore(%run_scoped3A : memref<!tpu.dma_semaphore, #tpu.memory_space<semaphore_mem>>) src(%arg23 : memref<640xf32, #tpu.memory_space<vmem>>) dst(%dma_wait3A_61 : memref<640xf32, #tpu.memory_space<vmem_shared>>)
      tpu.yield
    }) : () -> ()
    %scan3A_19 = arith.constant 0 : i32
    %scan3A_20 = arith.constant 0 : i32
    %scan3A_21 = arith.constant 8 : i32
    %scan3A_22 = arith.addi %scan3A_20, %scan3A_21 : i32
    %scan3A_23 = arith.constant 1 : i32
    %scan3A_24 = scf.for %scan3A_60 = %scan3A_20 to %scan3A_22 step %scan3A_23 iter_args(%scan3A_61 = %scan3A_19) -> (i32)  : i32 {
      %mul3A_62 = arith.constant 16 : i32
      %mul3A_63 = arith.muli %scan3A_60, %mul3A_62 : i32
      %add3A_64 = arith.addi %mul3A_63, %arg1 : i32
      %lt3A = arith.constant 125 : i32
      %lt3A_65 = arith.cmpi slt, %add3A_64, %lt3A : i32
      %convert_element_type3A_66 = arith.extui %lt3A_65 : i1 to i32
      %cond3A_67 = arith.constant 0 : i32
      %cond3A_68 = arith.cmpi ne, %convert_element_type3A_66, %cond3A_67 : i32
      scf.if %cond3A_68 {
        %mul3A_70 = arith.constant 80 : i32
        %mul3A_71 = arith.muli %add3A_64, %mul3A_70 : i32
        %dma_start3A = arith.constant 0 : i32
        %dma_start3A_72 = tpu.memref_slice %arg24[%mul3A_71, %dma_start3A] : memref<10000x128xf32, #tpu.memory_space<vmem_shared>> -> memref<80x128xf32, #tpu.memory_space<vmem_shared>>
        tpu.enqueue_dma source(%arg5 : memref<80x128xf32, #tpu.memory_space<hbm>>) target(%dma_start3A_72 : memref<80x128xf32, #tpu.memory_space<vmem_shared>>) target_semaphore(%arg30 : memref<!tpu.dma_semaphore, #tpu.memory_space<semaphore_mem>>)
      } else {
      }
      %scan3A_69 = arith.constant 0 : i32
      scf.yield %scan3A_69 : i32
    }
    %scan3A_25 = arith.constant 8 : i32
    %scan3A_26 = arith.constant 0 : i32
    %scan3A_27 = arith.constant 0 : i32
    %scan3A_28 = arith.constant 8 : i32
    %scan3A_29 = arith.addi %scan3A_27, %scan3A_28 : i32
    %scan3A_30 = arith.constant 1 : i32
    %scan3A_31 = scf.for %scan3A_60 = %scan3A_27 to %scan3A_29 step %scan3A_30 iter_args(%scan3A_61 = %scan3A_26) -> (i32)  : i32 {
      %mul3A_62 = arith.constant 16 : i32
      %mul3A_63 = arith.muli %scan3A_60, %mul3A_62 : i32
      %add3A_64 = arith.addi %mul3A_63, %arg1 : i32
      %lt3A = arith.constant 125 : i32
      %lt3A_65 = arith.cmpi slt, %add3A_64, %lt3A : i32
      %convert_element_type3A_66 = arith.extui %lt3A_65 : i1 to i32
      %cond3A_67 = arith.constant 0 : i32
      %cond3A_68 = arith.cmpi ne, %convert_element_type3A_66, %cond3A_67 : i32
      scf.if %cond3A_68 {
        %mul3A_70 = arith.constant 80 : i32
        %mul3A_71 = arith.muli %add3A_64, %mul3A_70 : i32
        %dma_wait3A = arith.constant 0 : i32
        %dma_wait3A_72 = tpu.memref_slice %arg24[%mul3A_71, %dma_wait3A] : memref<10000x128xf32, #tpu.memory_space<vmem_shared>> -> memref<80x128xf32, #tpu.memory_space<vmem_shared>>
        tpu.wait_dma2 semaphore(%arg30 : memref<!tpu.dma_semaphore, #tpu.memory_space<semaphore_mem>>) src(%arg5 : memref<80x128xf32, #tpu.memory_space<hbm>>) dst(%dma_wait3A_72 : memref<80x128xf32, #tpu.memory_space<vmem_shared>>)
      } else {
      }
      %scan3A_69 = arith.constant 0 : i32
      scf.yield %scan3A_69 : i32
    }
    %scan3A_32 = arith.constant 8 : i32
    %barrier3A = arith.constant 0 : index
    tpu.barrier barrier_id(%barrier3A)
    %mul3A_33 = arith.constant 10000 : i32
    %mul3A_34 = arith.muli %add3A, %mul3A_33 : i32
    %scan3A_35 = arith.constant 0 : i32
    %scan3A_36 = arith.constant 0 : i32
    %scan3A_37 = arith.constant 32 : i32
    %scan3A_38 = arith.addi %scan3A_36, %scan3A_37 : i32
    %scan3A_39 = arith.constant 1 : i32
    %scan3A_40 = scf.for %scan3A_60 = %scan3A_36 to %scan3A_38 step %scan3A_39 iter_args(%scan3A_61 = %scan3A_35) -> (i32)  : i32 {
      %mul3A_62 = arith.constant 4 : i32
      %mul3A_63 = arith.muli %scan3A_60, %mul3A_62 : i32
      %add3A_64 = arith.constant 0 : i32
      %add3A_65 = arith.addi %mul3A_63, %add3A_64 : i32
      %ge3A = arith.constant 4 : i32
      %ge3A_66 = arith.cmpi sge, %add3A_65, %ge3A : i32
      %lt3A = arith.constant 129 : i32
      %lt3A_67 = arith.cmpi slt, %add3A_65, %lt3A : i32
      %and3A = arith.andi %ge3A_66, %lt3A_67 : i1
      %convert_element_type3A_68 = arith.extui %and3A : i1 to i32
      %cond3A_69 = arith.constant 0 : i32
      %cond3A_70 = arith.cmpi ne, %convert_element_type3A_68, %cond3A_69 : i32
      scf.if %cond3A_70 {
        %dma_wait3A = arith.constant 0 : i32
        %dma_wait3A_207 = arith.constant 0 : i32
        %dma_wait3A_208 = arith.constant 0 : i32
        %dma_wait3A_209 = tpu.memref_slice %arg24[%dma_wait3A_207, %dma_wait3A_208] : memref<10000x128xf32, #tpu.memory_space<vmem_shared>> -> memref<10000x128xf32, #tpu.memory_space<vmem_shared>>
        %dma_wait3A_210 = tpu.memref_slice %arg28[%dma_wait3A] : memref<4x!tpu.dma_semaphore, #tpu.memory_space<semaphore_mem>> -> memref<1x!tpu.dma_semaphore, #tpu.memory_space<semaphore_mem>>
        %dma_wait3A_211 = tpu.memref_squeeze %dma_wait3A_210 : memref<1x!tpu.dma_semaphore, #tpu.memory_space<semaphore_mem>> -> memref<!tpu.dma_semaphore, #tpu.memory_space<semaphore_mem>>
        tpu.wait_indirect_dma semaphore(%dma_wait3A_211 : memref<!tpu.dma_semaphore, #tpu.memory_space<semaphore_mem>>) src(%arg18 : memref<80x128xf32, #tpu.memory_space<vmem>>) dst(%dma_wait3A_209 : memref<10000x128xf32, #tpu.memory_space<vmem_shared>>)
        %dma_wait3A_212 = arith.constant 0 : i32
        %dma_wait3A_213 = arith.constant 0 : i32
        %dma_wait3A_214 = tpu.memref_slice %arg25[%dma_wait3A_213] : memref<10240xf32, #tpu.memory_space<vmem_shared>> -> memref<10240xf32, #tpu.memory_space<vmem_shared>>
        %dma_wait3A_215 = tpu.memref_slice %arg29[%dma_wait3A_212] : memref<4x!tpu.dma_semaphore, #tpu.memory_space<semaphore_mem>> -> memref<1x!tpu.dma_semaphore, #tpu.memory_space<semaphore_mem>>
        %dma_wait3A_216 = tpu.memref_squeeze %dma_wait3A_215 : memref<1x!tpu.dma_semaphore, #tpu.memory_space<semaphore_mem>> -> memref<!tpu.dma_semaphore, #tpu.memory_space<semaphore_mem>>
        tpu.wait_indirect_dma semaphore(%dma_wait3A_216 : memref<!tpu.dma_semaphore, #tpu.memory_space<semaphore_mem>>) src(%arg22 : memref<80xf32, #tpu.memory_space<vmem>>) dst(%dma_wait3A_214 : memref<10240xf32, #tpu.memory_space<vmem_shared>>)
      } else {
      }
      %lt3A_71 = arith.constant 125 : i32
      %lt3A_72 = arith.cmpi slt, %add3A_65, %lt3A_71 : i32
      %convert_element_type3A_73 = arith.extui %lt3A_72 : i1 to i32
      %cond3A_74 = arith.constant 0 : i32
      %cond3A_75 = arith.cmpi ne, %convert_element_type3A_73, %cond3A_74 : i32
      scf.if %cond3A_75 {
        %mul3A_207 = arith.constant 80 : i32
        %mul3A_208 = arith.muli %add3A_65, %mul3A_207 : i32
        %add3A_209 = arith.addi %mul3A_34, %mul3A_208 : i32
        %dma_start3A = arith.constant 0 : i32
        %dma_start3A_210 = tpu.memref_slice %arg3[%add3A_209] : memref<320000xi32, #tpu.memory_space<hbm>> -> memref<80xi32, #tpu.memory_space<hbm>>
        %dma_start3A_211 = tpu.memref_slice %arg26[%dma_start3A] : memref<4x!tpu.dma_semaphore, #tpu.memory_space<semaphore_mem>> -> memref<1x!tpu.dma_semaphore, #tpu.memory_space<semaphore_mem>>
        %dma_start3A_212 = tpu.memref_squeeze %dma_start3A_211 : memref<1x!tpu.dma_semaphore, #tpu.memory_space<semaphore_mem>> -> memref<!tpu.dma_semaphore, #tpu.memory_space<semaphore_mem>>
        %dma_start3A_213 = tpu.memref_slice %arg3[%add3A_209] : memref<320000xi32, #tpu.memory_space<hbm>> -> memref<80xi32, #tpu.memory_space<hbm>>
        tpu.enqueue_dma source(%dma_start3A_213 : memref<80xi32, #tpu.memory_space<hbm>>) target(%arg10 : memref<80xi32, #tpu.memory_space<vmem>>) target_semaphore(%dma_start3A_212 : memref<!tpu.dma_semaphore, #tpu.memory_space<semaphore_mem>>)
        %dma_start3A_214 = arith.constant 0 : i32
        %dma_start3A_215 = tpu.memref_slice %arg4[%add3A_209] : memref<320000xi32, #tpu.memory_space<hbm>> -> memref<80xi32, #tpu.memory_space<hbm>>
        %dma_start3A_216 = tpu.memref_slice %arg26[%dma_start3A_214] : memref<4x!tpu.dma_semaphore, #tpu.memory_space<semaphore_mem>> -> memref<1x!tpu.dma_semaphore, #tpu.memory_space<semaphore_mem>>
        %dma_start3A_217 = tpu.memref_squeeze %dma_start3A_216 : memref<1x!tpu.dma_semaphore, #tpu.memory_space<semaphore_mem>> -> memref<!tpu.dma_semaphore, #tpu.memory_space<semaphore_mem>>
        %dma_start3A_218 = tpu.memref_slice %arg4[%add3A_209] : memref<320000xi32, #tpu.memory_space<hbm>> -> memref<80xi32, #tpu.memory_space<hbm>>
        tpu.enqueue_dma source(%dma_start3A_218 : memref<80xi32, #tpu.memory_space<hbm>>) target(%arg14 : memref<80xi32, #tpu.memory_space<vmem>>) target_semaphore(%dma_start3A_217 : memref<!tpu.dma_semaphore, #tpu.memory_space<semaphore_mem>>)
      } else {
      }
      %sub3A = arith.constant 1 : i32
      %sub3A_76 = arith.subi %add3A_65, %sub3A : i32
      %ge3A_77 = arith.constant 0 : i32
      %ge3A_78 = arith.cmpi sge, %sub3A_76, %ge3A_77 : i32
      %lt3A_79 = arith.constant 125 : i32
      %lt3A_80 = arith.cmpi slt, %sub3A_76, %lt3A_79 : i32
      %and3A_81 = arith.andi %ge3A_78, %lt3A_80 : i1
      %convert_element_type3A_82 = arith.extui %and3A_81 : i1 to i32
      %cond3A_83 = arith.constant 0 : i32
      %cond3A_84 = arith.cmpi ne, %convert_element_type3A_82, %cond3A_83 : i32
      scf.if %cond3A_84 {
        %dma_wait3A = arith.constant 3 : i32
        %dma_wait3A_207 = arith.constant 0 : i32
        %dma_wait3A_208 = tpu.memref_slice %arg3[%dma_wait3A_207] : memref<320000xi32, #tpu.memory_space<hbm>> -> memref<80xi32, #tpu.memory_space<hbm>>
        %dma_wait3A_209 = tpu.memref_slice %arg26[%dma_wait3A] : memref<4x!tpu.dma_semaphore, #tpu.memory_space<semaphore_mem>> -> memref<1x!tpu.dma_semaphore, #tpu.memory_space<semaphore_mem>>
        %dma_wait3A_210 = tpu.memref_squeeze %dma_wait3A_209 : memref<1x!tpu.dma_semaphore, #tpu.memory_space<semaphore_mem>> -> memref<!tpu.dma_semaphore, #tpu.memory_space<semaphore_mem>>
        %dma_wait3A_211 = arith.constant 0 : i32
        %dma_wait3A_212 = tpu.memref_slice %arg3[%dma_wait3A_211] : memref<320000xi32, #tpu.memory_space<hbm>> -> memref<80xi32, #tpu.memory_space<hbm>>
        tpu.wait_dma2 semaphore(%dma_wait3A_210 : memref<!tpu.dma_semaphore, #tpu.memory_space<semaphore_mem>>) src(%dma_wait3A_212 : memref<80xi32, #tpu.memory_space<hbm>>) dst(%arg13 : memref<80xi32, #tpu.memory_space<vmem>>)
        %dma_wait3A_213 = arith.constant 3 : i32
        %dma_wait3A_214 = arith.constant 0 : i32
        %dma_wait3A_215 = tpu.memref_slice %arg4[%dma_wait3A_214] : memref<320000xi32, #tpu.memory_space<hbm>> -> memref<80xi32, #tpu.memory_space<hbm>>
        %dma_wait3A_216 = tpu.memref_slice %arg26[%dma_wait3A_213] : memref<4x!tpu.dma_semaphore, #tpu.memory_space<semaphore_mem>> -> memref<1x!tpu.dma_semaphore, #tpu.memory_space<semaphore_mem>>
        %dma_wait3A_217 = tpu.memref_squeeze %dma_wait3A_216 : memref<1x!tpu.dma_semaphore, #tpu.memory_space<semaphore_mem>> -> memref<!tpu.dma_semaphore, #tpu.memory_space<semaphore_mem>>
        %dma_wait3A_218 = arith.constant 0 : i32
        %dma_wait3A_219 = tpu.memref_slice %arg4[%dma_wait3A_218] : memref<320000xi32, #tpu.memory_space<hbm>> -> memref<80xi32, #tpu.memory_space<hbm>>
        tpu.wait_dma2 semaphore(%dma_wait3A_217 : memref<!tpu.dma_semaphore, #tpu.memory_space<semaphore_mem>>) src(%dma_wait3A_219 : memref<80xi32, #tpu.memory_space<hbm>>) dst(%arg17 : memref<80xi32, #tpu.memory_space<vmem>>)
        %dma_start3A = arith.constant 3 : i32
        %dma_start3A_220 = arith.constant 0 : i32
        %dma_start3A_221 = arith.constant 0 : i32
        %dma_start3A_222 = tpu.memref_slice %arg2[%dma_start3A_220, %dma_start3A_221] : memref<10000x128xf32, #tpu.memory_space<hbm>> -> memref<10000x128xf32, #tpu.memory_space<hbm>>
        %dma_start3A_223 = tpu.memref_slice %arg27[%dma_start3A] : memref<4x!tpu.dma_semaphore, #tpu.memory_space<semaphore_mem>> -> memref<1x!tpu.dma_semaphore, #tpu.memory_space<semaphore_mem>>
        %dma_start3A_224 = tpu.memref_squeeze %dma_start3A_223 : memref<1x!tpu.dma_semaphore, #tpu.memory_space<semaphore_mem>> -> memref<!tpu.dma_semaphore, #tpu.memory_space<semaphore_mem>>
        tpu.enqueue_indirect_dma source(%dma_start3A_222 : memref<10000x128xf32, #tpu.memory_space<hbm>>) target(%arg21 : memref<80x128xf32, #tpu.memory_space<vmem>>) offsets(%arg13 : memref<80xi32, #tpu.memory_space<vmem>>) semaphore(%dma_start3A_224 : memref<!tpu.dma_semaphore, #tpu.memory_space<semaphore_mem>>)
      } else {
      }
      %sub3A_85 = arith.constant 3 : i32
      %sub3A_86 = arith.subi %add3A_65, %sub3A_85 : i32
      %ge3A_87 = arith.constant 0 : i32
      %ge3A_88 = arith.cmpi sge, %sub3A_86, %ge3A_87 : i32
      %lt3A_89 = arith.constant 125 : i32
      %lt3A_90 = arith.cmpi slt, %sub3A_86, %lt3A_89 : i32
      %and3A_91 = arith.andi %ge3A_88, %lt3A_90 : i1
      %convert_element_type3A_92 = arith.extui %and3A_91 : i1 to i32
      %cond3A_93 = arith.constant 0 : i32
      %cond3A_94 = arith.cmpi ne, %convert_element_type3A_92, %cond3A_93 : i32
      scf.if %cond3A_94 {
        %dma_wait3A = arith.constant 1 : i32
        %dma_wait3A_207 = arith.constant 0 : i32
        %dma_wait3A_208 = arith.constant 0 : i32
        %dma_wait3A_209 = tpu.memref_slice %arg2[%dma_wait3A_207, %dma_wait3A_208] : memref<10000x128xf32, #tpu.memory_space<hbm>> -> memref<10000x128xf32, #tpu.memory_space<hbm>>
        %dma_wait3A_210 = tpu.memref_slice %arg27[%dma_wait3A] : memref<4x!tpu.dma_semaphore, #tpu.memory_space<semaphore_mem>> -> memref<1x!tpu.dma_semaphore, #tpu.memory_space<semaphore_mem>>
        %dma_wait3A_211 = tpu.memref_squeeze %dma_wait3A_210 : memref<1x!tpu.dma_semaphore, #tpu.memory_space<semaphore_mem>> -> memref<!tpu.dma_semaphore, #tpu.memory_space<semaphore_mem>>
        tpu.wait_indirect_dma semaphore(%dma_wait3A_211 : memref<!tpu.dma_semaphore, #tpu.memory_space<semaphore_mem>>) src(%dma_wait3A_209 : memref<10000x128xf32, #tpu.memory_space<hbm>>) dst(%arg19 : memref<80x128xf32, #tpu.memory_space<vmem>>)
        %dma_start3A = arith.constant 1 : i32
        %dma_start3A_212 = arith.constant 0 : i32
        %dma_start3A_213 = arith.constant 0 : i32
        %dma_start3A_214 = tpu.memref_slice %arg24[%dma_start3A_212, %dma_start3A_213] : memref<10000x128xf32, #tpu.memory_space<vmem_shared>> -> memref<10000x128xf32, #tpu.memory_space<vmem_shared>>
        %dma_start3A_215 = tpu.memref_slice %arg28[%dma_start3A] : memref<4x!tpu.dma_semaphore, #tpu.memory_space<semaphore_mem>> -> memref<1x!tpu.dma_semaphore, #tpu.memory_space<semaphore_mem>>
        %dma_start3A_216 = tpu.memref_squeeze %dma_start3A_215 : memref<1x!tpu.dma_semaphore, #tpu.memory_space<semaphore_mem>> -> memref<!tpu.dma_semaphore, #tpu.memory_space<semaphore_mem>>
        tpu.enqueue_indirect_dma source(%arg19 : memref<80x128xf32, #tpu.memory_space<vmem>>) target(%dma_start3A_214 : memref<10000x128xf32, #tpu.memory_space<vmem_shared>>) offsets(%arg15 : memref<80xi32, #tpu.memory_space<vmem>>) semaphore(%dma_start3A_216 : memref<!tpu.dma_semaphore, #tpu.memory_space<semaphore_mem>>) {add = true}
        %dma_start3A_217 = arith.constant 1 : i32
        %dma_start3A_218 = arith.constant 0 : i32
        %dma_start3A_219 = tpu.memref_slice %arg25[%dma_start3A_218] : memref<10240xf32, #tpu.memory_space<vmem_shared>> -> memref<10240xf32, #tpu.memory_space<vmem_shared>>
        %dma_start3A_220 = tpu.memref_slice %arg29[%dma_start3A_217] : memref<4x!tpu.dma_semaphore, #tpu.memory_space<semaphore_mem>> -> memref<1x!tpu.dma_semaphore, #tpu.memory_space<semaphore_mem>>
        %dma_start3A_221 = tpu.memref_squeeze %dma_start3A_220 : memref<1x!tpu.dma_semaphore, #tpu.memory_space<semaphore_mem>> -> memref<!tpu.dma_semaphore, #tpu.memory_space<semaphore_mem>>
        tpu.enqueue_indirect_dma source(%arg22 : memref<80xf32, #tpu.memory_space<vmem>>) target(%dma_start3A_219 : memref<10240xf32, #tpu.memory_space<vmem_shared>>) offsets(%arg15 : memref<80xi32, #tpu.memory_space<vmem>>) semaphore(%dma_start3A_221 : memref<!tpu.dma_semaphore, #tpu.memory_space<semaphore_mem>>) {add = true}
      } else {
      }
      %mul3A_95 = arith.constant 4 : i32
      %mul3A_96 = arith.muli %scan3A_60, %mul3A_95 : i32
      %add3A_97 = arith.constant 1 : i32
      %add3A_98 = arith.addi %mul3A_96, %add3A_97 : i32
      %ge3A_99 = arith.constant 4 : i32
      %ge3A_100 = arith.cmpi sge, %add3A_98, %ge3A_99 : i32
      %lt3A_101 = arith.constant 129 : i32
      %lt3A_102 = arith.cmpi slt, %add3A_98, %lt3A_101 : i32
      %and3A_103 = arith.andi %ge3A_100, %lt3A_102 : i1
      %convert_element_type3A_104 = arith.extui %and3A_103 : i1 to i32
      %cond3A_105 = arith.constant 0 : i32
      %cond3A_106 = arith.cmpi ne, %convert_element_type3A_104, %cond3A_105 : i32
      scf.if %cond3A_106 {
        %dma_wait3A = arith.constant 1 : i32
        %dma_wait3A_207 = arith.constant 0 : i32
        %dma_wait3A_208 = arith.constant 0 : i32
        %dma_wait3A_209 = tpu.memref_slice %arg24[%dma_wait3A_207, %dma_wait3A_208] : memref<10000x128xf32, #tpu.memory_space<vmem_shared>> -> memref<10000x128xf32, #tpu.memory_space<vmem_shared>>
        %dma_wait3A_210 = tpu.memref_slice %arg28[%dma_wait3A] : memref<4x!tpu.dma_semaphore, #tpu.memory_space<semaphore_mem>> -> memref<1x!tpu.dma_semaphore, #tpu.memory_space<semaphore_mem>>
        %dma_wait3A_211 = tpu.memref_squeeze %dma_wait3A_210 : memref<1x!tpu.dma_semaphore, #tpu.memory_space<semaphore_mem>> -> memref<!tpu.dma_semaphore, #tpu.memory_space<semaphore_mem>>
        tpu.wait_indirect_dma semaphore(%dma_wait3A_211 : memref<!tpu.dma_semaphore, #tpu.memory_space<semaphore_mem>>) src(%arg19 : memref<80x128xf32, #tpu.memory_space<vmem>>) dst(%dma_wait3A_209 : memref<10000x128xf32, #tpu.memory_space<vmem_shared>>)
        %dma_wait3A_212 = arith.constant 1 : i32
        %dma_wait3A_213 = arith.constant 0 : i32
        %dma_wait3A_214 = tpu.memref_slice %arg25[%dma_wait3A_213] : memref<10240xf32, #tpu.memory_space<vmem_shared>> -> memref<10240xf32, #tpu.memory_space<vmem_shared>>
        %dma_wait3A_215 = tpu.memref_slice %arg29[%dma_wait3A_212] : memref<4x!tpu.dma_semaphore, #tpu.memory_space<semaphore_mem>> -> memref<1x!tpu.dma_semaphore, #tpu.memory_space<semaphore_mem>>
        %dma_wait3A_216 = tpu.memref_squeeze %dma_wait3A_215 : memref<1x!tpu.dma_semaphore, #tpu.memory_space<semaphore_mem>> -> memref<!tpu.dma_semaphore, #tpu.memory_space<semaphore_mem>>
        tpu.wait_indirect_dma semaphore(%dma_wait3A_216 : memref<!tpu.dma_semaphore, #tpu.memory_space<semaphore_mem>>) src(%arg22 : memref<80xf32, #tpu.memory_space<vmem>>) dst(%dma_wait3A_214 : memref<10240xf32, #tpu.memory_space<vmem_shared>>)
      } else {
      }
      %lt3A_107 = arith.constant 125 : i32
      %lt3A_108 = arith.cmpi slt, %add3A_98, %lt3A_107 : i32
      %convert_element_type3A_109 = arith.extui %lt3A_108 : i1 to i32
      %cond3A_110 = arith.constant 0 : i32
      %cond3A_111 = arith.cmpi ne, %convert_element_type3A_109, %cond3A_110 : i32
      scf.if %cond3A_111 {
        %mul3A_207 = arith.constant 80 : i32
        %mul3A_208 = arith.muli %add3A_98, %mul3A_207 : i32
        %add3A_209 = arith.addi %mul3A_34, %mul3A_208 : i32
        %dma_start3A = arith.constant 1 : i32
        %dma_start3A_210 = tpu.memref_slice %arg3[%add3A_209] : memref<320000xi32, #tpu.memory_space<hbm>> -> memref<80xi32, #tpu.memory_space<hbm>>
        %dma_start3A_211 = tpu.memref_slice %arg26[%dma_start3A] : memref<4x!tpu.dma_semaphore, #tpu.memory_space<semaphore_mem>> -> memref<1x!tpu.dma_semaphore, #tpu.memory_space<semaphore_mem>>
        %dma_start3A_212 = tpu.memref_squeeze %dma_start3A_211 : memref<1x!tpu.dma_semaphore, #tpu.memory_space<semaphore_mem>> -> memref<!tpu.dma_semaphore, #tpu.memory_space<semaphore_mem>>
        %dma_start3A_213 = tpu.memref_slice %arg3[%add3A_209] : memref<320000xi32, #tpu.memory_space<hbm>> -> memref<80xi32, #tpu.memory_space<hbm>>
        tpu.enqueue_dma source(%dma_start3A_213 : memref<80xi32, #tpu.memory_space<hbm>>) target(%arg11 : memref<80xi32, #tpu.memory_space<vmem>>) target_semaphore(%dma_start3A_212 : memref<!tpu.dma_semaphore, #tpu.memory_space<semaphore_mem>>)
        %dma_start3A_214 = arith.constant 1 : i32
        %dma_start3A_215 = tpu.memref_slice %arg4[%add3A_209] : memref<320000xi32, #tpu.memory_space<hbm>> -> memref<80xi32, #tpu.memory_space<hbm>>
        %dma_start3A_216 = tpu.memref_slice %arg26[%dma_start3A_214] : memref<4x!tpu.dma_semaphore, #tpu.memory_space<semaphore_mem>> -> memref<1x!tpu.dma_semaphore, #tpu.memory_space<semaphore_mem>>
        %dma_start3A_217 = tpu.memref_squeeze %dma_start3A_216 : memref<1x!tpu.dma_semaphore, #tpu.memory_space<semaphore_mem>> -> memref<!tpu.dma_semaphore, #tpu.memory_space<semaphore_mem>>
        %dma_start3A_218 = tpu.memref_slice %arg4[%add3A_209] : memref<320000xi32, #tpu.memory_space<hbm>> -> memref<80xi32, #tpu.memory_space<hbm>>
        tpu.enqueue_dma source(%dma_start3A_218 : memref<80xi32, #tpu.memory_space<hbm>>) target(%arg15 : memref<80xi32, #tpu.memory_space<vmem>>) target_semaphore(%dma_start3A_217 : memref<!tpu.dma_semaphore, #tpu.memory_space<semaphore_mem>>)
      } else {
      }
      %sub3A_112 = arith.constant 1 : i32
      %sub3A_113 = arith.subi %add3A_98, %sub3A_112 : i32
      %ge3A_114 = arith.constant 0 : i32
      %ge3A_115 = arith.cmpi sge, %sub3A_113, %ge3A_114 : i32
      %lt3A_116 = arith.constant 125 : i32
      %lt3A_117 = arith.cmpi slt, %sub3A_113, %lt3A_116 : i32
      %and3A_118 = arith.andi %ge3A_115, %lt3A_117 : i1
      %convert_element_type3A_119 = arith.extui %and3A_118 : i1 to i32
      %cond3A_120 = arith.constant 0 : i32
      %cond3A_121 = arith.cmpi ne, %convert_element_type3A_119, %cond3A_120 : i32
      scf.if %cond3A_121 {
        %dma_wait3A = arith.constant 0 : i32
        %dma_wait3A_207 = arith.constant 0 : i32
        %dma_wait3A_208 = tpu.memref_slice %arg3[%dma_wait3A_207] : memref<320000xi32, #tpu.memory_space<hbm>> -> memref<80xi32, #tpu.memory_space<hbm>>
        %dma_wait3A_209 = tpu.memref_slice %arg26[%dma_wait3A] : memref<4x!tpu.dma_semaphore, #tpu.memory_space<semaphore_mem>> -> memref<1x!tpu.dma_semaphore, #tpu.memory_space<semaphore_mem>>
        %dma_wait3A_210 = tpu.memref_squeeze %dma_wait3A_209 : memref<1x!tpu.dma_semaphore, #tpu.memory_space<semaphore_mem>> -> memref<!tpu.dma_semaphore, #tpu.memory_space<semaphore_mem>>
        %dma_wait3A_211 = arith.constant 0 : i32
        %dma_wait3A_212 = tpu.memref_slice %arg3[%dma_wait3A_211] : memref<320000xi32, #tpu.memory_space<hbm>> -> memref<80xi32, #tpu.memory_space<hbm>>
        tpu.wait_dma2 semaphore(%dma_wait3A_210 : memref<!tpu.dma_semaphore, #tpu.memory_space<semaphore_mem>>) src(%dma_wait3A_212 : memref<80xi32, #tpu.memory_space<hbm>>) dst(%arg10 : memref<80xi32, #tpu.memory_space<vmem>>)
        %dma_wait3A_213 = arith.constant 0 : i32
        %dma_wait3A_214 = arith.constant 0 : i32
        %dma_wait3A_215 = tpu.memref_slice %arg4[%dma_wait3A_214] : memref<320000xi32, #tpu.memory_space<hbm>> -> memref<80xi32, #tpu.memory_space<hbm>>
        %dma_wait3A_216 = tpu.memref_slice %arg26[%dma_wait3A_213] : memref<4x!tpu.dma_semaphore, #tpu.memory_space<semaphore_mem>> -> memref<1x!tpu.dma_semaphore, #tpu.memory_space<semaphore_mem>>
        %dma_wait3A_217 = tpu.memref_squeeze %dma_wait3A_216 : memref<1x!tpu.dma_semaphore, #tpu.memory_space<semaphore_mem>> -> memref<!tpu.dma_semaphore, #tpu.memory_space<semaphore_mem>>
        %dma_wait3A_218 = arith.constant 0 : i32
        %dma_wait3A_219 = tpu.memref_slice %arg4[%dma_wait3A_218] : memref<320000xi32, #tpu.memory_space<hbm>> -> memref<80xi32, #tpu.memory_space<hbm>>
        tpu.wait_dma2 semaphore(%dma_wait3A_217 : memref<!tpu.dma_semaphore, #tpu.memory_space<semaphore_mem>>) src(%dma_wait3A_219 : memref<80xi32, #tpu.memory_space<hbm>>) dst(%arg14 : memref<80xi32, #tpu.memory_space<vmem>>)
        %dma_start3A = arith.constant 0 : i32
        %dma_start3A_220 = arith.constant 0 : i32
        %dma_start3A_221 = arith.constant 0 : i32
        %dma_start3A_222 = tpu.memref_slice %arg2[%dma_start3A_220, %dma_start3A_221] : memref<10000x128xf32, #tpu.memory_space<hbm>> -> memref<10000x128xf32, #tpu.memory_space<hbm>>
        %dma_start3A_223 = tpu.memref_slice %arg27[%dma_start3A] : memref<4x!tpu.dma_semaphore, #tpu.memory_space<semaphore_mem>> -> memref<1x!tpu.dma_semaphore, #tpu.memory_space<semaphore_mem>>
        %dma_start3A_224 = tpu.memref_squeeze %dma_start3A_223 : memref<1x!tpu.dma_semaphore, #tpu.memory_space<semaphore_mem>> -> memref<!tpu.dma_semaphore, #tpu.memory_space<semaphore_mem>>
        tpu.enqueue_indirect_dma source(%dma_start3A_222 : memref<10000x128xf32, #tpu.memory_space<hbm>>) target(%arg18 : memref<80x128xf32, #tpu.memory_space<vmem>>) offsets(%arg10 : memref<80xi32, #tpu.memory_space<vmem>>) semaphore(%dma_start3A_224 : memref<!tpu.dma_semaphore, #tpu.memory_space<semaphore_mem>>)
      } else {
      }
      %sub3A_122 = arith.constant 3 : i32
      %sub3A_123 = arith.subi %add3A_98, %sub3A_122 : i32
      %ge3A_124 = arith.constant 0 : i32
      %ge3A_125 = arith.cmpi sge, %sub3A_123, %ge3A_124 : i32
      %lt3A_126 = arith.constant 125 : i32
      %lt3A_127 = arith.cmpi slt, %sub3A_123, %lt3A_126 : i32
      %and3A_128 = arith.andi %ge3A_125, %lt3A_127 : i1
      %convert_element_type3A_129 = arith.extui %and3A_128 : i1 to i32
      %cond3A_130 = arith.constant 0 : i32
      %cond3A_131 = arith.cmpi ne, %convert_element_type3A_129, %cond3A_130 : i32
      scf.if %cond3A_131 {
        %dma_wait3A = arith.constant 2 : i32
        %dma_wait3A_207 = arith.constant 0 : i32
        %dma_wait3A_208 = arith.constant 0 : i32
        %dma_wait3A_209 = tpu.memref_slice %arg2[%dma_wait3A_207, %dma_wait3A_208] : memref<10000x128xf32, #tpu.memory_space<hbm>> -> memref<10000x128xf32, #tpu.memory_space<hbm>>
        %dma_wait3A_210 = tpu.memref_slice %arg27[%dma_wait3A] : memref<4x!tpu.dma_semaphore, #tpu.memory_space<semaphore_mem>> -> memref<1x!tpu.dma_semaphore, #tpu.memory_space<semaphore_mem>>
        %dma_wait3A_211 = tpu.memref_squeeze %dma_wait3A_210 : memref<1x!tpu.dma_semaphore, #tpu.memory_space<semaphore_mem>> -> memref<!tpu.dma_semaphore, #tpu.memory_space<semaphore_mem>>
        tpu.wait_indirect_dma semaphore(%dma_wait3A_211 : memref<!tpu.dma_semaphore, #tpu.memory_space<semaphore_mem>>) src(%dma_wait3A_209 : memref<10000x128xf32, #tpu.memory_space<hbm>>) dst(%arg20 : memref<80x128xf32, #tpu.memory_space<vmem>>)
        %dma_start3A = arith.constant 2 : i32
        %dma_start3A_212 = arith.constant 0 : i32
        %dma_start3A_213 = arith.constant 0 : i32
        %dma_start3A_214 = tpu.memref_slice %arg24[%dma_start3A_212, %dma_start3A_213] : memref<10000x128xf32, #tpu.memory_space<vmem_shared>> -> memref<10000x128xf32, #tpu.memory_space<vmem_shared>>
        %dma_start3A_215 = tpu.memref_slice %arg28[%dma_start3A] : memref<4x!tpu.dma_semaphore, #tpu.memory_space<semaphore_mem>> -> memref<1x!tpu.dma_semaphore, #tpu.memory_space<semaphore_mem>>
        %dma_start3A_216 = tpu.memref_squeeze %dma_start3A_215 : memref<1x!tpu.dma_semaphore, #tpu.memory_space<semaphore_mem>> -> memref<!tpu.dma_semaphore, #tpu.memory_space<semaphore_mem>>
        tpu.enqueue_indirect_dma source(%arg20 : memref<80x128xf32, #tpu.memory_space<vmem>>) target(%dma_start3A_214 : memref<10000x128xf32, #tpu.memory_space<vmem_shared>>) offsets(%arg16 : memref<80xi32, #tpu.memory_space<vmem>>) semaphore(%dma_start3A_216 : memref<!tpu.dma_semaphore, #tpu.memory_space<semaphore_mem>>) {add = true}
        %dma_start3A_217 = arith.constant 2 : i32
        %dma_start3A_218 = arith.constant 0 : i32
        %dma_start3A_219 = tpu.memref_slice %arg25[%dma_start3A_218] : memref<10240xf32, #tpu.memory_space<vmem_shared>> -> memref<10240xf32, #tpu.memory_space<vmem_shared>>
        %dma_start3A_220 = tpu.memref_slice %arg29[%dma_start3A_217] : memref<4x!tpu.dma_semaphore, #tpu.memory_space<semaphore_mem>> -> memref<1x!tpu.dma_semaphore, #tpu.memory_space<semaphore_mem>>
        %dma_start3A_221 = tpu.memref_squeeze %dma_start3A_220 : memref<1x!tpu.dma_semaphore, #tpu.memory_space<semaphore_mem>> -> memref<!tpu.dma_semaphore, #tpu.memory_space<semaphore_mem>>
        tpu.enqueue_indirect_dma source(%arg22 : memref<80xf32, #tpu.memory_space<vmem>>) target(%dma_start3A_219 : memref<10240xf32, #tpu.memory_space<vmem_shared>>) offsets(%arg16 : memref<80xi32, #tpu.memory_space<vmem>>) semaphore(%dma_start3A_221 : memref<!tpu.dma_semaphore, #tpu.memory_space<semaphore_mem>>) {add = true}
      } else {
      }
      %mul3A_132 = arith.constant 4 : i32
      %mul3A_133 = arith.muli %scan3A_60, %mul3A_132 : i32
      %add3A_134 = arith.constant 2 : i32
      %add3A_135 = arith.addi %mul3A_133, %add3A_134 : i32
      %ge3A_136 = arith.constant 4 : i32
      %ge3A_137 = arith.cmpi sge, %add3A_135, %ge3A_136 : i32
      %lt3A_138 = arith.constant 129 : i32
      %lt3A_139 = arith.cmpi slt, %add3A_135, %lt3A_138 : i32
      %and3A_140 = arith.andi %ge3A_137, %lt3A_139 : i1
      %convert_element_type3A_141 = arith.extui %and3A_140 : i1 to i32
      %cond3A_142 = arith.constant 0 : i32
      %cond3A_143 = arith.cmpi ne, %convert_element_type3A_141, %cond3A_142 : i32
      scf.if %cond3A_143 {
        %dma_wait3A = arith.constant 2 : i32
        %dma_wait3A_207 = arith.constant 0 : i32
        %dma_wait3A_208 = arith.constant 0 : i32
        %dma_wait3A_209 = tpu.memref_slice %arg24[%dma_wait3A_207, %dma_wait3A_208] : memref<10000x128xf32, #tpu.memory_space<vmem_shared>> -> memref<10000x128xf32, #tpu.memory_space<vmem_shared>>
        %dma_wait3A_210 = tpu.memref_slice %arg28[%dma_wait3A] : memref<4x!tpu.dma_semaphore, #tpu.memory_space<semaphore_mem>> -> memref<1x!tpu.dma_semaphore, #tpu.memory_space<semaphore_mem>>
        %dma_wait3A_211 = tpu.memref_squeeze %dma_wait3A_210 : memref<1x!tpu.dma_semaphore, #tpu.memory_space<semaphore_mem>> -> memref<!tpu.dma_semaphore, #tpu.memory_space<semaphore_mem>>
        tpu.wait_indirect_dma semaphore(%dma_wait3A_211 : memref<!tpu.dma_semaphore, #tpu.memory_space<semaphore_mem>>) src(%arg20 : memref<80x128xf32, #tpu.memory_space<vmem>>) dst(%dma_wait3A_209 : memref<10000x128xf32, #tpu.memory_space<vmem_shared>>)
        %dma_wait3A_212 = arith.constant 2 : i32
        %dma_wait3A_213 = arith.constant 0 : i32
        %dma_wait3A_214 = tpu.memref_slice %arg25[%dma_wait3A_213] : memref<10240xf32, #tpu.memory_space<vmem_shared>> -> memref<10240xf32, #tpu.memory_space<vmem_shared>>
        %dma_wait3A_215 = tpu.memref_slice %arg29[%dma_wait3A_212] : memref<4x!tpu.dma_semaphore, #tpu.memory_space<semaphore_mem>> -> memref<1x!tpu.dma_semaphore, #tpu.memory_space<semaphore_mem>>
        %dma_wait3A_216 = tpu.memref_squeeze %dma_wait3A_215 : memref<1x!tpu.dma_semaphore, #tpu.memory_space<semaphore_mem>> -> memref<!tpu.dma_semaphore, #tpu.memory_space<semaphore_mem>>
        tpu.wait_indirect_dma semaphore(%dma_wait3A_216 : memref<!tpu.dma_semaphore, #tpu.memory_space<semaphore_mem>>) src(%arg22 : memref<80xf32, #tpu.memory_space<vmem>>) dst(%dma_wait3A_214 : memref<10240xf32, #tpu.memory_space<vmem_shared>>)
      } else {
      }
      %lt3A_144 = arith.constant 125 : i32
      %lt3A_145 = arith.cmpi slt, %add3A_135, %lt3A_144 : i32
      %convert_element_type3A_146 = arith.extui %lt3A_145 : i1 to i32
      %cond3A_147 = arith.constant 0 : i32
      %cond3A_148 = arith.cmpi ne, %convert_element_type3A_146, %cond3A_147 : i32
      scf.if %cond3A_148 {
        %mul3A_207 = arith.constant 80 : i32
        %mul3A_208 = arith.muli %add3A_135, %mul3A_207 : i32
        %add3A_209 = arith.addi %mul3A_34, %mul3A_208 : i32
        %dma_start3A = arith.constant 2 : i32
        %dma_start3A_210 = tpu.memref_slice %arg3[%add3A_209] : memref<320000xi32, #tpu.memory_space<hbm>> -> memref<80xi32, #tpu.memory_space<hbm>>
        %dma_start3A_211 = tpu.memref_slice %arg26[%dma_start3A] : memref<4x!tpu.dma_semaphore, #tpu.memory_space<semaphore_mem>> -> memref<1x!tpu.dma_semaphore, #tpu.memory_space<semaphore_mem>>
        %dma_start3A_212 = tpu.memref_squeeze %dma_start3A_211 : memref<1x!tpu.dma_semaphore, #tpu.memory_space<semaphore_mem>> -> memref<!tpu.dma_semaphore, #tpu.memory_space<semaphore_mem>>
        %dma_start3A_213 = tpu.memref_slice %arg3[%add3A_209] : memref<320000xi32, #tpu.memory_space<hbm>> -> memref<80xi32, #tpu.memory_space<hbm>>
        tpu.enqueue_dma source(%dma_start3A_213 : memref<80xi32, #tpu.memory_space<hbm>>) target(%arg12 : memref<80xi32, #tpu.memory_space<vmem>>) target_semaphore(%dma_start3A_212 : memref<!tpu.dma_semaphore, #tpu.memory_space<semaphore_mem>>)
        %dma_start3A_214 = arith.constant 2 : i32
        %dma_start3A_215 = tpu.memref_slice %arg4[%add3A_209] : memref<320000xi32, #tpu.memory_space<hbm>> -> memref<80xi32, #tpu.memory_space<hbm>>
        %dma_start3A_216 = tpu.memref_slice %arg26[%dma_start3A_214] : memref<4x!tpu.dma_semaphore, #tpu.memory_space<semaphore_mem>> -> memref<1x!tpu.dma_semaphore, #tpu.memory_space<semaphore_mem>>
        %dma_start3A_217 = tpu.memref_squeeze %dma_start3A_216 : memref<1x!tpu.dma_semaphore, #tpu.memory_space<semaphore_mem>> -> memref<!tpu.dma_semaphore, #tpu.memory_space<semaphore_mem>>
        %dma_start3A_218 = tpu.memref_slice %arg4[%add3A_209] : memref<320000xi32, #tpu.memory_space<hbm>> -> memref<80xi32, #tpu.memory_space<hbm>>
        tpu.enqueue_dma source(%dma_start3A_218 : memref<80xi32, #tpu.memory_space<hbm>>) target(%arg16 : memref<80xi32, #tpu.memory_space<vmem>>) target_semaphore(%dma_start3A_217 : memref<!tpu.dma_semaphore, #tpu.memory_space<semaphore_mem>>)
      } else {
      }
      %sub3A_149 = arith.constant 1 : i32
      %sub3A_150 = arith.subi %add3A_135, %sub3A_149 : i32
      %ge3A_151 = arith.constant 0 : i32
      %ge3A_152 = arith.cmpi sge, %sub3A_150, %ge3A_151 : i32
      %lt3A_153 = arith.constant 125 : i32
      %lt3A_154 = arith.cmpi slt, %sub3A_150, %lt3A_153 : i32
      %and3A_155 = arith.andi %ge3A_152, %lt3A_154 : i1
      %convert_element_type3A_156 = arith.extui %and3A_155 : i1 to i32
      %cond3A_157 = arith.constant 0 : i32
      %cond3A_158 = arith.cmpi ne, %convert_element_type3A_156, %cond3A_157 : i32
      scf.if %cond3A_158 {
        %dma_wait3A = arith.constant 1 : i32
        %dma_wait3A_207 = arith.constant 0 : i32
        %dma_wait3A_208 = tpu.memref_slice %arg3[%dma_wait3A_207] : memref<320000xi32, #tpu.memory_space<hbm>> -> memref<80xi32, #tpu.memory_space<hbm>>
        %dma_wait3A_209 = tpu.memref_slice %arg26[%dma_wait3A] : memref<4x!tpu.dma_semaphore, #tpu.memory_space<semaphore_mem>> -> memref<1x!tpu.dma_semaphore, #tpu.memory_space<semaphore_mem>>
        %dma_wait3A_210 = tpu.memref_squeeze %dma_wait3A_209 : memref<1x!tpu.dma_semaphore, #tpu.memory_space<semaphore_mem>> -> memref<!tpu.dma_semaphore, #tpu.memory_space<semaphore_mem>>
        %dma_wait3A_211 = arith.constant 0 : i32
        %dma_wait3A_212 = tpu.memref_slice %arg3[%dma_wait3A_211] : memref<320000xi32, #tpu.memory_space<hbm>> -> memref<80xi32, #tpu.memory_space<hbm>>
        tpu.wait_dma2 semaphore(%dma_wait3A_210 : memref<!tpu.dma_semaphore, #tpu.memory_space<semaphore_mem>>) src(%dma_wait3A_212 : memref<80xi32, #tpu.memory_space<hbm>>) dst(%arg11 : memref<80xi32, #tpu.memory_space<vmem>>)
        %dma_wait3A_213 = arith.constant 1 : i32
        %dma_wait3A_214 = arith.constant 0 : i32
        %dma_wait3A_215 = tpu.memref_slice %arg4[%dma_wait3A_214] : memref<320000xi32, #tpu.memory_space<hbm>> -> memref<80xi32, #tpu.memory_space<hbm>>
        %dma_wait3A_216 = tpu.memref_slice %arg26[%dma_wait3A_213] : memref<4x!tpu.dma_semaphore, #tpu.memory_space<semaphore_mem>> -> memref<1x!tpu.dma_semaphore, #tpu.memory_space<semaphore_mem>>
        %dma_wait3A_217 = tpu.memref_squeeze %dma_wait3A_216 : memref<1x!tpu.dma_semaphore, #tpu.memory_space<semaphore_mem>> -> memref<!tpu.dma_semaphore, #tpu.memory_space<semaphore_mem>>
        %dma_wait3A_218 = arith.constant 0 : i32
        %dma_wait3A_219 = tpu.memref_slice %arg4[%dma_wait3A_218] : memref<320000xi32, #tpu.memory_space<hbm>> -> memref<80xi32, #tpu.memory_space<hbm>>
        tpu.wait_dma2 semaphore(%dma_wait3A_217 : memref<!tpu.dma_semaphore, #tpu.memory_space<semaphore_mem>>) src(%dma_wait3A_219 : memref<80xi32, #tpu.memory_space<hbm>>) dst(%arg15 : memref<80xi32, #tpu.memory_space<vmem>>)
        %dma_start3A = arith.constant 1 : i32
        %dma_start3A_220 = arith.constant 0 : i32
        %dma_start3A_221 = arith.constant 0 : i32
        %dma_start3A_222 = tpu.memref_slice %arg2[%dma_start3A_220, %dma_start3A_221] : memref<10000x128xf32, #tpu.memory_space<hbm>> -> memref<10000x128xf32, #tpu.memory_space<hbm>>
        %dma_start3A_223 = tpu.memref_slice %arg27[%dma_start3A] : memref<4x!tpu.dma_semaphore, #tpu.memory_space<semaphore_mem>> -> memref<1x!tpu.dma_semaphore, #tpu.memory_space<semaphore_mem>>
        %dma_start3A_224 = tpu.memref_squeeze %dma_start3A_223 : memref<1x!tpu.dma_semaphore, #tpu.memory_space<semaphore_mem>> -> memref<!tpu.dma_semaphore, #tpu.memory_space<semaphore_mem>>
        tpu.enqueue_indirect_dma source(%dma_start3A_222 : memref<10000x128xf32, #tpu.memory_space<hbm>>) target(%arg19 : memref<80x128xf32, #tpu.memory_space<vmem>>) offsets(%arg11 : memref<80xi32, #tpu.memory_space<vmem>>) semaphore(%dma_start3A_224 : memref<!tpu.dma_semaphore, #tpu.memory_space<semaphore_mem>>)
      } else {
      }
      %sub3A_159 = arith.constant 3 : i32
      %sub3A_160 = arith.subi %add3A_135, %sub3A_159 : i32
      %ge3A_161 = arith.constant 0 : i32
      %ge3A_162 = arith.cmpi sge, %sub3A_160, %ge3A_161 : i32
      %lt3A_163 = arith.constant 125 : i32
      %lt3A_164 = arith.cmpi slt, %sub3A_160, %lt3A_163 : i32
      %and3A_165 = arith.andi %ge3A_162, %lt3A_164 : i1
      %convert_element_type3A_166 = arith.extui %and3A_165 : i1 to i32
      %cond3A_167 = arith.constant 0 : i32
      %cond3A_168 = arith.cmpi ne, %convert_element_type3A_166, %cond3A_167 : i32
      scf.if %cond3A_168 {
        %dma_wait3A = arith.constant 3 : i32
        %dma_wait3A_207 = arith.constant 0 : i32
        %dma_wait3A_208 = arith.constant 0 : i32
        %dma_wait3A_209 = tpu.memref_slice %arg2[%dma_wait3A_207, %dma_wait3A_208] : memref<10000x128xf32, #tpu.memory_space<hbm>> -> memref<10000x128xf32, #tpu.memory_space<hbm>>
        %dma_wait3A_210 = tpu.memref_slice %arg27[%dma_wait3A] : memref<4x!tpu.dma_semaphore, #tpu.memory_space<semaphore_mem>> -> memref<1x!tpu.dma_semaphore, #tpu.memory_space<semaphore_mem>>
        %dma_wait3A_211 = tpu.memref_squeeze %dma_wait3A_210 : memref<1x!tpu.dma_semaphore, #tpu.memory_space<semaphore_mem>> -> memref<!tpu.dma_semaphore, #tpu.memory_space<semaphore_mem>>
        tpu.wait_indirect_dma semaphore(%dma_wait3A_211 : memref<!tpu.dma_semaphore, #tpu.memory_space<semaphore_mem>>) src(%dma_wait3A_209 : memref<10000x128xf32, #tpu.memory_space<hbm>>) dst(%arg21 : memref<80x128xf32, #tpu.memory_space<vmem>>)
        %dma_start3A = arith.constant 3 : i32
        %dma_start3A_212 = arith.constant 0 : i32
        %dma_start3A_213 = arith.constant 0 : i32
        %dma_start3A_214 = tpu.memref_slice %arg24[%dma_start3A_212, %dma_start3A_213] : memref<10000x128xf32, #tpu.memory_space<vmem_shared>> -> memref<10000x128xf32, #tpu.memory_space<vmem_shared>>
        %dma_start3A_215 = tpu.memref_slice %arg28[%dma_start3A] : memref<4x!tpu.dma_semaphore, #tpu.memory_space<semaphore_mem>> -> memref<1x!tpu.dma_semaphore, #tpu.memory_space<semaphore_mem>>
        %dma_start3A_216 = tpu.memref_squeeze %dma_start3A_215 : memref<1x!tpu.dma_semaphore, #tpu.memory_space<semaphore_mem>> -> memref<!tpu.dma_semaphore, #tpu.memory_space<semaphore_mem>>
        tpu.enqueue_indirect_dma source(%arg21 : memref<80x128xf32, #tpu.memory_space<vmem>>) target(%dma_start3A_214 : memref<10000x128xf32, #tpu.memory_space<vmem_shared>>) offsets(%arg17 : memref<80xi32, #tpu.memory_space<vmem>>) semaphore(%dma_start3A_216 : memref<!tpu.dma_semaphore, #tpu.memory_space<semaphore_mem>>) {add = true}
        %dma_start3A_217 = arith.constant 3 : i32
        %dma_start3A_218 = arith.constant 0 : i32
        %dma_start3A_219 = tpu.memref_slice %arg25[%dma_start3A_218] : memref<10240xf32, #tpu.memory_space<vmem_shared>> -> memref<10240xf32, #tpu.memory_space<vmem_shared>>
        %dma_start3A_220 = tpu.memref_slice %arg29[%dma_start3A_217] : memref<4x!tpu.dma_semaphore, #tpu.memory_space<semaphore_mem>> -> memref<1x!tpu.dma_semaphore, #tpu.memory_space<semaphore_mem>>
        %dma_start3A_221 = tpu.memref_squeeze %dma_start3A_220 : memref<1x!tpu.dma_semaphore, #tpu.memory_space<semaphore_mem>> -> memref<!tpu.dma_semaphore, #tpu.memory_space<semaphore_mem>>
        tpu.enqueue_indirect_dma source(%arg22 : memref<80xf32, #tpu.memory_space<vmem>>) target(%dma_start3A_219 : memref<10240xf32, #tpu.memory_space<vmem_shared>>) offsets(%arg17 : memref<80xi32, #tpu.memory_space<vmem>>) semaphore(%dma_start3A_221 : memref<!tpu.dma_semaphore, #tpu.memory_space<semaphore_mem>>) {add = true}
      } else {
      }
      %mul3A_169 = arith.constant 4 : i32
      %mul3A_170 = arith.muli %scan3A_60, %mul3A_169 : i32
      %add3A_171 = arith.constant 3 : i32
      %add3A_172 = arith.addi %mul3A_170, %add3A_171 : i32
      %ge3A_173 = arith.constant 4 : i32
      %ge3A_174 = arith.cmpi sge, %add3A_172, %ge3A_173 : i32
      %lt3A_175 = arith.constant 129 : i32
      %lt3A_176 = arith.cmpi slt, %add3A_172, %lt3A_175 : i32
      %and3A_177 = arith.andi %ge3A_174, %lt3A_176 : i1
      %convert_element_type3A_178 = arith.extui %and3A_177 : i1 to i32
      %cond3A_179 = arith.constant 0 : i32
      %cond3A_180 = arith.cmpi ne, %convert_element_type3A_178, %cond3A_179 : i32
      scf.if %cond3A_180 {
        %dma_wait3A = arith.constant 3 : i32
        %dma_wait3A_207 = arith.constant 0 : i32
        %dma_wait3A_208 = arith.constant 0 : i32
        %dma_wait3A_209 = tpu.memref_slice %arg24[%dma_wait3A_207, %dma_wait3A_208] : memref<10000x128xf32, #tpu.memory_space<vmem_shared>> -> memref<10000x128xf32, #tpu.memory_space<vmem_shared>>
        %dma_wait3A_210 = tpu.memref_slice %arg28[%dma_wait3A] : memref<4x!tpu.dma_semaphore, #tpu.memory_space<semaphore_mem>> -> memref<1x!tpu.dma_semaphore, #tpu.memory_space<semaphore_mem>>
        %dma_wait3A_211 = tpu.memref_squeeze %dma_wait3A_210 : memref<1x!tpu.dma_semaphore, #tpu.memory_space<semaphore_mem>> -> memref<!tpu.dma_semaphore, #tpu.memory_space<semaphore_mem>>
        tpu.wait_indirect_dma semaphore(%dma_wait3A_211 : memref<!tpu.dma_semaphore, #tpu.memory_space<semaphore_mem>>) src(%arg21 : memref<80x128xf32, #tpu.memory_space<vmem>>) dst(%dma_wait3A_209 : memref<10000x128xf32, #tpu.memory_space<vmem_shared>>)
        %dma_wait3A_212 = arith.constant 3 : i32
        %dma_wait3A_213 = arith.constant 0 : i32
        %dma_wait3A_214 = tpu.memref_slice %arg25[%dma_wait3A_213] : memref<10240xf32, #tpu.memory_space<vmem_shared>> -> memref<10240xf32, #tpu.memory_space<vmem_shared>>
        %dma_wait3A_215 = tpu.memref_slice %arg29[%dma_wait3A_212] : memref<4x!tpu.dma_semaphore, #tpu.memory_space<semaphore_mem>> -> memref<1x!tpu.dma_semaphore, #tpu.memory_space<semaphore_mem>>
        %dma_wait3A_216 = tpu.memref_squeeze %dma_wait3A_215 : memref<1x!tpu.dma_semaphore, #tpu.memory_space<semaphore_mem>> -> memref<!tpu.dma_semaphore, #tpu.memory_space<semaphore_mem>>
        tpu.wait_indirect_dma semaphore(%dma_wait3A_216 : memref<!tpu.dma_semaphore, #tpu.memory_space<semaphore_mem>>) src(%arg22 : memref<80xf32, #tpu.memory_space<vmem>>) dst(%dma_wait3A_214 : memref<10240xf32, #tpu.memory_space<vmem_shared>>)
      } else {
      }
      %lt3A_181 = arith.constant 125 : i32
      %lt3A_182 = arith.cmpi slt, %add3A_172, %lt3A_181 : i32
      %convert_element_type3A_183 = arith.extui %lt3A_182 : i1 to i32
      %cond3A_184 = arith.constant 0 : i32
      %cond3A_185 = arith.cmpi ne, %convert_element_type3A_183, %cond3A_184 : i32
      scf.if %cond3A_185 {
        %mul3A_207 = arith.constant 80 : i32
        %mul3A_208 = arith.muli %add3A_172, %mul3A_207 : i32
        %add3A_209 = arith.addi %mul3A_34, %mul3A_208 : i32
        %dma_start3A = arith.constant 3 : i32
        %dma_start3A_210 = tpu.memref_slice %arg3[%add3A_209] : memref<320000xi32, #tpu.memory_space<hbm>> -> memref<80xi32, #tpu.memory_space<hbm>>
        %dma_start3A_211 = tpu.memref_slice %arg26[%dma_start3A] : memref<4x!tpu.dma_semaphore, #tpu.memory_space<semaphore_mem>> -> memref<1x!tpu.dma_semaphore, #tpu.memory_space<semaphore_mem>>
        %dma_start3A_212 = tpu.memref_squeeze %dma_start3A_211 : memref<1x!tpu.dma_semaphore, #tpu.memory_space<semaphore_mem>> -> memref<!tpu.dma_semaphore, #tpu.memory_space<semaphore_mem>>
        %dma_start3A_213 = tpu.memref_slice %arg3[%add3A_209] : memref<320000xi32, #tpu.memory_space<hbm>> -> memref<80xi32, #tpu.memory_space<hbm>>
        tpu.enqueue_dma source(%dma_start3A_213 : memref<80xi32, #tpu.memory_space<hbm>>) target(%arg13 : memref<80xi32, #tpu.memory_space<vmem>>) target_semaphore(%dma_start3A_212 : memref<!tpu.dma_semaphore, #tpu.memory_space<semaphore_mem>>)
        %dma_start3A_214 = arith.constant 3 : i32
        %dma_start3A_215 = tpu.memref_slice %arg4[%add3A_209] : memref<320000xi32, #tpu.memory_space<hbm>> -> memref<80xi32, #tpu.memory_space<hbm>>
        %dma_start3A_216 = tpu.memref_slice %arg26[%dma_start3A_214] : memref<4x!tpu.dma_semaphore, #tpu.memory_space<semaphore_mem>> -> memref<1x!tpu.dma_semaphore, #tpu.memory_space<semaphore_mem>>
        %dma_start3A_217 = tpu.memref_squeeze %dma_start3A_216 : memref<1x!tpu.dma_semaphore, #tpu.memory_space<semaphore_mem>> -> memref<!tpu.dma_semaphore, #tpu.memory_space<semaphore_mem>>
        %dma_start3A_218 = tpu.memref_slice %arg4[%add3A_209] : memref<320000xi32, #tpu.memory_space<hbm>> -> memref<80xi32, #tpu.memory_space<hbm>>
        tpu.enqueue_dma source(%dma_start3A_218 : memref<80xi32, #tpu.memory_space<hbm>>) target(%arg17 : memref<80xi32, #tpu.memory_space<vmem>>) target_semaphore(%dma_start3A_217 : memref<!tpu.dma_semaphore, #tpu.memory_space<semaphore_mem>>)
      } else {
      }
      %sub3A_186 = arith.constant 1 : i32
      %sub3A_187 = arith.subi %add3A_172, %sub3A_186 : i32
      %ge3A_188 = arith.constant 0 : i32
      %ge3A_189 = arith.cmpi sge, %sub3A_187, %ge3A_188 : i32
      %lt3A_190 = arith.constant 125 : i32
      %lt3A_191 = arith.cmpi slt, %sub3A_187, %lt3A_190 : i32
      %and3A_192 = arith.andi %ge3A_189, %lt3A_191 : i1
      %convert_element_type3A_193 = arith.extui %and3A_192 : i1 to i32
      %cond3A_194 = arith.constant 0 : i32
      %cond3A_195 = arith.cmpi ne, %convert_element_type3A_193, %cond3A_194 : i32
      scf.if %cond3A_195 {
        %dma_wait3A = arith.constant 2 : i32
        %dma_wait3A_207 = arith.constant 0 : i32
        %dma_wait3A_208 = tpu.memref_slice %arg3[%dma_wait3A_207] : memref<320000xi32, #tpu.memory_space<hbm>> -> memref<80xi32, #tpu.memory_space<hbm>>
        %dma_wait3A_209 = tpu.memref_slice %arg26[%dma_wait3A] : memref<4x!tpu.dma_semaphore, #tpu.memory_space<semaphore_mem>> -> memref<1x!tpu.dma_semaphore, #tpu.memory_space<semaphore_mem>>
        %dma_wait3A_210 = tpu.memref_squeeze %dma_wait3A_209 : memref<1x!tpu.dma_semaphore, #tpu.memory_space<semaphore_mem>> -> memref<!tpu.dma_semaphore, #tpu.memory_space<semaphore_mem>>
        %dma_wait3A_211 = arith.constant 0 : i32
        %dma_wait3A_212 = tpu.memref_slice %arg3[%dma_wait3A_211] : memref<320000xi32, #tpu.memory_space<hbm>> -> memref<80xi32, #tpu.memory_space<hbm>>
        tpu.wait_dma2 semaphore(%dma_wait3A_210 : memref<!tpu.dma_semaphore, #tpu.memory_space<semaphore_mem>>) src(%dma_wait3A_212 : memref<80xi32, #tpu.memory_space<hbm>>) dst(%arg12 : memref<80xi32, #tpu.memory_space<vmem>>)
        %dma_wait3A_213 = arith.constant 2 : i32
        %dma_wait3A_214 = arith.constant 0 : i32
        %dma_wait3A_215 = tpu.memref_slice %arg4[%dma_wait3A_214] : memref<320000xi32, #tpu.memory_space<hbm>> -> memref<80xi32, #tpu.memory_space<hbm>>
        %dma_wait3A_216 = tpu.memref_slice %arg26[%dma_wait3A_213] : memref<4x!tpu.dma_semaphore, #tpu.memory_space<semaphore_mem>> -> memref<1x!tpu.dma_semaphore, #tpu.memory_space<semaphore_mem>>
        %dma_wait3A_217 = tpu.memref_squeeze %dma_wait3A_216 : memref<1x!tpu.dma_semaphore, #tpu.memory_space<semaphore_mem>> -> memref<!tpu.dma_semaphore, #tpu.memory_space<semaphore_mem>>
        %dma_wait3A_218 = arith.constant 0 : i32
        %dma_wait3A_219 = tpu.memref_slice %arg4[%dma_wait3A_218] : memref<320000xi32, #tpu.memory_space<hbm>> -> memref<80xi32, #tpu.memory_space<hbm>>
        tpu.wait_dma2 semaphore(%dma_wait3A_217 : memref<!tpu.dma_semaphore, #tpu.memory_space<semaphore_mem>>) src(%dma_wait3A_219 : memref<80xi32, #tpu.memory_space<hbm>>) dst(%arg16 : memref<80xi32, #tpu.memory_space<vmem>>)
        %dma_start3A = arith.constant 2 : i32
        %dma_start3A_220 = arith.constant 0 : i32
        %dma_start3A_221 = arith.constant 0 : i32
        %dma_start3A_222 = tpu.memref_slice %arg2[%dma_start3A_220, %dma_start3A_221] : memref<10000x128xf32, #tpu.memory_space<hbm>> -> memref<10000x128xf32, #tpu.memory_space<hbm>>
        %dma_start3A_223 = tpu.memref_slice %arg27[%dma_start3A] : memref<4x!tpu.dma_semaphore, #tpu.memory_space<semaphore_mem>> -> memref<1x!tpu.dma_semaphore, #tpu.memory_space<semaphore_mem>>
        %dma_start3A_224 = tpu.memref_squeeze %dma_start3A_223 : memref<1x!tpu.dma_semaphore, #tpu.memory_space<semaphore_mem>> -> memref<!tpu.dma_semaphore, #tpu.memory_space<semaphore_mem>>
        tpu.enqueue_indirect_dma source(%dma_start3A_222 : memref<10000x128xf32, #tpu.memory_space<hbm>>) target(%arg20 : memref<80x128xf32, #tpu.memory_space<vmem>>) offsets(%arg12 : memref<80xi32, #tpu.memory_space<vmem>>) semaphore(%dma_start3A_224 : memref<!tpu.dma_semaphore, #tpu.memory_space<semaphore_mem>>)
      } else {
      }
      %sub3A_196 = arith.constant 3 : i32
      %sub3A_197 = arith.subi %add3A_172, %sub3A_196 : i32
      %ge3A_198 = arith.constant 0 : i32
      %ge3A_199 = arith.cmpi sge, %sub3A_197, %ge3A_198 : i32
      %lt3A_200 = arith.constant 125 : i32
      %lt3A_201 = arith.cmpi slt, %sub3A_197, %lt3A_200 : i32
      %and3A_202 = arith.andi %ge3A_199, %lt3A_201 : i1
      %convert_element_type3A_203 = arith.extui %and3A_202 : i1 to i32
      %cond3A_204 = arith.constant 0 : i32
      %cond3A_205 = arith.cmpi ne, %convert_element_type3A_203, %cond3A_204 : i32
      scf.if %cond3A_205 {
        %dma_wait3A = arith.constant 0 : i32
        %dma_wait3A_207 = arith.constant 0 : i32
        %dma_wait3A_208 = arith.constant 0 : i32
        %dma_wait3A_209 = tpu.memref_slice %arg2[%dma_wait3A_207, %dma_wait3A_208] : memref<10000x128xf32, #tpu.memory_space<hbm>> -> memref<10000x128xf32, #tpu.memory_space<hbm>>
        %dma_wait3A_210 = tpu.memref_slice %arg27[%dma_wait3A] : memref<4x!tpu.dma_semaphore, #tpu.memory_space<semaphore_mem>> -> memref<1x!tpu.dma_semaphore, #tpu.memory_space<semaphore_mem>>
        %dma_wait3A_211 = tpu.memref_squeeze %dma_wait3A_210 : memref<1x!tpu.dma_semaphore, #tpu.memory_space<semaphore_mem>> -> memref<!tpu.dma_semaphore, #tpu.memory_space<semaphore_mem>>
        tpu.wait_indirect_dma semaphore(%dma_wait3A_211 : memref<!tpu.dma_semaphore, #tpu.memory_space<semaphore_mem>>) src(%dma_wait3A_209 : memref<10000x128xf32, #tpu.memory_space<hbm>>) dst(%arg18 : memref<80x128xf32, #tpu.memory_space<vmem>>)
        %dma_start3A = arith.constant 0 : i32
        %dma_start3A_212 = arith.constant 0 : i32
        %dma_start3A_213 = arith.constant 0 : i32
        %dma_start3A_214 = tpu.memref_slice %arg24[%dma_start3A_212, %dma_start3A_213] : memref<10000x128xf32, #tpu.memory_space<vmem_shared>> -> memref<10000x128xf32, #tpu.memory_space<vmem_shared>>
        %dma_start3A_215 = tpu.memref_slice %arg28[%dma_start3A] : memref<4x!tpu.dma_semaphore, #tpu.memory_space<semaphore_mem>> -> memref<1x!tpu.dma_semaphore, #tpu.memory_space<semaphore_mem>>
        %dma_start3A_216 = tpu.memref_squeeze %dma_start3A_215 : memref<1x!tpu.dma_semaphore, #tpu.memory_space<semaphore_mem>> -> memref<!tpu.dma_semaphore, #tpu.memory_space<semaphore_mem>>
        tpu.enqueue_indirect_dma source(%arg18 : memref<80x128xf32, #tpu.memory_space<vmem>>) target(%dma_start3A_214 : memref<10000x128xf32, #tpu.memory_space<vmem_shared>>) offsets(%arg14 : memref<80xi32, #tpu.memory_space<vmem>>) semaphore(%dma_start3A_216 : memref<!tpu.dma_semaphore, #tpu.memory_space<semaphore_mem>>) {add = true}
        %dma_start3A_217 = arith.constant 0 : i32
        %dma_start3A_218 = arith.constant 0 : i32
        %dma_start3A_219 = tpu.memref_slice %arg25[%dma_start3A_218] : memref<10240xf32, #tpu.memory_space<vmem_shared>> -> memref<10240xf32, #tpu.memory_space<vmem_shared>>
        %dma_start3A_220 = tpu.memref_slice %arg29[%dma_start3A_217] : memref<4x!tpu.dma_semaphore, #tpu.memory_space<semaphore_mem>> -> memref<1x!tpu.dma_semaphore, #tpu.memory_space<semaphore_mem>>
        %dma_start3A_221 = tpu.memref_squeeze %dma_start3A_220 : memref<1x!tpu.dma_semaphore, #tpu.memory_space<semaphore_mem>> -> memref<!tpu.dma_semaphore, #tpu.memory_space<semaphore_mem>>
        tpu.enqueue_indirect_dma source(%arg22 : memref<80xf32, #tpu.memory_space<vmem>>) target(%dma_start3A_219 : memref<10240xf32, #tpu.memory_space<vmem_shared>>) offsets(%arg14 : memref<80xi32, #tpu.memory_space<vmem>>) semaphore(%dma_start3A_221 : memref<!tpu.dma_semaphore, #tpu.memory_space<semaphore_mem>>) {add = true}
      } else {
      }
      %scan3A_206 = arith.constant 0 : i32
      scf.yield %scan3A_206 : i32
    }
    %scan3A_41 = arith.constant 32 : i32
    %barrier3A_42 = arith.constant 0 : index
    tpu.barrier barrier_id(%barrier3A_42)
    %eq3A = arith.constant 0 : i32
    %eq3A_43 = arith.cmpi eq, %arg0, %eq3A : i32
    %convert_element_type3A = arith.extui %eq3A_43 : i1 to i32
    %cond3A = arith.constant 0 : i32
    %cond3A_44 = arith.cmpi ne, %convert_element_type3A, %cond3A : i32
    scf.if %cond3A_44 {
      %mul3A_60 = arith.constant 640 : i32
      %mul3A_61 = arith.muli %arg1, %mul3A_60 : i32
      %mul3A_62 = arith.constant 640 : i32
      %mul3A_63 = arith.muli %arg1, %mul3A_62 : i32
      "tpu.region"() ({
        %run_scoped3A = tpu.sem_alloc : memref<!tpu.dma_semaphore, #tpu.memory_space<semaphore_mem>>
        %dma_start3A = tpu.memref_slice %arg8[%mul3A_63] : memref<10240xf32, #tpu.memory_space<hbm>> -> memref<640xf32, #tpu.memory_space<hbm>>
        %dma_start3A_64 = tpu.memref_slice %arg25[%mul3A_61] : memref<10240xf32, #tpu.memory_space<vmem_shared>> -> memref<640xf32, #tpu.memory_space<vmem_shared>>
        tpu.enqueue_dma source(%dma_start3A_64 : memref<640xf32, #tpu.memory_space<vmem_shared>>) target(%dma_start3A : memref<640xf32, #tpu.memory_space<hbm>>) target_semaphore(%run_scoped3A : memref<!tpu.dma_semaphore, #tpu.memory_space<semaphore_mem>>)
        %dma_wait3A = tpu.memref_slice %arg8[%mul3A_63] : memref<10240xf32, #tpu.memory_space<hbm>> -> memref<640xf32, #tpu.memory_space<hbm>>
        %dma_wait3A_65 = tpu.memref_slice %arg25[%mul3A_61] : memref<10240xf32, #tpu.memory_space<vmem_shared>> -> memref<640xf32, #tpu.memory_space<vmem_shared>>
        tpu.wait_dma2 semaphore(%run_scoped3A : memref<!tpu.dma_semaphore, #tpu.memory_space<semaphore_mem>>) src(%dma_wait3A_65 : memref<640xf32, #tpu.memory_space<vmem_shared>>) dst(%dma_wait3A : memref<640xf32, #tpu.memory_space<hbm>>)
        tpu.yield
      }) : () -> ()
    } else {
    }
    %eq3A_45 = arith.constant 1 : i32
    %eq3A_46 = arith.cmpi eq, %arg0, %eq3A_45 : i32
    %convert_element_type3A_47 = arith.extui %eq3A_46 : i1 to i32
    %cond3A_48 = arith.constant 0 : i32
    %cond3A_49 = arith.cmpi ne, %convert_element_type3A_47, %cond3A_48 : i32
    scf.if %cond3A_49 {
      %mul3A_60 = arith.constant 640 : i32
      %mul3A_61 = arith.muli %arg1, %mul3A_60 : i32
      %mul3A_62 = arith.constant 640 : i32
      %mul3A_63 = arith.muli %arg1, %mul3A_62 : i32
      "tpu.region"() ({
        %run_scoped3A = tpu.sem_alloc : memref<!tpu.dma_semaphore, #tpu.memory_space<semaphore_mem>>
        %dma_start3A = tpu.memref_slice %arg9[%mul3A_63] : memref<10240xf32, #tpu.memory_space<hbm>> -> memref<640xf32, #tpu.memory_space<hbm>>
        %dma_start3A_64 = tpu.memref_slice %arg25[%mul3A_61] : memref<10240xf32, #tpu.memory_space<vmem_shared>> -> memref<640xf32, #tpu.memory_space<vmem_shared>>
        tpu.enqueue_dma source(%dma_start3A_64 : memref<640xf32, #tpu.memory_space<vmem_shared>>) target(%dma_start3A : memref<640xf32, #tpu.memory_space<hbm>>) target_semaphore(%run_scoped3A : memref<!tpu.dma_semaphore, #tpu.memory_space<semaphore_mem>>)
        %dma_wait3A = tpu.memref_slice %arg9[%mul3A_63] : memref<10240xf32, #tpu.memory_space<hbm>> -> memref<640xf32, #tpu.memory_space<hbm>>
        %dma_wait3A_65 = tpu.memref_slice %arg25[%mul3A_61] : memref<10240xf32, #tpu.memory_space<vmem_shared>> -> memref<640xf32, #tpu.memory_space<vmem_shared>>
        tpu.wait_dma2 semaphore(%run_scoped3A : memref<!tpu.dma_semaphore, #tpu.memory_space<semaphore_mem>>) src(%dma_wait3A_65 : memref<640xf32, #tpu.memory_space<vmem_shared>>) dst(%dma_wait3A : memref<640xf32, #tpu.memory_space<hbm>>)
        tpu.yield
      }) : () -> ()
    } else {
    }
    %eq3A_50 = arith.constant 0 : i32
    %eq3A_51 = arith.cmpi eq, %arg0, %eq3A_50 : i32
    %convert_element_type3A_52 = arith.extui %eq3A_51 : i1 to i32
    %cond3A_53 = arith.constant 0 : i32
    %cond3A_54 = arith.cmpi ne, %convert_element_type3A_52, %cond3A_53 : i32
    scf.if %cond3A_54 {
      %scan3A_60 = arith.constant 0 : i32
      %scan3A_61 = arith.constant 0 : i32
      %scan3A_62 = arith.constant 8 : i32
      %scan3A_63 = arith.addi %scan3A_61, %scan3A_62 : i32
      %scan3A_64 = arith.constant 1 : i32
      %scan3A_65 = scf.for %scan3A_74 = %scan3A_61 to %scan3A_63 step %scan3A_64 iter_args(%scan3A_75 = %scan3A_60) -> (i32)  : i32 {
        %mul3A_76 = arith.constant 16 : i32
        %mul3A_77 = arith.muli %scan3A_74, %mul3A_76 : i32
        %add3A_78 = arith.addi %mul3A_77, %arg1 : i32
        %lt3A = arith.constant 125 : i32
        %lt3A_79 = arith.cmpi slt, %add3A_78, %lt3A : i32
        %convert_element_type3A_80 = arith.extui %lt3A_79 : i1 to i32
        %cond3A_81 = arith.constant 0 : i32
        %cond3A_82 = arith.cmpi ne, %convert_element_type3A_80, %cond3A_81 : i32
        scf.if %cond3A_82 {
          %mul3A_84 = arith.constant 80 : i32
          %mul3A_85 = arith.muli %add3A_78, %mul3A_84 : i32
          %mul3A_86 = arith.constant 80 : i32
          %mul3A_87 = arith.muli %add3A_78, %mul3A_86 : i32
          %dma_start3A = arith.constant 0 : i32
          %dma_start3A_88 = tpu.memref_slice %arg6[%mul3A_87, %dma_start3A] : memref<10000x128xf32, #tpu.memory_space<hbm>> -> memref<80x128xf32, #tpu.memory_space<hbm>>
          %dma_start3A_89 = arith.constant 0 : i32
          %dma_start3A_90 = tpu.memref_slice %arg24[%mul3A_85, %dma_start3A_89] : memref<10000x128xf32, #tpu.memory_space<vmem_shared>> -> memref<80x128xf32, #tpu.memory_space<vmem_shared>>
          tpu.enqueue_dma source(%dma_start3A_90 : memref<80x128xf32, #tpu.memory_space<vmem_shared>>) target(%dma_start3A_88 : memref<80x128xf32, #tpu.memory_space<hbm>>) target_semaphore(%arg30 : memref<!tpu.dma_semaphore, #tpu.memory_space<semaphore_mem>>)
        } else {
        }
        %scan3A_83 = arith.constant 0 : i32
        scf.yield %scan3A_83 : i32
      }
      %scan3A_66 = arith.constant 8 : i32
      %scan3A_67 = arith.constant 0 : i32
      %scan3A_68 = arith.constant 0 : i32
      %scan3A_69 = arith.constant 8 : i32
      %scan3A_70 = arith.addi %scan3A_68, %scan3A_69 : i32
      %scan3A_71 = arith.constant 1 : i32
      %scan3A_72 = scf.for %scan3A_74 = %scan3A_68 to %scan3A_70 step %scan3A_71 iter_args(%scan3A_75 = %scan3A_67) -> (i32)  : i32 {
        %mul3A_76 = arith.constant 16 : i32
        %mul3A_77 = arith.muli %scan3A_74, %mul3A_76 : i32
        %add3A_78 = arith.addi %mul3A_77, %arg1 : i32
        %lt3A = arith.constant 125 : i32
        %lt3A_79 = arith.cmpi slt, %add3A_78, %lt3A : i32
        %convert_element_type3A_80 = arith.extui %lt3A_79 : i1 to i32
        %cond3A_81 = arith.constant 0 : i32
        %cond3A_82 = arith.cmpi ne, %convert_element_type3A_80, %cond3A_81 : i32
        scf.if %cond3A_82 {
          %mul3A_84 = arith.constant 80 : i32
          %mul3A_85 = arith.muli %add3A_78, %mul3A_84 : i32
          %mul3A_86 = arith.constant 80 : i32
          %mul3A_87 = arith.muli %add3A_78, %mul3A_86 : i32
          %dma_wait3A = arith.constant 0 : i32
          %dma_wait3A_88 = tpu.memref_slice %arg6[%mul3A_87, %dma_wait3A] : memref<10000x128xf32, #tpu.memory_space<hbm>> -> memref<80x128xf32, #tpu.memory_space<hbm>>
          %dma_wait3A_89 = arith.constant 0 : i32
          %dma_wait3A_90 = tpu.memref_slice %arg24[%mul3A_85, %dma_wait3A_89] : memref<10000x128xf32, #tpu.memory_space<vmem_shared>> -> memref<80x128xf32, #tpu.memory_space<vmem_shared>>
          tpu.wait_dma2 semaphore(%arg30 : memref<!tpu.dma_semaphore, #tpu.memory_space<semaphore_mem>>) src(%dma_wait3A_90 : memref<80x128xf32, #tpu.memory_space<vmem_shared>>) dst(%dma_wait3A_88 : memref<80x128xf32, #tpu.memory_space<hbm>>)
        } else {
        }
        %scan3A_83 = arith.constant 0 : i32
        scf.yield %scan3A_83 : i32
      }
      %scan3A_73 = arith.constant 8 : i32
    } else {
    }
    %eq3A_55 = arith.constant 1 : i32
    %eq3A_56 = arith.cmpi eq, %arg0, %eq3A_55 : i32
    %convert_element_type3A_57 = arith.extui %eq3A_56 : i1 to i32
    %cond3A_58 = arith.constant 0 : i32
    %cond3A_59 = arith.cmpi ne, %convert_element_type3A_57, %cond3A_58 : i32
    scf.if %cond3A_59 {
      %scan3A_60 = arith.constant 0 : i32
      %scan3A_61 = arith.constant 0 : i32
      %scan3A_62 = arith.constant 8 : i32
      %scan3A_63 = arith.addi %scan3A_61, %scan3A_62 : i32
      %scan3A_64 = arith.constant 1 : i32
      %scan3A_65 = scf.for %scan3A_74 = %scan3A_61 to %scan3A_63 step %scan3A_64 iter_args(%scan3A_75 = %scan3A_60) -> (i32)  : i32 {
        %mul3A_76 = arith.constant 16 : i32
        %mul3A_77 = arith.muli %scan3A_74, %mul3A_76 : i32
        %add3A_78 = arith.addi %mul3A_77, %arg1 : i32
        %lt3A = arith.constant 125 : i32
        %lt3A_79 = arith.cmpi slt, %add3A_78, %lt3A : i32
        %convert_element_type3A_80 = arith.extui %lt3A_79 : i1 to i32
        %cond3A_81 = arith.constant 0 : i32
        %cond3A_82 = arith.cmpi ne, %convert_element_type3A_80, %cond3A_81 : i32
        scf.if %cond3A_82 {
          %mul3A_84 = arith.constant 80 : i32
          %mul3A_85 = arith.muli %add3A_78, %mul3A_84 : i32
          %mul3A_86 = arith.constant 80 : i32
          %mul3A_87 = arith.muli %add3A_78, %mul3A_86 : i32
          %dma_start3A = arith.constant 0 : i32
          %dma_start3A_88 = tpu.memref_slice %arg7[%mul3A_87, %dma_start3A] : memref<10000x128xf32, #tpu.memory_space<hbm>> -> memref<80x128xf32, #tpu.memory_space<hbm>>
          %dma_start3A_89 = arith.constant 0 : i32
          %dma_start3A_90 = tpu.memref_slice %arg24[%mul3A_85, %dma_start3A_89] : memref<10000x128xf32, #tpu.memory_space<vmem_shared>> -> memref<80x128xf32, #tpu.memory_space<vmem_shared>>
          tpu.enqueue_dma source(%dma_start3A_90 : memref<80x128xf32, #tpu.memory_space<vmem_shared>>) target(%dma_start3A_88 : memref<80x128xf32, #tpu.memory_space<hbm>>) target_semaphore(%arg30 : memref<!tpu.dma_semaphore, #tpu.memory_space<semaphore_mem>>)
        } else {
        }
        %scan3A_83 = arith.constant 0 : i32
        scf.yield %scan3A_83 : i32
      }
      %scan3A_66 = arith.constant 8 : i32
      %scan3A_67 = arith.constant 0 : i32
      %scan3A_68 = arith.constant 0 : i32
      %scan3A_69 = arith.constant 8 : i32
      %scan3A_70 = arith.addi %scan3A_68, %scan3A_69 : i32
      %scan3A_71 = arith.constant 1 : i32
      %scan3A_72 = scf.for %scan3A_74 = %scan3A_68 to %scan3A_70 step %scan3A_71 iter_args(%scan3A_75 = %scan3A_67) -> (i32)  : i32 {
        %mul3A_76 = arith.constant 16 : i32
        %mul3A_77 = arith.muli %scan3A_74, %mul3A_76 : i32
        %add3A_78 = arith.addi %mul3A_77, %arg1 : i32
        %lt3A = arith.constant 125 : i32
        %lt3A_79 = arith.cmpi slt, %add3A_78, %lt3A : i32
        %convert_element_type3A_80 = arith.extui %lt3A_79 : i1 to i32
        %cond3A_81 = arith.constant 0 : i32
        %cond3A_82 = arith.cmpi ne, %convert_element_type3A_80, %cond3A_81 : i32
        scf.if %cond3A_82 {
          %mul3A_84 = arith.constant 80 : i32
          %mul3A_85 = arith.muli %add3A_78, %mul3A_84 : i32
          %mul3A_86 = arith.constant 80 : i32
          %mul3A_87 = arith.muli %add3A_78, %mul3A_86 : i32
          %dma_wait3A = arith.constant 0 : i32
          %dma_wait3A_88 = tpu.memref_slice %arg7[%mul3A_87, %dma_wait3A] : memref<10000x128xf32, #tpu.memory_space<hbm>> -> memref<80x128xf32, #tpu.memory_space<hbm>>
          %dma_wait3A_89 = arith.constant 0 : i32
          %dma_wait3A_90 = tpu.memref_slice %arg24[%mul3A_85, %dma_wait3A_89] : memref<10000x128xf32, #tpu.memory_space<vmem_shared>> -> memref<80x128xf32, #tpu.memory_space<vmem_shared>>
          tpu.wait_dma2 semaphore(%arg30 : memref<!tpu.dma_semaphore, #tpu.memory_space<semaphore_mem>>) src(%dma_wait3A_90 : memref<80x128xf32, #tpu.memory_space<vmem_shared>>) dst(%dma_wait3A_88 : memref<80x128xf32, #tpu.memory_space<hbm>>)
        } else {
        }
        %scan3A_83 = arith.constant 0 : i32
        scf.yield %scan3A_83 : i32
      }
      %scan3A_73 = arith.constant 8 : i32
    } else {
    }
    return
  }
}

#map = affine_map<(d0, d1) -> (0, 0)>
#map1 = affine_map<(d0, d1) -> (0)>
module attributes {stable_mosaic.version = 14 : i64} {
  func.func @k1(%arg0: i32, %arg1: i32, %arg2: memref<10000x128xf32, #tpu.memory_space<hbm>>, %arg3: memref<320000xi32, #tpu.memory_space<hbm>>, %arg4: memref<10000x128xf32, #tpu.memory_space<hbm>>, %arg5: memref<20000xi32, #tpu.memory_space<vmem>>, %arg6: memref<10240xf32, #tpu.memory_space<vmem>>, %arg7: memref<10240xf32, #tpu.memory_space<vmem>>, %arg8: memref<10240xf32, #tpu.memory_space<vmem>>, %arg9: memref<640xf32, #tpu.memory_space<vmem>>, %arg10: memref<80x128xf32, #tpu.memory_space<vmem>>, %arg11: memref<80x128xf32, #tpu.memory_space<vmem>>, %arg12: memref<163840xf32, #tpu.memory_space<vmem_shared>>, %arg13: memref<10240xf32, #tpu.memory_space<vmem_shared>>, %arg14: memref<!tpu.dma_semaphore, #tpu.memory_space<semaphore_mem>>, %arg15: memref<2x!tpu.dma_semaphore, #tpu.memory_space<semaphore_mem>>, %arg16: memref<2x!tpu.dma_semaphore, #tpu.memory_space<semaphore_mem>>) attributes {dimension_semantics = [#tpu.dimension_semantics<core_parallel>, #tpu.dimension_semantics<subcore_parallel>], iteration_bounds = array<i64: 2, 16>, scalar_prefetch = 0 : i64, scratch_operands = 12 : i64, tpu.core_type = #tpu.core_type<sc_vector_subcore>, window_params = [{transform_indices = #map}, {transform_indices = #map1}, {transform_indices = #map}]} {
    %mul3A = arith.constant 16 : i32
    %mul3A_0 = arith.muli %arg0, %mul3A : i32
    %add3A = arith.addi %mul3A_0, %arg1 : i32
    %broadcast_in_dim3A = arith.constant 1.000000e+00 : f32
    %broadcast_in_dim3A_1 = vector.broadcast %broadcast_in_dim3A : f32 to vector<16xf32>
    %broadcast_in_dim3A_2 = arith.constant 0.000000e+00 : f32
    %broadcast_in_dim3A_3 = vector.broadcast %broadcast_in_dim3A_2 : f32 to vector<16xf32>
    %mul3A_4 = arith.constant 20000 : i32
    %mul3A_5 = arith.muli %arg1, %mul3A_4 : i32
    %dma_start3A = tpu.memref_slice %arg3[%mul3A_5] : memref<320000xi32, #tpu.memory_space<hbm>> -> memref<20000xi32, #tpu.memory_space<hbm>>
    %dma_start3A_6 = tpu.memref_slice %arg3[%mul3A_5] : memref<320000xi32, #tpu.memory_space<hbm>> -> memref<20000xi32, #tpu.memory_space<hbm>>
    tpu.enqueue_dma source(%dma_start3A_6 : memref<20000xi32, #tpu.memory_space<hbm>>) target(%arg5 : memref<20000xi32, #tpu.memory_space<vmem>>) target_semaphore(%arg14 : memref<!tpu.dma_semaphore, #tpu.memory_space<semaphore_mem>>)
    %scan3A = arith.constant 0 : i32
    %scan3A_7 = arith.constant 0 : i32
    %scan3A_8 = arith.constant 640 : i32
    %scan3A_9 = arith.addi %scan3A_7, %scan3A_8 : i32
    %scan3A_10 = arith.constant 1 : i32
    %scan3A_11 = scf.for %scan3A_436 = %scan3A_7 to %scan3A_9 step %scan3A_10 iter_args(%scan3A_437 = %scan3A) -> (i32)  : i32 {
      %mul3A_438 = arith.constant 16 : i32
      %mul3A_439 = arith.muli %scan3A_436, %mul3A_438 : i32
      %swap3A = arith.index_cast %mul3A_439 : i32 to index
      %swap3A_440 = tpu.vector_load %arg6[%swap3A] {strides = array<i32>} : memref<10240xf32, #tpu.memory_space<vmem>>, vector<16xf32>,
      tpu.vector_store %arg6[%swap3A], %broadcast_in_dim3A_3 {strides = array<i32>} : memref<10240xf32, #tpu.memory_space<vmem>>, vector<16xf32>,
      %scan3A_441 = arith.constant 0 : i32
      scf.yield %scan3A_441 : i32
    }
    %scan3A_12 = arith.constant 640 : i32
    %mul3A_13 = arith.constant 20000 : i32
    %mul3A_14 = arith.muli %arg1, %mul3A_13 : i32
    %dma_wait3A = tpu.memref_slice %arg3[%mul3A_14] : memref<320000xi32, #tpu.memory_space<hbm>> -> memref<20000xi32, #tpu.memory_space<hbm>>
    %dma_wait3A_15 = tpu.memref_slice %arg3[%mul3A_14] : memref<320000xi32, #tpu.memory_space<hbm>> -> memref<20000xi32, #tpu.memory_space<hbm>>
    tpu.wait_dma2 semaphore(%arg14 : memref<!tpu.dma_semaphore, #tpu.memory_space<semaphore_mem>>) src(%dma_wait3A_15 : memref<20000xi32, #tpu.memory_space<hbm>>) dst(%arg5 : memref<20000xi32, #tpu.memory_space<vmem>>)
    %scan3A_16 = arith.constant 0 : i32
    %scan3A_17 = arith.constant 0 : i32
    %scan3A_18 = arith.constant 1250 : i32
    %scan3A_19 = arith.addi %scan3A_17, %scan3A_18 : i32
    %scan3A_20 = arith.constant 1 : i32
    %scan3A_21 = scf.for %scan3A_436 = %scan3A_17 to %scan3A_19 step %scan3A_20 iter_args(%scan3A_437 = %scan3A_16) -> (i32)  : i32 {
      %mul3A_438 = arith.constant 16 : i32
      %mul3A_439 = arith.muli %scan3A_436, %mul3A_438 : i32
      %get3A = arith.index_cast %mul3A_439 : i32 to index
      %get3A_440 = tpu.vector_load %arg5[%get3A] {strides = array<i32>} : memref<20000xi32, #tpu.memory_space<vmem>>, vector<16xi32>,
      tpu.vector_store_idx %arg6[%get3A_440], %broadcast_in_dim3A_1 {add = true} : memref<10240xf32, #tpu.memory_space<vmem>>[vector<16xi32>], vector<16xf32>,
      %scan3A_441 = arith.constant 0 : i32
      scf.yield %scan3A_441 : i32
    }
    %scan3A_22 = arith.constant 1250 : i32
    %mul3A_23 = arith.constant 10240 : i32
    %mul3A_24 = arith.muli %arg1, %mul3A_23 : i32
    "tpu.region"() ({
      %run_scoped3A = tpu.sem_alloc : memref<!tpu.dma_semaphore, #tpu.memory_space<semaphore_mem>>
      %dma_start3A_436 = tpu.memref_slice %arg12[%mul3A_24] : memref<163840xf32, #tpu.memory_space<vmem_shared>> -> memref<10240xf32, #tpu.memory_space<vmem_shared>>
      %dma_start3A_437 = tpu.memref_slice %arg12[%mul3A_24] : memref<163840xf32, #tpu.memory_space<vmem_shared>> -> memref<10240xf32, #tpu.memory_space<vmem_shared>>
      tpu.enqueue_dma source(%arg6 : memref<10240xf32, #tpu.memory_space<vmem>>) target(%dma_start3A_437 : memref<10240xf32, #tpu.memory_space<vmem_shared>>) target_semaphore(%run_scoped3A : memref<!tpu.dma_semaphore, #tpu.memory_space<semaphore_mem>>)
      %dma_wait3A_438 = tpu.memref_slice %arg12[%mul3A_24] : memref<163840xf32, #tpu.memory_space<vmem_shared>> -> memref<10240xf32, #tpu.memory_space<vmem_shared>>
      %dma_wait3A_439 = tpu.memref_slice %arg12[%mul3A_24] : memref<163840xf32, #tpu.memory_space<vmem_shared>> -> memref<10240xf32, #tpu.memory_space<vmem_shared>>
      tpu.wait_dma2 semaphore(%run_scoped3A : memref<!tpu.dma_semaphore, #tpu.memory_space<semaphore_mem>>) src(%arg6 : memref<10240xf32, #tpu.memory_space<vmem>>) dst(%dma_wait3A_439 : memref<10240xf32, #tpu.memory_space<vmem_shared>>)
      tpu.yield
    }) : () -> ()
    %barrier3A = arith.constant 0 : index
    tpu.barrier barrier_id(%barrier3A)
    %mul3A_25 = arith.constant 640 : i32
    %mul3A_26 = arith.muli %arg1, %mul3A_25 : i32
    %add3A_27 = arith.constant 0 : i32
    %add3A_28 = arith.addi %add3A_27, %mul3A_26 : i32
    %dma_start3A_29 = arith.constant 0 : i32
    %dma_start3A_30 = tpu.memref_slice %arg7[%dma_start3A_29] : memref<10240xf32, #tpu.memory_space<vmem>> -> memref<640xf32, #tpu.memory_space<vmem>>
    %dma_start3A_31 = tpu.memref_slice %arg12[%add3A_28] : memref<163840xf32, #tpu.memory_space<vmem_shared>> -> memref<640xf32, #tpu.memory_space<vmem_shared>>
    %dma_start3A_32 = arith.constant 0 : i32
    %dma_start3A_33 = tpu.memref_slice %arg7[%dma_start3A_32] : memref<10240xf32, #tpu.memory_space<vmem>> -> memref<640xf32, #tpu.memory_space<vmem>>
    %dma_start3A_34 = tpu.memref_slice %arg12[%add3A_28] : memref<163840xf32, #tpu.memory_space<vmem_shared>> -> memref<640xf32, #tpu.memory_space<vmem_shared>>
    tpu.enqueue_dma source(%dma_start3A_34 : memref<640xf32, #tpu.memory_space<vmem_shared>>) target(%dma_start3A_33 : memref<640xf32, #tpu.memory_space<vmem>>) target_semaphore(%arg14 : memref<!tpu.dma_semaphore, #tpu.memory_space<semaphore_mem>>)
    %mul3A_35 = arith.constant 640 : i32
    %mul3A_36 = arith.muli %arg1, %mul3A_35 : i32
    %add3A_37 = arith.constant 10240 : i32
    %add3A_38 = arith.addi %add3A_37, %mul3A_36 : i32
    %dma_start3A_39 = arith.constant 640 : i32
    %dma_start3A_40 = tpu.memref_slice %arg7[%dma_start3A_39] : memref<10240xf32, #tpu.memory_space<vmem>> -> memref<640xf32, #tpu.memory_space<vmem>>
    %dma_start3A_41 = tpu.memref_slice %arg12[%add3A_38] : memref<163840xf32, #tpu.memory_space<vmem_shared>> -> memref<640xf32, #tpu.memory_space<vmem_shared>>
    %dma_start3A_42 = arith.constant 640 : i32
    %dma_start3A_43 = tpu.memref_slice %arg7[%dma_start3A_42] : memref<10240xf32, #tpu.memory_space<vmem>> -> memref<640xf32, #tpu.memory_space<vmem>>
    %dma_start3A_44 = tpu.memref_slice %arg12[%add3A_38] : memref<163840xf32, #tpu.memory_space<vmem_shared>> -> memref<640xf32, #tpu.memory_space<vmem_shared>>
    tpu.enqueue_dma source(%dma_start3A_44 : memref<640xf32, #tpu.memory_space<vmem_shared>>) target(%dma_start3A_43 : memref<640xf32, #tpu.memory_space<vmem>>) target_semaphore(%arg14 : memref<!tpu.dma_semaphore, #tpu.memory_space<semaphore_mem>>)
    %mul3A_45 = arith.constant 640 : i32
    %mul3A_46 = arith.muli %arg1, %mul3A_45 : i32
    %add3A_47 = arith.constant 20480 : i32
    %add3A_48 = arith.addi %add3A_47, %mul3A_46 : i32
    %dma_start3A_49 = arith.constant 1280 : i32
    %dma_start3A_50 = tpu.memref_slice %arg7[%dma_start3A_49] : memref<10240xf32, #tpu.memory_space<vmem>> -> memref<640xf32, #tpu.memory_space<vmem>>
    %dma_start3A_51 = tpu.memref_slice %arg12[%add3A_48] : memref<163840xf32, #tpu.memory_space<vmem_shared>> -> memref<640xf32, #tpu.memory_space<vmem_shared>>
    %dma_start3A_52 = arith.constant 1280 : i32
    %dma_start3A_53 = tpu.memref_slice %arg7[%dma_start3A_52] : memref<10240xf32, #tpu.memory_space<vmem>> -> memref<640xf32, #tpu.memory_space<vmem>>
    %dma_start3A_54 = tpu.memref_slice %arg12[%add3A_48] : memref<163840xf32, #tpu.memory_space<vmem_shared>> -> memref<640xf32, #tpu.memory_space<vmem_shared>>
    tpu.enqueue_dma source(%dma_start3A_54 : memref<640xf32, #tpu.memory_space<vmem_shared>>) target(%dma_start3A_53 : memref<640xf32, #tpu.memory_space<vmem>>) target_semaphore(%arg14 : memref<!tpu.dma_semaphore, #tpu.memory_space<semaphore_mem>>)
    %mul3A_55 = arith.constant 640 : i32
    %mul3A_56 = arith.muli %arg1, %mul3A_55 : i32
    %add3A_57 = arith.constant 30720 : i32
    %add3A_58 = arith.addi %add3A_57, %mul3A_56 : i32
    %dma_start3A_59 = arith.constant 1920 : i32
    %dma_start3A_60 = tpu.memref_slice %arg7[%dma_start3A_59] : memref<10240xf32, #tpu.memory_space<vmem>> -> memref<640xf32, #tpu.memory_space<vmem>>
    %dma_start3A_61 = tpu.memref_slice %arg12[%add3A_58] : memref<163840xf32, #tpu.memory_space<vmem_shared>> -> memref<640xf32, #tpu.memory_space<vmem_shared>>
    %dma_start3A_62 = arith.constant 1920 : i32
    %dma_start3A_63 = tpu.memref_slice %arg7[%dma_start3A_62] : memref<10240xf32, #tpu.memory_space<vmem>> -> memref<640xf32, #tpu.memory_space<vmem>>
    %dma_start3A_64 = tpu.memref_slice %arg12[%add3A_58] : memref<163840xf32, #tpu.memory_space<vmem_shared>> -> memref<640xf32, #tpu.memory_space<vmem_shared>>
    tpu.enqueue_dma source(%dma_start3A_64 : memref<640xf32, #tpu.memory_space<vmem_shared>>) target(%dma_start3A_63 : memref<640xf32, #tpu.memory_space<vmem>>) target_semaphore(%arg14 : memref<!tpu.dma_semaphore, #tpu.memory_space<semaphore_mem>>)
    %mul3A_65 = arith.constant 640 : i32
    %mul3A_66 = arith.muli %arg1, %mul3A_65 : i32
    %add3A_67 = arith.constant 40960 : i32
    %add3A_68 = arith.addi %add3A_67, %mul3A_66 : i32
    %dma_start3A_69 = arith.constant 2560 : i32
    %dma_start3A_70 = tpu.memref_slice %arg7[%dma_start3A_69] : memref<10240xf32, #tpu.memory_space<vmem>> -> memref<640xf32, #tpu.memory_space<vmem>>
    %dma_start3A_71 = tpu.memref_slice %arg12[%add3A_68] : memref<163840xf32, #tpu.memory_space<vmem_shared>> -> memref<640xf32, #tpu.memory_space<vmem_shared>>
    %dma_start3A_72 = arith.constant 2560 : i32
    %dma_start3A_73 = tpu.memref_slice %arg7[%dma_start3A_72] : memref<10240xf32, #tpu.memory_space<vmem>> -> memref<640xf32, #tpu.memory_space<vmem>>
    %dma_start3A_74 = tpu.memref_slice %arg12[%add3A_68] : memref<163840xf32, #tpu.memory_space<vmem_shared>> -> memref<640xf32, #tpu.memory_space<vmem_shared>>
    tpu.enqueue_dma source(%dma_start3A_74 : memref<640xf32, #tpu.memory_space<vmem_shared>>) target(%dma_start3A_73 : memref<640xf32, #tpu.memory_space<vmem>>) target_semaphore(%arg14 : memref<!tpu.dma_semaphore, #tpu.memory_space<semaphore_mem>>)
    %mul3A_75 = arith.constant 640 : i32
    %mul3A_76 = arith.muli %arg1, %mul3A_75 : i32
    %add3A_77 = arith.constant 51200 : i32
    %add3A_78 = arith.addi %add3A_77, %mul3A_76 : i32
    %dma_start3A_79 = arith.constant 3200 : i32
    %dma_start3A_80 = tpu.memref_slice %arg7[%dma_start3A_79] : memref<10240xf32, #tpu.memory_space<vmem>> -> memref<640xf32, #tpu.memory_space<vmem>>
    %dma_start3A_81 = tpu.memref_slice %arg12[%add3A_78] : memref<163840xf32, #tpu.memory_space<vmem_shared>> -> memref<640xf32, #tpu.memory_space<vmem_shared>>
    %dma_start3A_82 = arith.constant 3200 : i32
    %dma_start3A_83 = tpu.memref_slice %arg7[%dma_start3A_82] : memref<10240xf32, #tpu.memory_space<vmem>> -> memref<640xf32, #tpu.memory_space<vmem>>
    %dma_start3A_84 = tpu.memref_slice %arg12[%add3A_78] : memref<163840xf32, #tpu.memory_space<vmem_shared>> -> memref<640xf32, #tpu.memory_space<vmem_shared>>
    tpu.enqueue_dma source(%dma_start3A_84 : memref<640xf32, #tpu.memory_space<vmem_shared>>) target(%dma_start3A_83 : memref<640xf32, #tpu.memory_space<vmem>>) target_semaphore(%arg14 : memref<!tpu.dma_semaphore, #tpu.memory_space<semaphore_mem>>)
    %mul3A_85 = arith.constant 640 : i32
    %mul3A_86 = arith.muli %arg1, %mul3A_85 : i32
    %add3A_87 = arith.constant 61440 : i32
    %add3A_88 = arith.addi %add3A_87, %mul3A_86 : i32
    %dma_start3A_89 = arith.constant 3840 : i32
    %dma_start3A_90 = tpu.memref_slice %arg7[%dma_start3A_89] : memref<10240xf32, #tpu.memory_space<vmem>> -> memref<640xf32, #tpu.memory_space<vmem>>
    %dma_start3A_91 = tpu.memref_slice %arg12[%add3A_88] : memref<163840xf32, #tpu.memory_space<vmem_shared>> -> memref<640xf32, #tpu.memory_space<vmem_shared>>
    %dma_start3A_92 = arith.constant 3840 : i32
    %dma_start3A_93 = tpu.memref_slice %arg7[%dma_start3A_92] : memref<10240xf32, #tpu.memory_space<vmem>> -> memref<640xf32, #tpu.memory_space<vmem>>
    %dma_start3A_94 = tpu.memref_slice %arg12[%add3A_88] : memref<163840xf32, #tpu.memory_space<vmem_shared>> -> memref<640xf32, #tpu.memory_space<vmem_shared>>
    tpu.enqueue_dma source(%dma_start3A_94 : memref<640xf32, #tpu.memory_space<vmem_shared>>) target(%dma_start3A_93 : memref<640xf32, #tpu.memory_space<vmem>>) target_semaphore(%arg14 : memref<!tpu.dma_semaphore, #tpu.memory_space<semaphore_mem>>)
    %mul3A_95 = arith.constant 640 : i32
    %mul3A_96 = arith.muli %arg1, %mul3A_95 : i32
    %add3A_97 = arith.constant 71680 : i32
    %add3A_98 = arith.addi %add3A_97, %mul3A_96 : i32
    %dma_start3A_99 = arith.constant 4480 : i32
    %dma_start3A_100 = tpu.memref_slice %arg7[%dma_start3A_99] : memref<10240xf32, #tpu.memory_space<vmem>> -> memref<640xf32, #tpu.memory_space<vmem>>
    %dma_start3A_101 = tpu.memref_slice %arg12[%add3A_98] : memref<163840xf32, #tpu.memory_space<vmem_shared>> -> memref<640xf32, #tpu.memory_space<vmem_shared>>
    %dma_start3A_102 = arith.constant 4480 : i32
    %dma_start3A_103 = tpu.memref_slice %arg7[%dma_start3A_102] : memref<10240xf32, #tpu.memory_space<vmem>> -> memref<640xf32, #tpu.memory_space<vmem>>
    %dma_start3A_104 = tpu.memref_slice %arg12[%add3A_98] : memref<163840xf32, #tpu.memory_space<vmem_shared>> -> memref<640xf32, #tpu.memory_space<vmem_shared>>
    tpu.enqueue_dma source(%dma_start3A_104 : memref<640xf32, #tpu.memory_space<vmem_shared>>) target(%dma_start3A_103 : memref<640xf32, #tpu.memory_space<vmem>>) target_semaphore(%arg14 : memref<!tpu.dma_semaphore, #tpu.memory_space<semaphore_mem>>)
    %mul3A_105 = arith.constant 640 : i32
    %mul3A_106 = arith.muli %arg1, %mul3A_105 : i32
    %add3A_107 = arith.constant 81920 : i32
    %add3A_108 = arith.addi %add3A_107, %mul3A_106 : i32
    %dma_start3A_109 = arith.constant 5120 : i32
    %dma_start3A_110 = tpu.memref_slice %arg7[%dma_start3A_109] : memref<10240xf32, #tpu.memory_space<vmem>> -> memref<640xf32, #tpu.memory_space<vmem>>
    %dma_start3A_111 = tpu.memref_slice %arg12[%add3A_108] : memref<163840xf32, #tpu.memory_space<vmem_shared>> -> memref<640xf32, #tpu.memory_space<vmem_shared>>
    %dma_start3A_112 = arith.constant 5120 : i32
    %dma_start3A_113 = tpu.memref_slice %arg7[%dma_start3A_112] : memref<10240xf32, #tpu.memory_space<vmem>> -> memref<640xf32, #tpu.memory_space<vmem>>
    %dma_start3A_114 = tpu.memref_slice %arg12[%add3A_108] : memref<163840xf32, #tpu.memory_space<vmem_shared>> -> memref<640xf32, #tpu.memory_space<vmem_shared>>
    tpu.enqueue_dma source(%dma_start3A_114 : memref<640xf32, #tpu.memory_space<vmem_shared>>) target(%dma_start3A_113 : memref<640xf32, #tpu.memory_space<vmem>>) target_semaphore(%arg14 : memref<!tpu.dma_semaphore, #tpu.memory_space<semaphore_mem>>)
    %mul3A_115 = arith.constant 640 : i32
    %mul3A_116 = arith.muli %arg1, %mul3A_115 : i32
    %add3A_117 = arith.constant 92160 : i32
    %add3A_118 = arith.addi %add3A_117, %mul3A_116 : i32
    %dma_start3A_119 = arith.constant 5760 : i32
    %dma_start3A_120 = tpu.memref_slice %arg7[%dma_start3A_119] : memref<10240xf32, #tpu.memory_space<vmem>> -> memref<640xf32, #tpu.memory_space<vmem>>
    %dma_start3A_121 = tpu.memref_slice %arg12[%add3A_118] : memref<163840xf32, #tpu.memory_space<vmem_shared>> -> memref<640xf32, #tpu.memory_space<vmem_shared>>
    %dma_start3A_122 = arith.constant 5760 : i32
    %dma_start3A_123 = tpu.memref_slice %arg7[%dma_start3A_122] : memref<10240xf32, #tpu.memory_space<vmem>> -> memref<640xf32, #tpu.memory_space<vmem>>
    %dma_start3A_124 = tpu.memref_slice %arg12[%add3A_118] : memref<163840xf32, #tpu.memory_space<vmem_shared>> -> memref<640xf32, #tpu.memory_space<vmem_shared>>
    tpu.enqueue_dma source(%dma_start3A_124 : memref<640xf32, #tpu.memory_space<vmem_shared>>) target(%dma_start3A_123 : memref<640xf32, #tpu.memory_space<vmem>>) target_semaphore(%arg14 : memref<!tpu.dma_semaphore, #tpu.memory_space<semaphore_mem>>)
    %mul3A_125 = arith.constant 640 : i32
    %mul3A_126 = arith.muli %arg1, %mul3A_125 : i32
    %add3A_127 = arith.constant 102400 : i32
    %add3A_128 = arith.addi %add3A_127, %mul3A_126 : i32
    %dma_start3A_129 = arith.constant 6400 : i32
    %dma_start3A_130 = tpu.memref_slice %arg7[%dma_start3A_129] : memref<10240xf32, #tpu.memory_space<vmem>> -> memref<640xf32, #tpu.memory_space<vmem>>
    %dma_start3A_131 = tpu.memref_slice %arg12[%add3A_128] : memref<163840xf32, #tpu.memory_space<vmem_shared>> -> memref<640xf32, #tpu.memory_space<vmem_shared>>
    %dma_start3A_132 = arith.constant 6400 : i32
    %dma_start3A_133 = tpu.memref_slice %arg7[%dma_start3A_132] : memref<10240xf32, #tpu.memory_space<vmem>> -> memref<640xf32, #tpu.memory_space<vmem>>
    %dma_start3A_134 = tpu.memref_slice %arg12[%add3A_128] : memref<163840xf32, #tpu.memory_space<vmem_shared>> -> memref<640xf32, #tpu.memory_space<vmem_shared>>
    tpu.enqueue_dma source(%dma_start3A_134 : memref<640xf32, #tpu.memory_space<vmem_shared>>) target(%dma_start3A_133 : memref<640xf32, #tpu.memory_space<vmem>>) target_semaphore(%arg14 : memref<!tpu.dma_semaphore, #tpu.memory_space<semaphore_mem>>)
    %mul3A_135 = arith.constant 640 : i32
    %mul3A_136 = arith.muli %arg1, %mul3A_135 : i32
    %add3A_137 = arith.constant 112640 : i32
    %add3A_138 = arith.addi %add3A_137, %mul3A_136 : i32
    %dma_start3A_139 = arith.constant 7040 : i32
    %dma_start3A_140 = tpu.memref_slice %arg7[%dma_start3A_139] : memref<10240xf32, #tpu.memory_space<vmem>> -> memref<640xf32, #tpu.memory_space<vmem>>
    %dma_start3A_141 = tpu.memref_slice %arg12[%add3A_138] : memref<163840xf32, #tpu.memory_space<vmem_shared>> -> memref<640xf32, #tpu.memory_space<vmem_shared>>
    %dma_start3A_142 = arith.constant 7040 : i32
    %dma_start3A_143 = tpu.memref_slice %arg7[%dma_start3A_142] : memref<10240xf32, #tpu.memory_space<vmem>> -> memref<640xf32, #tpu.memory_space<vmem>>
    %dma_start3A_144 = tpu.memref_slice %arg12[%add3A_138] : memref<163840xf32, #tpu.memory_space<vmem_shared>> -> memref<640xf32, #tpu.memory_space<vmem_shared>>
    tpu.enqueue_dma source(%dma_start3A_144 : memref<640xf32, #tpu.memory_space<vmem_shared>>) target(%dma_start3A_143 : memref<640xf32, #tpu.memory_space<vmem>>) target_semaphore(%arg14 : memref<!tpu.dma_semaphore, #tpu.memory_space<semaphore_mem>>)
    %mul3A_145 = arith.constant 640 : i32
    %mul3A_146 = arith.muli %arg1, %mul3A_145 : i32
    %add3A_147 = arith.constant 122880 : i32
    %add3A_148 = arith.addi %add3A_147, %mul3A_146 : i32
    %dma_start3A_149 = arith.constant 7680 : i32
    %dma_start3A_150 = tpu.memref_slice %arg7[%dma_start3A_149] : memref<10240xf32, #tpu.memory_space<vmem>> -> memref<640xf32, #tpu.memory_space<vmem>>
    %dma_start3A_151 = tpu.memref_slice %arg12[%add3A_148] : memref<163840xf32, #tpu.memory_space<vmem_shared>> -> memref<640xf32, #tpu.memory_space<vmem_shared>>
    %dma_start3A_152 = arith.constant 7680 : i32
    %dma_start3A_153 = tpu.memref_slice %arg7[%dma_start3A_152] : memref<10240xf32, #tpu.memory_space<vmem>> -> memref<640xf32, #tpu.memory_space<vmem>>
    %dma_start3A_154 = tpu.memref_slice %arg12[%add3A_148] : memref<163840xf32, #tpu.memory_space<vmem_shared>> -> memref<640xf32, #tpu.memory_space<vmem_shared>>
    tpu.enqueue_dma source(%dma_start3A_154 : memref<640xf32, #tpu.memory_space<vmem_shared>>) target(%dma_start3A_153 : memref<640xf32, #tpu.memory_space<vmem>>) target_semaphore(%arg14 : memref<!tpu.dma_semaphore, #tpu.memory_space<semaphore_mem>>)
    %mul3A_155 = arith.constant 640 : i32
    %mul3A_156 = arith.muli %arg1, %mul3A_155 : i32
    %add3A_157 = arith.constant 133120 : i32
    %add3A_158 = arith.addi %add3A_157, %mul3A_156 : i32
    %dma_start3A_159 = arith.constant 8320 : i32
    %dma_start3A_160 = tpu.memref_slice %arg7[%dma_start3A_159] : memref<10240xf32, #tpu.memory_space<vmem>> -> memref<640xf32, #tpu.memory_space<vmem>>
    %dma_start3A_161 = tpu.memref_slice %arg12[%add3A_158] : memref<163840xf32, #tpu.memory_space<vmem_shared>> -> memref<640xf32, #tpu.memory_space<vmem_shared>>
    %dma_start3A_162 = arith.constant 8320 : i32
    %dma_start3A_163 = tpu.memref_slice %arg7[%dma_start3A_162] : memref<10240xf32, #tpu.memory_space<vmem>> -> memref<640xf32, #tpu.memory_space<vmem>>
    %dma_start3A_164 = tpu.memref_slice %arg12[%add3A_158] : memref<163840xf32, #tpu.memory_space<vmem_shared>> -> memref<640xf32, #tpu.memory_space<vmem_shared>>
    tpu.enqueue_dma source(%dma_start3A_164 : memref<640xf32, #tpu.memory_space<vmem_shared>>) target(%dma_start3A_163 : memref<640xf32, #tpu.memory_space<vmem>>) target_semaphore(%arg14 : memref<!tpu.dma_semaphore, #tpu.memory_space<semaphore_mem>>)
    %mul3A_165 = arith.constant 640 : i32
    %mul3A_166 = arith.muli %arg1, %mul3A_165 : i32
    %add3A_167 = arith.constant 143360 : i32
    %add3A_168 = arith.addi %add3A_167, %mul3A_166 : i32
    %dma_start3A_169 = arith.constant 8960 : i32
    %dma_start3A_170 = tpu.memref_slice %arg7[%dma_start3A_169] : memref<10240xf32, #tpu.memory_space<vmem>> -> memref<640xf32, #tpu.memory_space<vmem>>
    %dma_start3A_171 = tpu.memref_slice %arg12[%add3A_168] : memref<163840xf32, #tpu.memory_space<vmem_shared>> -> memref<640xf32, #tpu.memory_space<vmem_shared>>
    %dma_start3A_172 = arith.constant 8960 : i32
    %dma_start3A_173 = tpu.memref_slice %arg7[%dma_start3A_172] : memref<10240xf32, #tpu.memory_space<vmem>> -> memref<640xf32, #tpu.memory_space<vmem>>
    %dma_start3A_174 = tpu.memref_slice %arg12[%add3A_168] : memref<163840xf32, #tpu.memory_space<vmem_shared>> -> memref<640xf32, #tpu.memory_space<vmem_shared>>
    tpu.enqueue_dma source(%dma_start3A_174 : memref<640xf32, #tpu.memory_space<vmem_shared>>) target(%dma_start3A_173 : memref<640xf32, #tpu.memory_space<vmem>>) target_semaphore(%arg14 : memref<!tpu.dma_semaphore, #tpu.memory_space<semaphore_mem>>)
    %mul3A_175 = arith.constant 640 : i32
    %mul3A_176 = arith.muli %arg1, %mul3A_175 : i32
    %add3A_177 = arith.constant 153600 : i32
    %add3A_178 = arith.addi %add3A_177, %mul3A_176 : i32
    %dma_start3A_179 = arith.constant 9600 : i32
    %dma_start3A_180 = tpu.memref_slice %arg7[%dma_start3A_179] : memref<10240xf32, #tpu.memory_space<vmem>> -> memref<640xf32, #tpu.memory_space<vmem>>
    %dma_start3A_181 = tpu.memref_slice %arg12[%add3A_178] : memref<163840xf32, #tpu.memory_space<vmem_shared>> -> memref<640xf32, #tpu.memory_space<vmem_shared>>
    %dma_start3A_182 = arith.constant 9600 : i32
    %dma_start3A_183 = tpu.memref_slice %arg7[%dma_start3A_182] : memref<10240xf32, #tpu.memory_space<vmem>> -> memref<640xf32, #tpu.memory_space<vmem>>
    %dma_start3A_184 = tpu.memref_slice %arg12[%add3A_178] : memref<163840xf32, #tpu.memory_space<vmem_shared>> -> memref<640xf32, #tpu.memory_space<vmem_shared>>
    tpu.enqueue_dma source(%dma_start3A_184 : memref<640xf32, #tpu.memory_space<vmem_shared>>) target(%dma_start3A_183 : memref<640xf32, #tpu.memory_space<vmem>>) target_semaphore(%arg14 : memref<!tpu.dma_semaphore, #tpu.memory_space<semaphore_mem>>)
    %mul3A_185 = arith.constant 640 : i32
    %mul3A_186 = arith.muli %arg1, %mul3A_185 : i32
    %add3A_187 = arith.constant 0 : i32
    %add3A_188 = arith.addi %add3A_187, %mul3A_186 : i32
    %dma_wait3A_189 = arith.constant 0 : i32
    %dma_wait3A_190 = tpu.memref_slice %arg7[%dma_wait3A_189] : memref<10240xf32, #tpu.memory_space<vmem>> -> memref<640xf32, #tpu.memory_space<vmem>>
    %dma_wait3A_191 = tpu.memref_slice %arg12[%add3A_188] : memref<163840xf32, #tpu.memory_space<vmem_shared>> -> memref<640xf32, #tpu.memory_space<vmem_shared>>
    %dma_wait3A_192 = arith.constant 0 : i32
    %dma_wait3A_193 = tpu.memref_slice %arg7[%dma_wait3A_192] : memref<10240xf32, #tpu.memory_space<vmem>> -> memref<640xf32, #tpu.memory_space<vmem>>
    %dma_wait3A_194 = tpu.memref_slice %arg12[%add3A_188] : memref<163840xf32, #tpu.memory_space<vmem_shared>> -> memref<640xf32, #tpu.memory_space<vmem_shared>>
    tpu.wait_dma2 semaphore(%arg14 : memref<!tpu.dma_semaphore, #tpu.memory_space<semaphore_mem>>) src(%dma_wait3A_194 : memref<640xf32, #tpu.memory_space<vmem_shared>>) dst(%dma_wait3A_193 : memref<640xf32, #tpu.memory_space<vmem>>)
    %mul3A_195 = arith.constant 640 : i32
    %mul3A_196 = arith.muli %arg1, %mul3A_195 : i32
    %add3A_197 = arith.constant 10240 : i32
    %add3A_198 = arith.addi %add3A_197, %mul3A_196 : i32
    %dma_wait3A_199 = arith.constant 640 : i32
    %dma_wait3A_200 = tpu.memref_slice %arg7[%dma_wait3A_199] : memref<10240xf32, #tpu.memory_space<vmem>> -> memref<640xf32, #tpu.memory_space<vmem>>
    %dma_wait3A_201 = tpu.memref_slice %arg12[%add3A_198] : memref<163840xf32, #tpu.memory_space<vmem_shared>> -> memref<640xf32, #tpu.memory_space<vmem_shared>>
    %dma_wait3A_202 = arith.constant 640 : i32
    %dma_wait3A_203 = tpu.memref_slice %arg7[%dma_wait3A_202] : memref<10240xf32, #tpu.memory_space<vmem>> -> memref<640xf32, #tpu.memory_space<vmem>>
    %dma_wait3A_204 = tpu.memref_slice %arg12[%add3A_198] : memref<163840xf32, #tpu.memory_space<vmem_shared>> -> memref<640xf32, #tpu.memory_space<vmem_shared>>
    tpu.wait_dma2 semaphore(%arg14 : memref<!tpu.dma_semaphore, #tpu.memory_space<semaphore_mem>>) src(%dma_wait3A_204 : memref<640xf32, #tpu.memory_space<vmem_shared>>) dst(%dma_wait3A_203 : memref<640xf32, #tpu.memory_space<vmem>>)
    %mul3A_205 = arith.constant 640 : i32
    %mul3A_206 = arith.muli %arg1, %mul3A_205 : i32
    %add3A_207 = arith.constant 20480 : i32
    %add3A_208 = arith.addi %add3A_207, %mul3A_206 : i32
    %dma_wait3A_209 = arith.constant 1280 : i32
    %dma_wait3A_210 = tpu.memref_slice %arg7[%dma_wait3A_209] : memref<10240xf32, #tpu.memory_space<vmem>> -> memref<640xf32, #tpu.memory_space<vmem>>
    %dma_wait3A_211 = tpu.memref_slice %arg12[%add3A_208] : memref<163840xf32, #tpu.memory_space<vmem_shared>> -> memref<640xf32, #tpu.memory_space<vmem_shared>>
    %dma_wait3A_212 = arith.constant 1280 : i32
    %dma_wait3A_213 = tpu.memref_slice %arg7[%dma_wait3A_212] : memref<10240xf32, #tpu.memory_space<vmem>> -> memref<640xf32, #tpu.memory_space<vmem>>
    %dma_wait3A_214 = tpu.memref_slice %arg12[%add3A_208] : memref<163840xf32, #tpu.memory_space<vmem_shared>> -> memref<640xf32, #tpu.memory_space<vmem_shared>>
    tpu.wait_dma2 semaphore(%arg14 : memref<!tpu.dma_semaphore, #tpu.memory_space<semaphore_mem>>) src(%dma_wait3A_214 : memref<640xf32, #tpu.memory_space<vmem_shared>>) dst(%dma_wait3A_213 : memref<640xf32, #tpu.memory_space<vmem>>)
    %mul3A_215 = arith.constant 640 : i32
    %mul3A_216 = arith.muli %arg1, %mul3A_215 : i32
    %add3A_217 = arith.constant 30720 : i32
    %add3A_218 = arith.addi %add3A_217, %mul3A_216 : i32
    %dma_wait3A_219 = arith.constant 1920 : i32
    %dma_wait3A_220 = tpu.memref_slice %arg7[%dma_wait3A_219] : memref<10240xf32, #tpu.memory_space<vmem>> -> memref<640xf32, #tpu.memory_space<vmem>>
    %dma_wait3A_221 = tpu.memref_slice %arg12[%add3A_218] : memref<163840xf32, #tpu.memory_space<vmem_shared>> -> memref<640xf32, #tpu.memory_space<vmem_shared>>
    %dma_wait3A_222 = arith.constant 1920 : i32
    %dma_wait3A_223 = tpu.memref_slice %arg7[%dma_wait3A_222] : memref<10240xf32, #tpu.memory_space<vmem>> -> memref<640xf32, #tpu.memory_space<vmem>>
    %dma_wait3A_224 = tpu.memref_slice %arg12[%add3A_218] : memref<163840xf32, #tpu.memory_space<vmem_shared>> -> memref<640xf32, #tpu.memory_space<vmem_shared>>
    tpu.wait_dma2 semaphore(%arg14 : memref<!tpu.dma_semaphore, #tpu.memory_space<semaphore_mem>>) src(%dma_wait3A_224 : memref<640xf32, #tpu.memory_space<vmem_shared>>) dst(%dma_wait3A_223 : memref<640xf32, #tpu.memory_space<vmem>>)
    %mul3A_225 = arith.constant 640 : i32
    %mul3A_226 = arith.muli %arg1, %mul3A_225 : i32
    %add3A_227 = arith.constant 40960 : i32
    %add3A_228 = arith.addi %add3A_227, %mul3A_226 : i32
    %dma_wait3A_229 = arith.constant 2560 : i32
    %dma_wait3A_230 = tpu.memref_slice %arg7[%dma_wait3A_229] : memref<10240xf32, #tpu.memory_space<vmem>> -> memref<640xf32, #tpu.memory_space<vmem>>
    %dma_wait3A_231 = tpu.memref_slice %arg12[%add3A_228] : memref<163840xf32, #tpu.memory_space<vmem_shared>> -> memref<640xf32, #tpu.memory_space<vmem_shared>>
    %dma_wait3A_232 = arith.constant 2560 : i32
    %dma_wait3A_233 = tpu.memref_slice %arg7[%dma_wait3A_232] : memref<10240xf32, #tpu.memory_space<vmem>> -> memref<640xf32, #tpu.memory_space<vmem>>
    %dma_wait3A_234 = tpu.memref_slice %arg12[%add3A_228] : memref<163840xf32, #tpu.memory_space<vmem_shared>> -> memref<640xf32, #tpu.memory_space<vmem_shared>>
    tpu.wait_dma2 semaphore(%arg14 : memref<!tpu.dma_semaphore, #tpu.memory_space<semaphore_mem>>) src(%dma_wait3A_234 : memref<640xf32, #tpu.memory_space<vmem_shared>>) dst(%dma_wait3A_233 : memref<640xf32, #tpu.memory_space<vmem>>)
    %mul3A_235 = arith.constant 640 : i32
    %mul3A_236 = arith.muli %arg1, %mul3A_235 : i32
    %add3A_237 = arith.constant 51200 : i32
    %add3A_238 = arith.addi %add3A_237, %mul3A_236 : i32
    %dma_wait3A_239 = arith.constant 3200 : i32
    %dma_wait3A_240 = tpu.memref_slice %arg7[%dma_wait3A_239] : memref<10240xf32, #tpu.memory_space<vmem>> -> memref<640xf32, #tpu.memory_space<vmem>>
    %dma_wait3A_241 = tpu.memref_slice %arg12[%add3A_238] : memref<163840xf32, #tpu.memory_space<vmem_shared>> -> memref<640xf32, #tpu.memory_space<vmem_shared>>
    %dma_wait3A_242 = arith.constant 3200 : i32
    %dma_wait3A_243 = tpu.memref_slice %arg7[%dma_wait3A_242] : memref<10240xf32, #tpu.memory_space<vmem>> -> memref<640xf32, #tpu.memory_space<vmem>>
    %dma_wait3A_244 = tpu.memref_slice %arg12[%add3A_238] : memref<163840xf32, #tpu.memory_space<vmem_shared>> -> memref<640xf32, #tpu.memory_space<vmem_shared>>
    tpu.wait_dma2 semaphore(%arg14 : memref<!tpu.dma_semaphore, #tpu.memory_space<semaphore_mem>>) src(%dma_wait3A_244 : memref<640xf32, #tpu.memory_space<vmem_shared>>) dst(%dma_wait3A_243 : memref<640xf32, #tpu.memory_space<vmem>>)
    %mul3A_245 = arith.constant 640 : i32
    %mul3A_246 = arith.muli %arg1, %mul3A_245 : i32
    %add3A_247 = arith.constant 61440 : i32
    %add3A_248 = arith.addi %add3A_247, %mul3A_246 : i32
    %dma_wait3A_249 = arith.constant 3840 : i32
    %dma_wait3A_250 = tpu.memref_slice %arg7[%dma_wait3A_249] : memref<10240xf32, #tpu.memory_space<vmem>> -> memref<640xf32, #tpu.memory_space<vmem>>
    %dma_wait3A_251 = tpu.memref_slice %arg12[%add3A_248] : memref<163840xf32, #tpu.memory_space<vmem_shared>> -> memref<640xf32, #tpu.memory_space<vmem_shared>>
    %dma_wait3A_252 = arith.constant 3840 : i32
    %dma_wait3A_253 = tpu.memref_slice %arg7[%dma_wait3A_252] : memref<10240xf32, #tpu.memory_space<vmem>> -> memref<640xf32, #tpu.memory_space<vmem>>
    %dma_wait3A_254 = tpu.memref_slice %arg12[%add3A_248] : memref<163840xf32, #tpu.memory_space<vmem_shared>> -> memref<640xf32, #tpu.memory_space<vmem_shared>>
    tpu.wait_dma2 semaphore(%arg14 : memref<!tpu.dma_semaphore, #tpu.memory_space<semaphore_mem>>) src(%dma_wait3A_254 : memref<640xf32, #tpu.memory_space<vmem_shared>>) dst(%dma_wait3A_253 : memref<640xf32, #tpu.memory_space<vmem>>)
    %mul3A_255 = arith.constant 640 : i32
    %mul3A_256 = arith.muli %arg1, %mul3A_255 : i32
    %add3A_257 = arith.constant 71680 : i32
    %add3A_258 = arith.addi %add3A_257, %mul3A_256 : i32
    %dma_wait3A_259 = arith.constant 4480 : i32
    %dma_wait3A_260 = tpu.memref_slice %arg7[%dma_wait3A_259] : memref<10240xf32, #tpu.memory_space<vmem>> -> memref<640xf32, #tpu.memory_space<vmem>>
    %dma_wait3A_261 = tpu.memref_slice %arg12[%add3A_258] : memref<163840xf32, #tpu.memory_space<vmem_shared>> -> memref<640xf32, #tpu.memory_space<vmem_shared>>
    %dma_wait3A_262 = arith.constant 4480 : i32
    %dma_wait3A_263 = tpu.memref_slice %arg7[%dma_wait3A_262] : memref<10240xf32, #tpu.memory_space<vmem>> -> memref<640xf32, #tpu.memory_space<vmem>>
    %dma_wait3A_264 = tpu.memref_slice %arg12[%add3A_258] : memref<163840xf32, #tpu.memory_space<vmem_shared>> -> memref<640xf32, #tpu.memory_space<vmem_shared>>
    tpu.wait_dma2 semaphore(%arg14 : memref<!tpu.dma_semaphore, #tpu.memory_space<semaphore_mem>>) src(%dma_wait3A_264 : memref<640xf32, #tpu.memory_space<vmem_shared>>) dst(%dma_wait3A_263 : memref<640xf32, #tpu.memory_space<vmem>>)
    %mul3A_265 = arith.constant 640 : i32
    %mul3A_266 = arith.muli %arg1, %mul3A_265 : i32
    %add3A_267 = arith.constant 81920 : i32
    %add3A_268 = arith.addi %add3A_267, %mul3A_266 : i32
    %dma_wait3A_269 = arith.constant 5120 : i32
    %dma_wait3A_270 = tpu.memref_slice %arg7[%dma_wait3A_269] : memref<10240xf32, #tpu.memory_space<vmem>> -> memref<640xf32, #tpu.memory_space<vmem>>
    %dma_wait3A_271 = tpu.memref_slice %arg12[%add3A_268] : memref<163840xf32, #tpu.memory_space<vmem_shared>> -> memref<640xf32, #tpu.memory_space<vmem_shared>>
    %dma_wait3A_272 = arith.constant 5120 : i32
    %dma_wait3A_273 = tpu.memref_slice %arg7[%dma_wait3A_272] : memref<10240xf32, #tpu.memory_space<vmem>> -> memref<640xf32, #tpu.memory_space<vmem>>
    %dma_wait3A_274 = tpu.memref_slice %arg12[%add3A_268] : memref<163840xf32, #tpu.memory_space<vmem_shared>> -> memref<640xf32, #tpu.memory_space<vmem_shared>>
    tpu.wait_dma2 semaphore(%arg14 : memref<!tpu.dma_semaphore, #tpu.memory_space<semaphore_mem>>) src(%dma_wait3A_274 : memref<640xf32, #tpu.memory_space<vmem_shared>>) dst(%dma_wait3A_273 : memref<640xf32, #tpu.memory_space<vmem>>)
    %mul3A_275 = arith.constant 640 : i32
    %mul3A_276 = arith.muli %arg1, %mul3A_275 : i32
    %add3A_277 = arith.constant 92160 : i32
    %add3A_278 = arith.addi %add3A_277, %mul3A_276 : i32
    %dma_wait3A_279 = arith.constant 5760 : i32
    %dma_wait3A_280 = tpu.memref_slice %arg7[%dma_wait3A_279] : memref<10240xf32, #tpu.memory_space<vmem>> -> memref<640xf32, #tpu.memory_space<vmem>>
    %dma_wait3A_281 = tpu.memref_slice %arg12[%add3A_278] : memref<163840xf32, #tpu.memory_space<vmem_shared>> -> memref<640xf32, #tpu.memory_space<vmem_shared>>
    %dma_wait3A_282 = arith.constant 5760 : i32
    %dma_wait3A_283 = tpu.memref_slice %arg7[%dma_wait3A_282] : memref<10240xf32, #tpu.memory_space<vmem>> -> memref<640xf32, #tpu.memory_space<vmem>>
    %dma_wait3A_284 = tpu.memref_slice %arg12[%add3A_278] : memref<163840xf32, #tpu.memory_space<vmem_shared>> -> memref<640xf32, #tpu.memory_space<vmem_shared>>
    tpu.wait_dma2 semaphore(%arg14 : memref<!tpu.dma_semaphore, #tpu.memory_space<semaphore_mem>>) src(%dma_wait3A_284 : memref<640xf32, #tpu.memory_space<vmem_shared>>) dst(%dma_wait3A_283 : memref<640xf32, #tpu.memory_space<vmem>>)
    %mul3A_285 = arith.constant 640 : i32
    %mul3A_286 = arith.muli %arg1, %mul3A_285 : i32
    %add3A_287 = arith.constant 102400 : i32
    %add3A_288 = arith.addi %add3A_287, %mul3A_286 : i32
    %dma_wait3A_289 = arith.constant 6400 : i32
    %dma_wait3A_290 = tpu.memref_slice %arg7[%dma_wait3A_289] : memref<10240xf32, #tpu.memory_space<vmem>> -> memref<640xf32, #tpu.memory_space<vmem>>
    %dma_wait3A_291 = tpu.memref_slice %arg12[%add3A_288] : memref<163840xf32, #tpu.memory_space<vmem_shared>> -> memref<640xf32, #tpu.memory_space<vmem_shared>>
    %dma_wait3A_292 = arith.constant 6400 : i32
    %dma_wait3A_293 = tpu.memref_slice %arg7[%dma_wait3A_292] : memref<10240xf32, #tpu.memory_space<vmem>> -> memref<640xf32, #tpu.memory_space<vmem>>
    %dma_wait3A_294 = tpu.memref_slice %arg12[%add3A_288] : memref<163840xf32, #tpu.memory_space<vmem_shared>> -> memref<640xf32, #tpu.memory_space<vmem_shared>>
    tpu.wait_dma2 semaphore(%arg14 : memref<!tpu.dma_semaphore, #tpu.memory_space<semaphore_mem>>) src(%dma_wait3A_294 : memref<640xf32, #tpu.memory_space<vmem_shared>>) dst(%dma_wait3A_293 : memref<640xf32, #tpu.memory_space<vmem>>)
    %mul3A_295 = arith.constant 640 : i32
    %mul3A_296 = arith.muli %arg1, %mul3A_295 : i32
    %add3A_297 = arith.constant 112640 : i32
    %add3A_298 = arith.addi %add3A_297, %mul3A_296 : i32
    %dma_wait3A_299 = arith.constant 7040 : i32
    %dma_wait3A_300 = tpu.memref_slice %arg7[%dma_wait3A_299] : memref<10240xf32, #tpu.memory_space<vmem>> -> memref<640xf32, #tpu.memory_space<vmem>>
    %dma_wait3A_301 = tpu.memref_slice %arg12[%add3A_298] : memref<163840xf32, #tpu.memory_space<vmem_shared>> -> memref<640xf32, #tpu.memory_space<vmem_shared>>
    %dma_wait3A_302 = arith.constant 7040 : i32
    %dma_wait3A_303 = tpu.memref_slice %arg7[%dma_wait3A_302] : memref<10240xf32, #tpu.memory_space<vmem>> -> memref<640xf32, #tpu.memory_space<vmem>>
    %dma_wait3A_304 = tpu.memref_slice %arg12[%add3A_298] : memref<163840xf32, #tpu.memory_space<vmem_shared>> -> memref<640xf32, #tpu.memory_space<vmem_shared>>
    tpu.wait_dma2 semaphore(%arg14 : memref<!tpu.dma_semaphore, #tpu.memory_space<semaphore_mem>>) src(%dma_wait3A_304 : memref<640xf32, #tpu.memory_space<vmem_shared>>) dst(%dma_wait3A_303 : memref<640xf32, #tpu.memory_space<vmem>>)
    %mul3A_305 = arith.constant 640 : i32
    %mul3A_306 = arith.muli %arg1, %mul3A_305 : i32
    %add3A_307 = arith.constant 122880 : i32
    %add3A_308 = arith.addi %add3A_307, %mul3A_306 : i32
    %dma_wait3A_309 = arith.constant 7680 : i32
    %dma_wait3A_310 = tpu.memref_slice %arg7[%dma_wait3A_309] : memref<10240xf32, #tpu.memory_space<vmem>> -> memref<640xf32, #tpu.memory_space<vmem>>
    %dma_wait3A_311 = tpu.memref_slice %arg12[%add3A_308] : memref<163840xf32, #tpu.memory_space<vmem_shared>> -> memref<640xf32, #tpu.memory_space<vmem_shared>>
    %dma_wait3A_312 = arith.constant 7680 : i32
    %dma_wait3A_313 = tpu.memref_slice %arg7[%dma_wait3A_312] : memref<10240xf32, #tpu.memory_space<vmem>> -> memref<640xf32, #tpu.memory_space<vmem>>
    %dma_wait3A_314 = tpu.memref_slice %arg12[%add3A_308] : memref<163840xf32, #tpu.memory_space<vmem_shared>> -> memref<640xf32, #tpu.memory_space<vmem_shared>>
    tpu.wait_dma2 semaphore(%arg14 : memref<!tpu.dma_semaphore, #tpu.memory_space<semaphore_mem>>) src(%dma_wait3A_314 : memref<640xf32, #tpu.memory_space<vmem_shared>>) dst(%dma_wait3A_313 : memref<640xf32, #tpu.memory_space<vmem>>)
    %mul3A_315 = arith.constant 640 : i32
    %mul3A_316 = arith.muli %arg1, %mul3A_315 : i32
    %add3A_317 = arith.constant 133120 : i32
    %add3A_318 = arith.addi %add3A_317, %mul3A_316 : i32
    %dma_wait3A_319 = arith.constant 8320 : i32
    %dma_wait3A_320 = tpu.memref_slice %arg7[%dma_wait3A_319] : memref<10240xf32, #tpu.memory_space<vmem>> -> memref<640xf32, #tpu.memory_space<vmem>>
    %dma_wait3A_321 = tpu.memref_slice %arg12[%add3A_318] : memref<163840xf32, #tpu.memory_space<vmem_shared>> -> memref<640xf32, #tpu.memory_space<vmem_shared>>
    %dma_wait3A_322 = arith.constant 8320 : i32
    %dma_wait3A_323 = tpu.memref_slice %arg7[%dma_wait3A_322] : memref<10240xf32, #tpu.memory_space<vmem>> -> memref<640xf32, #tpu.memory_space<vmem>>
    %dma_wait3A_324 = tpu.memref_slice %arg12[%add3A_318] : memref<163840xf32, #tpu.memory_space<vmem_shared>> -> memref<640xf32, #tpu.memory_space<vmem_shared>>
    tpu.wait_dma2 semaphore(%arg14 : memref<!tpu.dma_semaphore, #tpu.memory_space<semaphore_mem>>) src(%dma_wait3A_324 : memref<640xf32, #tpu.memory_space<vmem_shared>>) dst(%dma_wait3A_323 : memref<640xf32, #tpu.memory_space<vmem>>)
    %mul3A_325 = arith.constant 640 : i32
    %mul3A_326 = arith.muli %arg1, %mul3A_325 : i32
    %add3A_327 = arith.constant 143360 : i32
    %add3A_328 = arith.addi %add3A_327, %mul3A_326 : i32
    %dma_wait3A_329 = arith.constant 8960 : i32
    %dma_wait3A_330 = tpu.memref_slice %arg7[%dma_wait3A_329] : memref<10240xf32, #tpu.memory_space<vmem>> -> memref<640xf32, #tpu.memory_space<vmem>>
    %dma_wait3A_331 = tpu.memref_slice %arg12[%add3A_328] : memref<163840xf32, #tpu.memory_space<vmem_shared>> -> memref<640xf32, #tpu.memory_space<vmem_shared>>
    %dma_wait3A_332 = arith.constant 8960 : i32
    %dma_wait3A_333 = tpu.memref_slice %arg7[%dma_wait3A_332] : memref<10240xf32, #tpu.memory_space<vmem>> -> memref<640xf32, #tpu.memory_space<vmem>>
    %dma_wait3A_334 = tpu.memref_slice %arg12[%add3A_328] : memref<163840xf32, #tpu.memory_space<vmem_shared>> -> memref<640xf32, #tpu.memory_space<vmem_shared>>
    tpu.wait_dma2 semaphore(%arg14 : memref<!tpu.dma_semaphore, #tpu.memory_space<semaphore_mem>>) src(%dma_wait3A_334 : memref<640xf32, #tpu.memory_space<vmem_shared>>) dst(%dma_wait3A_333 : memref<640xf32, #tpu.memory_space<vmem>>)
    %mul3A_335 = arith.constant 640 : i32
    %mul3A_336 = arith.muli %arg1, %mul3A_335 : i32
    %add3A_337 = arith.constant 153600 : i32
    %add3A_338 = arith.addi %add3A_337, %mul3A_336 : i32
    %dma_wait3A_339 = arith.constant 9600 : i32
    %dma_wait3A_340 = tpu.memref_slice %arg7[%dma_wait3A_339] : memref<10240xf32, #tpu.memory_space<vmem>> -> memref<640xf32, #tpu.memory_space<vmem>>
    %dma_wait3A_341 = tpu.memref_slice %arg12[%add3A_338] : memref<163840xf32, #tpu.memory_space<vmem_shared>> -> memref<640xf32, #tpu.memory_space<vmem_shared>>
    %dma_wait3A_342 = arith.constant 9600 : i32
    %dma_wait3A_343 = tpu.memref_slice %arg7[%dma_wait3A_342] : memref<10240xf32, #tpu.memory_space<vmem>> -> memref<640xf32, #tpu.memory_space<vmem>>
    %dma_wait3A_344 = tpu.memref_slice %arg12[%add3A_338] : memref<163840xf32, #tpu.memory_space<vmem_shared>> -> memref<640xf32, #tpu.memory_space<vmem_shared>>
    tpu.wait_dma2 semaphore(%arg14 : memref<!tpu.dma_semaphore, #tpu.memory_space<semaphore_mem>>) src(%dma_wait3A_344 : memref<640xf32, #tpu.memory_space<vmem_shared>>) dst(%dma_wait3A_343 : memref<640xf32, #tpu.memory_space<vmem>>)
    %scan3A_345 = arith.constant 0 : i32
    %scan3A_346 = arith.constant 0 : i32
    %scan3A_347 = arith.constant 40 : i32
    %scan3A_348 = arith.addi %scan3A_346, %scan3A_347 : i32
    %scan3A_349 = arith.constant 1 : i32
    %scan3A_350 = scf.for %scan3A_436 = %scan3A_346 to %scan3A_348 step %scan3A_349 iter_args(%scan3A_437 = %scan3A_345) -> (i32)  : i32 {
      %mul3A_438 = arith.constant 16 : i32
      %mul3A_439 = arith.muli %scan3A_436, %mul3A_438 : i32
      %get3A = arith.index_cast %mul3A_439 : i32 to index
      %get3A_440 = tpu.vector_load %arg7[%get3A] {strides = array<i32>} : memref<10240xf32, #tpu.memory_space<vmem>>, vector<16xf32>,
      %mul3A_441 = arith.constant 16 : i32
      %mul3A_442 = arith.muli %scan3A_436, %mul3A_441 : i32
      %add3A_443 = arith.constant 640 : i32
      %add3A_444 = arith.addi %add3A_443, %mul3A_442 : i32
      %get3A_445 = arith.index_cast %add3A_444 : i32 to index
      %get3A_446 = tpu.vector_load %arg7[%get3A_445] {strides = array<i32>} : memref<10240xf32, #tpu.memory_space<vmem>>, vector<16xf32>,
      %add3A_447 = arith.addf %get3A_440, %get3A_446 : vector<16xf32>
      %mul3A_448 = arith.constant 16 : i32
      %mul3A_449 = arith.muli %scan3A_436, %mul3A_448 : i32
      %add3A_450 = arith.constant 1280 : i32
      %add3A_451 = arith.addi %add3A_450, %mul3A_449 : i32
      %get3A_452 = arith.index_cast %add3A_451 : i32 to index
      %get3A_453 = tpu.vector_load %arg7[%get3A_452] {strides = array<i32>} : memref<10240xf32, #tpu.memory_space<vmem>>, vector<16xf32>,
      %add3A_454 = arith.addf %add3A_447, %get3A_453 : vector<16xf32>
      %mul3A_455 = arith.constant 16 : i32
      %mul3A_456 = arith.muli %scan3A_436, %mul3A_455 : i32
      %add3A_457 = arith.constant 1920 : i32
      %add3A_458 = arith.addi %add3A_457, %mul3A_456 : i32
      %get3A_459 = arith.index_cast %add3A_458 : i32 to index
      %get3A_460 = tpu.vector_load %arg7[%get3A_459] {strides = array<i32>} : memref<10240xf32, #tpu.memory_space<vmem>>, vector<16xf32>,
      %add3A_461 = arith.addf %add3A_454, %get3A_460 : vector<16xf32>
      %mul3A_462 = arith.constant 16 : i32
      %mul3A_463 = arith.muli %scan3A_436, %mul3A_462 : i32
      %add3A_464 = arith.constant 2560 : i32
      %add3A_465 = arith.addi %add3A_464, %mul3A_463 : i32
      %get3A_466 = arith.index_cast %add3A_465 : i32 to index
      %get3A_467 = tpu.vector_load %arg7[%get3A_466] {strides = array<i32>} : memref<10240xf32, #tpu.memory_space<vmem>>, vector<16xf32>,
      %add3A_468 = arith.addf %add3A_461, %get3A_467 : vector<16xf32>
      %mul3A_469 = arith.constant 16 : i32
      %mul3A_470 = arith.muli %scan3A_436, %mul3A_469 : i32
      %add3A_471 = arith.constant 3200 : i32
      %add3A_472 = arith.addi %add3A_471, %mul3A_470 : i32
      %get3A_473 = arith.index_cast %add3A_472 : i32 to index
      %get3A_474 = tpu.vector_load %arg7[%get3A_473] {strides = array<i32>} : memref<10240xf32, #tpu.memory_space<vmem>>, vector<16xf32>,
      %add3A_475 = arith.addf %add3A_468, %get3A_474 : vector<16xf32>
      %mul3A_476 = arith.constant 16 : i32
      %mul3A_477 = arith.muli %scan3A_436, %mul3A_476 : i32
      %add3A_478 = arith.constant 3840 : i32
      %add3A_479 = arith.addi %add3A_478, %mul3A_477 : i32
      %get3A_480 = arith.index_cast %add3A_479 : i32 to index
      %get3A_481 = tpu.vector_load %arg7[%get3A_480] {strides = array<i32>} : memref<10240xf32, #tpu.memory_space<vmem>>, vector<16xf32>,
      %add3A_482 = arith.addf %add3A_475, %get3A_481 : vector<16xf32>
      %mul3A_483 = arith.constant 16 : i32
      %mul3A_484 = arith.muli %scan3A_436, %mul3A_483 : i32
      %add3A_485 = arith.constant 4480 : i32
      %add3A_486 = arith.addi %add3A_485, %mul3A_484 : i32
      %get3A_487 = arith.index_cast %add3A_486 : i32 to index
      %get3A_488 = tpu.vector_load %arg7[%get3A_487] {strides = array<i32>} : memref<10240xf32, #tpu.memory_space<vmem>>, vector<16xf32>,
      %add3A_489 = arith.addf %add3A_482, %get3A_488 : vector<16xf32>
      %mul3A_490 = arith.constant 16 : i32
      %mul3A_491 = arith.muli %scan3A_436, %mul3A_490 : i32
      %add3A_492 = arith.constant 5120 : i32
      %add3A_493 = arith.addi %add3A_492, %mul3A_491 : i32
      %get3A_494 = arith.index_cast %add3A_493 : i32 to index
      %get3A_495 = tpu.vector_load %arg7[%get3A_494] {strides = array<i32>} : memref<10240xf32, #tpu.memory_space<vmem>>, vector<16xf32>,
      %add3A_496 = arith.addf %add3A_489, %get3A_495 : vector<16xf32>
      %mul3A_497 = arith.constant 16 : i32
      %mul3A_498 = arith.muli %scan3A_436, %mul3A_497 : i32
      %add3A_499 = arith.constant 5760 : i32
      %add3A_500 = arith.addi %add3A_499, %mul3A_498 : i32
      %get3A_501 = arith.index_cast %add3A_500 : i32 to index
      %get3A_502 = tpu.vector_load %arg7[%get3A_501] {strides = array<i32>} : memref<10240xf32, #tpu.memory_space<vmem>>, vector<16xf32>,
      %add3A_503 = arith.addf %add3A_496, %get3A_502 : vector<16xf32>
      %mul3A_504 = arith.constant 16 : i32
      %mul3A_505 = arith.muli %scan3A_436, %mul3A_504 : i32
      %add3A_506 = arith.constant 6400 : i32
      %add3A_507 = arith.addi %add3A_506, %mul3A_505 : i32
      %get3A_508 = arith.index_cast %add3A_507 : i32 to index
      %get3A_509 = tpu.vector_load %arg7[%get3A_508] {strides = array<i32>} : memref<10240xf32, #tpu.memory_space<vmem>>, vector<16xf32>,
      %add3A_510 = arith.addf %add3A_503, %get3A_509 : vector<16xf32>
      %mul3A_511 = arith.constant 16 : i32
      %mul3A_512 = arith.muli %scan3A_436, %mul3A_511 : i32
      %add3A_513 = arith.constant 7040 : i32
      %add3A_514 = arith.addi %add3A_513, %mul3A_512 : i32
      %get3A_515 = arith.index_cast %add3A_514 : i32 to index
      %get3A_516 = tpu.vector_load %arg7[%get3A_515] {strides = array<i32>} : memref<10240xf32, #tpu.memory_space<vmem>>, vector<16xf32>,
      %add3A_517 = arith.addf %add3A_510, %get3A_516 : vector<16xf32>
      %mul3A_518 = arith.constant 16 : i32
      %mul3A_519 = arith.muli %scan3A_436, %mul3A_518 : i32
      %add3A_520 = arith.constant 7680 : i32
      %add3A_521 = arith.addi %add3A_520, %mul3A_519 : i32
      %get3A_522 = arith.index_cast %add3A_521 : i32 to index
      %get3A_523 = tpu.vector_load %arg7[%get3A_522] {strides = array<i32>} : memref<10240xf32, #tpu.memory_space<vmem>>, vector<16xf32>,
      %add3A_524 = arith.addf %add3A_517, %get3A_523 : vector<16xf32>
      %mul3A_525 = arith.constant 16 : i32
      %mul3A_526 = arith.muli %scan3A_436, %mul3A_525 : i32
      %add3A_527 = arith.constant 8320 : i32
      %add3A_528 = arith.addi %add3A_527, %mul3A_526 : i32
      %get3A_529 = arith.index_cast %add3A_528 : i32 to index
      %get3A_530 = tpu.vector_load %arg7[%get3A_529] {strides = array<i32>} : memref<10240xf32, #tpu.memory_space<vmem>>, vector<16xf32>,
      %add3A_531 = arith.addf %add3A_524, %get3A_530 : vector<16xf32>
      %mul3A_532 = arith.constant 16 : i32
      %mul3A_533 = arith.muli %scan3A_436, %mul3A_532 : i32
      %add3A_534 = arith.constant 8960 : i32
      %add3A_535 = arith.addi %add3A_534, %mul3A_533 : i32
      %get3A_536 = arith.index_cast %add3A_535 : i32 to index
      %get3A_537 = tpu.vector_load %arg7[%get3A_536] {strides = array<i32>} : memref<10240xf32, #tpu.memory_space<vmem>>, vector<16xf32>,
      %add3A_538 = arith.addf %add3A_531, %get3A_537 : vector<16xf32>
      %mul3A_539 = arith.constant 16 : i32
      %mul3A_540 = arith.muli %scan3A_436, %mul3A_539 : i32
      %add3A_541 = arith.constant 9600 : i32
      %add3A_542 = arith.addi %add3A_541, %mul3A_540 : i32
      %get3A_543 = arith.index_cast %add3A_542 : i32 to index
      %get3A_544 = tpu.vector_load %arg7[%get3A_543] {strides = array<i32>} : memref<10240xf32, #tpu.memory_space<vmem>>, vector<16xf32>,
      %add3A_545 = arith.addf %add3A_538, %get3A_544 : vector<16xf32>
      %max3A = arith.constant 1.000000e+00 : f32
      %max3A_546 = vector.broadcast %max3A : f32 to vector<16xf32>
      %max3A_547 = arith.maximumf %add3A_545, %max3A_546 : vector<16xf32>
      %bitcast3A = vector.bitcast %max3A_547 : vector<16xf32> to vector<16xi32>
      %shift_right_arithmetic3A = arith.constant 1 : i32
      %shift_right_arithmetic3A_548 = vector.broadcast %shift_right_arithmetic3A : i32 to vector<16xi32>
      %shift_right_arithmetic3A_549 = arith.shrsi %bitcast3A, %shift_right_arithmetic3A_548 : vector<16xi32>
      %sub3A = arith.constant 1597463007 : i32
      %sub3A_550 = vector.broadcast %sub3A : i32 to vector<16xi32>
      %sub3A_551 = arith.subi %sub3A_550, %shift_right_arithmetic3A_549 : vector<16xi32>
      %bitcast3A_552 = vector.bitcast %sub3A_551 : vector<16xi32> to vector<16xf32>
      %mul3A_553 = arith.constant 5.000000e-01 : f32
      %mul3A_554 = vector.broadcast %mul3A_553 : f32 to vector<16xf32>
      %mul3A_555 = arith.mulf %max3A_547, %mul3A_554 : vector<16xf32>
      %mul3A_556 = arith.mulf %mul3A_555, %bitcast3A_552 : vector<16xf32>
      %mul3A_557 = arith.mulf %mul3A_556, %bitcast3A_552 : vector<16xf32>
      %sub3A_558 = arith.constant 1.500000e+00 : f32
      %sub3A_559 = vector.broadcast %sub3A_558 : f32 to vector<16xf32>
      %sub3A_560 = arith.subf %sub3A_559, %mul3A_557 : vector<16xf32>
      %mul3A_561 = arith.mulf %bitcast3A_552, %sub3A_560 : vector<16xf32>
      %mul3A_562 = arith.mulf %mul3A_555, %mul3A_561 : vector<16xf32>
      %mul3A_563 = arith.mulf %mul3A_562, %mul3A_561 : vector<16xf32>
      %sub3A_564 = arith.constant 1.500000e+00 : f32
      %sub3A_565 = vector.broadcast %sub3A_564 : f32 to vector<16xf32>
      %sub3A_566 = arith.subf %sub3A_565, %mul3A_563 : vector<16xf32>
      %mul3A_567 = arith.mulf %mul3A_561, %sub3A_566 : vector<16xf32>
      %mul3A_568 = arith.mulf %mul3A_555, %mul3A_567 : vector<16xf32>
      %mul3A_569 = arith.mulf %mul3A_568, %mul3A_567 : vector<16xf32>
      %sub3A_570 = arith.constant 1.500000e+00 : f32
      %sub3A_571 = vector.broadcast %sub3A_570 : f32 to vector<16xf32>
      %sub3A_572 = arith.subf %sub3A_571, %mul3A_569 : vector<16xf32>
      %mul3A_573 = arith.mulf %mul3A_567, %sub3A_572 : vector<16xf32>
      %gt3A = arith.constant 0.000000e+00 : f32
      %gt3A_574 = vector.broadcast %gt3A : f32 to vector<16xf32>
      %gt3A_575 = arith.cmpf ogt, %add3A_545, %gt3A_574 : vector<16xf32>
      %jit3A = arith.constant 0.000000e+00 : f32
      %broadcast_in_dim3A_576 = vector.broadcast %jit3A : f32 to vector<16xf32>
      %select_n3A = arith.select %gt3A_575, %mul3A_573, %broadcast_in_dim3A_576 : vector<16xi1>, vector<16xf32>
      %mul3A_577 = arith.constant 16 : i32
      %mul3A_578 = arith.muli %scan3A_436, %mul3A_577 : i32
      %swap3A = arith.index_cast %mul3A_578 : i32 to index
      %swap3A_579 = tpu.vector_load %arg9[%swap3A] {strides = array<i32>} : memref<640xf32, #tpu.memory_space<vmem>>, vector<16xf32>,
      tpu.vector_store %arg9[%swap3A], %select_n3A {strides = array<i32>} : memref<640xf32, #tpu.memory_space<vmem>>, vector<16xf32>,
      %scan3A_580 = arith.constant 0 : i32
      scf.yield %scan3A_580 : i32
    }
    %scan3A_351 = arith.constant 40 : i32
    %mul3A_352 = arith.constant 640 : i32
    %mul3A_353 = arith.muli %arg1, %mul3A_352 : i32
    "tpu.region"() ({
      %run_scoped3A = tpu.sem_alloc : memref<!tpu.dma_semaphore, #tpu.memory_space<semaphore_mem>>
      %dma_start3A_436 = tpu.memref_slice %arg13[%mul3A_353] : memref<10240xf32, #tpu.memory_space<vmem_shared>> -> memref<640xf32, #tpu.memory_space<vmem_shared>>
      %dma_start3A_437 = tpu.memref_slice %arg13[%mul3A_353] : memref<10240xf32, #tpu.memory_space<vmem_shared>> -> memref<640xf32, #tpu.memory_space<vmem_shared>>
      tpu.enqueue_dma source(%arg9 : memref<640xf32, #tpu.memory_space<vmem>>) target(%dma_start3A_437 : memref<640xf32, #tpu.memory_space<vmem_shared>>) target_semaphore(%run_scoped3A : memref<!tpu.dma_semaphore, #tpu.memory_space<semaphore_mem>>)
      %dma_wait3A_438 = tpu.memref_slice %arg13[%mul3A_353] : memref<10240xf32, #tpu.memory_space<vmem_shared>> -> memref<640xf32, #tpu.memory_space<vmem_shared>>
      %dma_wait3A_439 = tpu.memref_slice %arg13[%mul3A_353] : memref<10240xf32, #tpu.memory_space<vmem_shared>> -> memref<640xf32, #tpu.memory_space<vmem_shared>>
      tpu.wait_dma2 semaphore(%run_scoped3A : memref<!tpu.dma_semaphore, #tpu.memory_space<semaphore_mem>>) src(%arg9 : memref<640xf32, #tpu.memory_space<vmem>>) dst(%dma_wait3A_439 : memref<640xf32, #tpu.memory_space<vmem_shared>>)
      tpu.yield
    }) : () -> ()
    %barrier3A_354 = arith.constant 0 : index
    tpu.barrier barrier_id(%barrier3A_354)
    "tpu.region"() ({
      %run_scoped3A = tpu.sem_alloc : memref<!tpu.dma_semaphore, #tpu.memory_space<semaphore_mem>>
      tpu.enqueue_dma source(%arg13 : memref<10240xf32, #tpu.memory_space<vmem_shared>>) target(%arg8 : memref<10240xf32, #tpu.memory_space<vmem>>) target_semaphore(%run_scoped3A : memref<!tpu.dma_semaphore, #tpu.memory_space<semaphore_mem>>)
      tpu.wait_dma2 semaphore(%run_scoped3A : memref<!tpu.dma_semaphore, #tpu.memory_space<semaphore_mem>>) src(%arg13 : memref<10240xf32, #tpu.memory_space<vmem_shared>>) dst(%arg8 : memref<10240xf32, #tpu.memory_space<vmem>>)
      tpu.yield
    }) : () -> ()
    %add3A_355 = arith.constant 0 : i32
    %add3A_356 = arith.addi %add3A_355, %add3A : i32
    %lt3A = arith.constant 125 : i32
    %lt3A_357 = arith.cmpi slt, %add3A_356, %lt3A : i32
    %convert_element_type3A = arith.extui %lt3A_357 : i1 to i32
    %cond3A = arith.constant 0 : i32
    %cond3A_358 = arith.cmpi ne, %convert_element_type3A, %cond3A : i32
    scf.if %cond3A_358 {
      %mul3A_436 = arith.constant 80 : i32
      %mul3A_437 = arith.muli %add3A_356, %mul3A_436 : i32
      %dma_start3A_438 = arith.constant 0 : i32
      %dma_start3A_439 = arith.constant 0 : i32
      %dma_start3A_440 = tpu.memref_slice %arg2[%mul3A_437, %dma_start3A_439] : memref<10000x128xf32, #tpu.memory_space<hbm>> -> memref<80x128xf32, #tpu.memory_space<hbm>>
      %dma_start3A_441 = tpu.memref_slice %arg15[%dma_start3A_438] : memref<2x!tpu.dma_semaphore, #tpu.memory_space<semaphore_mem>> -> memref<1x!tpu.dma_semaphore, #tpu.memory_space<semaphore_mem>>
      %dma_start3A_442 = tpu.memref_squeeze %dma_start3A_441 : memref<1x!tpu.dma_semaphore, #tpu.memory_space<semaphore_mem>> -> memref<!tpu.dma_semaphore, #tpu.memory_space<semaphore_mem>>
      %dma_start3A_443 = arith.constant 0 : i32
      %dma_start3A_444 = tpu.memref_slice %arg2[%mul3A_437, %dma_start3A_443] : memref<10000x128xf32, #tpu.memory_space<hbm>> -> memref<80x128xf32, #tpu.memory_space<hbm>>
      tpu.enqueue_dma source(%dma_start3A_444 : memref<80x128xf32, #tpu.memory_space<hbm>>) target(%arg10 : memref<80x128xf32, #tpu.memory_space<vmem>>) target_semaphore(%dma_start3A_442 : memref<!tpu.dma_semaphore, #tpu.memory_space<semaphore_mem>>)
    } else {
    }
    %add3A_359 = arith.constant 32 : i32
    %add3A_360 = arith.addi %add3A_359, %add3A : i32
    %lt3A_361 = arith.constant 125 : i32
    %lt3A_362 = arith.cmpi slt, %add3A_360, %lt3A_361 : i32
    %convert_element_type3A_363 = arith.extui %lt3A_362 : i1 to i32
    %cond3A_364 = arith.constant 0 : i32
    %cond3A_365 = arith.cmpi ne, %convert_element_type3A_363, %cond3A_364 : i32
    scf.if %cond3A_365 {
      %mul3A_436 = arith.constant 80 : i32
      %mul3A_437 = arith.muli %add3A_360, %mul3A_436 : i32
      %dma_start3A_438 = arith.constant 1 : i32
      %dma_start3A_439 = arith.constant 0 : i32
      %dma_start3A_440 = tpu.memref_slice %arg2[%mul3A_437, %dma_start3A_439] : memref<10000x128xf32, #tpu.memory_space<hbm>> -> memref<80x128xf32, #tpu.memory_space<hbm>>
      %dma_start3A_441 = tpu.memref_slice %arg15[%dma_start3A_438] : memref<2x!tpu.dma_semaphore, #tpu.memory_space<semaphore_mem>> -> memref<1x!tpu.dma_semaphore, #tpu.memory_space<semaphore_mem>>
      %dma_start3A_442 = tpu.memref_squeeze %dma_start3A_441 : memref<1x!tpu.dma_semaphore, #tpu.memory_space<semaphore_mem>> -> memref<!tpu.dma_semaphore, #tpu.memory_space<semaphore_mem>>
      %dma_start3A_443 = arith.constant 0 : i32
      %dma_start3A_444 = tpu.memref_slice %arg2[%mul3A_437, %dma_start3A_443] : memref<10000x128xf32, #tpu.memory_space<hbm>> -> memref<80x128xf32, #tpu.memory_space<hbm>>
      tpu.enqueue_dma source(%dma_start3A_444 : memref<80x128xf32, #tpu.memory_space<hbm>>) target(%arg11 : memref<80x128xf32, #tpu.memory_space<vmem>>) target_semaphore(%dma_start3A_442 : memref<!tpu.dma_semaphore, #tpu.memory_space<semaphore_mem>>)
    } else {
    }
    %add3A_366 = arith.constant 0 : i32
    %add3A_367 = arith.addi %add3A_366, %add3A : i32
    %lt3A_368 = arith.constant 125 : i32
    %lt3A_369 = arith.cmpi slt, %add3A_367, %lt3A_368 : i32
    %convert_element_type3A_370 = arith.extui %lt3A_369 : i1 to i32
    %cond3A_371 = arith.constant 0 : i32
    %cond3A_372 = arith.cmpi ne, %convert_element_type3A_370, %cond3A_371 : i32
    scf.if %cond3A_372 {
      %mul3A_436 = arith.constant 80 : i32
      %mul3A_437 = arith.muli %add3A_367, %mul3A_436 : i32
      %dma_wait3A_438 = arith.constant 0 : i32
      %dma_wait3A_439 = arith.constant 0 : i32
      %dma_wait3A_440 = tpu.memref_slice %arg2[%mul3A_437, %dma_wait3A_439] : memref<10000x128xf32, #tpu.memory_space<hbm>> -> memref<80x128xf32, #tpu.memory_space<hbm>>
      %dma_wait3A_441 = tpu.memref_slice %arg15[%dma_wait3A_438] : memref<2x!tpu.dma_semaphore, #tpu.memory_space<semaphore_mem>> -> memref<1x!tpu.dma_semaphore, #tpu.memory_space<semaphore_mem>>
      %dma_wait3A_442 = tpu.memref_squeeze %dma_wait3A_441 : memref<1x!tpu.dma_semaphore, #tpu.memory_space<semaphore_mem>> -> memref<!tpu.dma_semaphore, #tpu.memory_space<semaphore_mem>>
      %dma_wait3A_443 = arith.constant 0 : i32
      %dma_wait3A_444 = tpu.memref_slice %arg2[%mul3A_437, %dma_wait3A_443] : memref<10000x128xf32, #tpu.memory_space<hbm>> -> memref<80x128xf32, #tpu.memory_space<hbm>>
      tpu.wait_dma2 semaphore(%dma_wait3A_442 : memref<!tpu.dma_semaphore, #tpu.memory_space<semaphore_mem>>) src(%dma_wait3A_444 : memref<80x128xf32, #tpu.memory_space<hbm>>) dst(%arg10 : memref<80x128xf32, #tpu.memory_space<vmem>>)
      %scan3A_445 = arith.constant 0 : i32
      %scan3A_446 = arith.constant 0 : i32
      %scan3A_447 = arith.constant 80 : i32
      %scan3A_448 = arith.addi %scan3A_446, %scan3A_447 : i32
      %scan3A_449 = arith.constant 1 : i32
      %scan3A_450 = scf.for %scan3A_459 = %scan3A_446 to %scan3A_448 step %scan3A_449 iter_args(%scan3A_460 = %scan3A_445) -> (i32)  : i32 {
        %broadcast_in_dim3A_461 = vector.broadcast %scan3A_459 : i32 to vector<16xi32>
        %add3A_462 = arith.addi %mul3A_437, %scan3A_459 : i32
        %broadcast_in_dim3A_463 = vector.broadcast %add3A_462 : i32 to vector<16xi32>
        %gather3A = tpu.vector_load_idx %arg8[%broadcast_in_dim3A_463] : memref<10240xf32, #tpu.memory_space<vmem>>[vector<16xi32>], vector<16xf32>,
        %iota3A = tpu.iota {dimensions = array<i32: 0>} : vector<16xi32>
        %add3A_464 = arith.constant 0 : i32
        %add3A_465 = vector.broadcast %add3A_464 : i32 to vector<16xi32>
        %add3A_466 = arith.addi %iota3A, %add3A_465 : vector<16xi32>
        %gather3A_467 = tpu.vector_load_idx %arg10[%broadcast_in_dim3A_461, %add3A_466] : memref<80x128xf32, #tpu.memory_space<vmem>>[vector<16xi32>, vector<16xi32>], vector<16xf32>,
        %mul3A_468 = arith.mulf %gather3A_467, %gather3A : vector<16xf32>
        tpu.vector_store_idx %arg10[%broadcast_in_dim3A_461, %add3A_466], %mul3A_468 : memref<80x128xf32, #tpu.memory_space<vmem>>[vector<16xi32>, vector<16xi32>], vector<16xf32>,
        %iota3A_469 = tpu.iota {dimensions = array<i32: 0>} : vector<16xi32>
        %add3A_470 = arith.constant 16 : i32
        %add3A_471 = vector.broadcast %add3A_470 : i32 to vector<16xi32>
        %add3A_472 = arith.addi %iota3A_469, %add3A_471 : vector<16xi32>
        %gather3A_473 = tpu.vector_load_idx %arg10[%broadcast_in_dim3A_461, %add3A_472] : memref<80x128xf32, #tpu.memory_space<vmem>>[vector<16xi32>, vector<16xi32>], vector<16xf32>,
        %mul3A_474 = arith.mulf %gather3A_473, %gather3A : vector<16xf32>
        tpu.vector_store_idx %arg10[%broadcast_in_dim3A_461, %add3A_472], %mul3A_474 : memref<80x128xf32, #tpu.memory_space<vmem>>[vector<16xi32>, vector<16xi32>], vector<16xf32>,
        %iota3A_475 = tpu.iota {dimensions = array<i32: 0>} : vector<16xi32>
        %add3A_476 = arith.constant 32 : i32
        %add3A_477 = vector.broadcast %add3A_476 : i32 to vector<16xi32>
        %add3A_478 = arith.addi %iota3A_475, %add3A_477 : vector<16xi32>
        %gather3A_479 = tpu.vector_load_idx %arg10[%broadcast_in_dim3A_461, %add3A_478] : memref<80x128xf32, #tpu.memory_space<vmem>>[vector<16xi32>, vector<16xi32>], vector<16xf32>,
        %mul3A_480 = arith.mulf %gather3A_479, %gather3A : vector<16xf32>
        tpu.vector_store_idx %arg10[%broadcast_in_dim3A_461, %add3A_478], %mul3A_480 : memref<80x128xf32, #tpu.memory_space<vmem>>[vector<16xi32>, vector<16xi32>], vector<16xf32>,
        %iota3A_481 = tpu.iota {dimensions = array<i32: 0>} : vector<16xi32>
        %add3A_482 = arith.constant 48 : i32
        %add3A_483 = vector.broadcast %add3A_482 : i32 to vector<16xi32>
        %add3A_484 = arith.addi %iota3A_481, %add3A_483 : vector<16xi32>
        %gather3A_485 = tpu.vector_load_idx %arg10[%broadcast_in_dim3A_461, %add3A_484] : memref<80x128xf32, #tpu.memory_space<vmem>>[vector<16xi32>, vector<16xi32>], vector<16xf32>,
        %mul3A_486 = arith.mulf %gather3A_485, %gather3A : vector<16xf32>
        tpu.vector_store_idx %arg10[%broadcast_in_dim3A_461, %add3A_484], %mul3A_486 : memref<80x128xf32, #tpu.memory_space<vmem>>[vector<16xi32>, vector<16xi32>], vector<16xf32>,
        %iota3A_487 = tpu.iota {dimensions = array<i32: 0>} : vector<16xi32>
        %add3A_488 = arith.constant 64 : i32
        %add3A_489 = vector.broadcast %add3A_488 : i32 to vector<16xi32>
        %add3A_490 = arith.addi %iota3A_487, %add3A_489 : vector<16xi32>
        %gather3A_491 = tpu.vector_load_idx %arg10[%broadcast_in_dim3A_461, %add3A_490] : memref<80x128xf32, #tpu.memory_space<vmem>>[vector<16xi32>, vector<16xi32>], vector<16xf32>,
        %mul3A_492 = arith.mulf %gather3A_491, %gather3A : vector<16xf32>
        tpu.vector_store_idx %arg10[%broadcast_in_dim3A_461, %add3A_490], %mul3A_492 : memref<80x128xf32, #tpu.memory_space<vmem>>[vector<16xi32>, vector<16xi32>], vector<16xf32>,
        %iota3A_493 = tpu.iota {dimensions = array<i32: 0>} : vector<16xi32>
        %add3A_494 = arith.constant 80 : i32
        %add3A_495 = vector.broadcast %add3A_494 : i32 to vector<16xi32>
        %add3A_496 = arith.addi %iota3A_493, %add3A_495 : vector<16xi32>
        %gather3A_497 = tpu.vector_load_idx %arg10[%broadcast_in_dim3A_461, %add3A_496] : memref<80x128xf32, #tpu.memory_space<vmem>>[vector<16xi32>, vector<16xi32>], vector<16xf32>,
        %mul3A_498 = arith.mulf %gather3A_497, %gather3A : vector<16xf32>
        tpu.vector_store_idx %arg10[%broadcast_in_dim3A_461, %add3A_496], %mul3A_498 : memref<80x128xf32, #tpu.memory_space<vmem>>[vector<16xi32>, vector<16xi32>], vector<16xf32>,
        %iota3A_499 = tpu.iota {dimensions = array<i32: 0>} : vector<16xi32>
        %add3A_500 = arith.constant 96 : i32
        %add3A_501 = vector.broadcast %add3A_500 : i32 to vector<16xi32>
        %add3A_502 = arith.addi %iota3A_499, %add3A_501 : vector<16xi32>
        %gather3A_503 = tpu.vector_load_idx %arg10[%broadcast_in_dim3A_461, %add3A_502] : memref<80x128xf32, #tpu.memory_space<vmem>>[vector<16xi32>, vector<16xi32>], vector<16xf32>,
        %mul3A_504 = arith.mulf %gather3A_503, %gather3A : vector<16xf32>
        tpu.vector_store_idx %arg10[%broadcast_in_dim3A_461, %add3A_502], %mul3A_504 : memref<80x128xf32, #tpu.memory_space<vmem>>[vector<16xi32>, vector<16xi32>], vector<16xf32>,
        %iota3A_505 = tpu.iota {dimensions = array<i32: 0>} : vector<16xi32>
        %add3A_506 = arith.constant 112 : i32
        %add3A_507 = vector.broadcast %add3A_506 : i32 to vector<16xi32>
        %add3A_508 = arith.addi %iota3A_505, %add3A_507 : vector<16xi32>
        %gather3A_509 = tpu.vector_load_idx %arg10[%broadcast_in_dim3A_461, %add3A_508] : memref<80x128xf32, #tpu.memory_space<vmem>>[vector<16xi32>, vector<16xi32>], vector<16xf32>,
        %mul3A_510 = arith.mulf %gather3A_509, %gather3A : vector<16xf32>
        tpu.vector_store_idx %arg10[%broadcast_in_dim3A_461, %add3A_508], %mul3A_510 : memref<80x128xf32, #tpu.memory_space<vmem>>[vector<16xi32>, vector<16xi32>], vector<16xf32>,
        %scan3A_511 = arith.constant 0 : i32
        scf.yield %scan3A_511 : i32
      }
      %scan3A_451 = arith.constant 80 : i32
      %dma_start3A_452 = arith.constant 0 : i32
      %dma_start3A_453 = arith.constant 0 : i32
      %dma_start3A_454 = tpu.memref_slice %arg4[%mul3A_437, %dma_start3A_453] : memref<10000x128xf32, #tpu.memory_space<hbm>> -> memref<80x128xf32, #tpu.memory_space<hbm>>
      %dma_start3A_455 = tpu.memref_slice %arg16[%dma_start3A_452] : memref<2x!tpu.dma_semaphore, #tpu.memory_space<semaphore_mem>> -> memref<1x!tpu.dma_semaphore, #tpu.memory_space<semaphore_mem>>
      %dma_start3A_456 = tpu.memref_squeeze %dma_start3A_455 : memref<1x!tpu.dma_semaphore, #tpu.memory_space<semaphore_mem>> -> memref<!tpu.dma_semaphore, #tpu.memory_space<semaphore_mem>>
      %dma_start3A_457 = arith.constant 0 : i32
      %dma_start3A_458 = tpu.memref_slice %arg4[%mul3A_437, %dma_start3A_457] : memref<10000x128xf32, #tpu.memory_space<hbm>> -> memref<80x128xf32, #tpu.memory_space<hbm>>
      tpu.enqueue_dma source(%arg10 : memref<80x128xf32, #tpu.memory_space<vmem>>) target(%dma_start3A_458 : memref<80x128xf32, #tpu.memory_space<hbm>>) target_semaphore(%dma_start3A_456 : memref<!tpu.dma_semaphore, #tpu.memory_space<semaphore_mem>>)
    } else {
    }
    %add3A_373 = arith.constant 64 : i32
    %add3A_374 = arith.addi %add3A_373, %add3A : i32
    %lt3A_375 = arith.constant 125 : i32
    %lt3A_376 = arith.cmpi slt, %add3A_374, %lt3A_375 : i32
    %convert_element_type3A_377 = arith.extui %lt3A_376 : i1 to i32
    %cond3A_378 = arith.constant 0 : i32
    %cond3A_379 = arith.cmpi ne, %convert_element_type3A_377, %cond3A_378 : i32
    scf.if %cond3A_379 {
      %mul3A_436 = arith.constant 80 : i32
      %mul3A_437 = arith.muli %add3A_374, %mul3A_436 : i32
      %dma_start3A_438 = arith.constant 0 : i32
      %dma_start3A_439 = arith.constant 0 : i32
      %dma_start3A_440 = tpu.memref_slice %arg2[%mul3A_437, %dma_start3A_439] : memref<10000x128xf32, #tpu.memory_space<hbm>> -> memref<80x128xf32, #tpu.memory_space<hbm>>
      %dma_start3A_441 = tpu.memref_slice %arg15[%dma_start3A_438] : memref<2x!tpu.dma_semaphore, #tpu.memory_space<semaphore_mem>> -> memref<1x!tpu.dma_semaphore, #tpu.memory_space<semaphore_mem>>
      %dma_start3A_442 = tpu.memref_squeeze %dma_start3A_441 : memref<1x!tpu.dma_semaphore, #tpu.memory_space<semaphore_mem>> -> memref<!tpu.dma_semaphore, #tpu.memory_space<semaphore_mem>>
      %dma_start3A_443 = arith.constant 0 : i32
      %dma_start3A_444 = tpu.memref_slice %arg2[%mul3A_437, %dma_start3A_443] : memref<10000x128xf32, #tpu.memory_space<hbm>> -> memref<80x128xf32, #tpu.memory_space<hbm>>
      tpu.enqueue_dma source(%dma_start3A_444 : memref<80x128xf32, #tpu.memory_space<hbm>>) target(%arg10 : memref<80x128xf32, #tpu.memory_space<vmem>>) target_semaphore(%dma_start3A_442 : memref<!tpu.dma_semaphore, #tpu.memory_space<semaphore_mem>>)
    } else {
    }
    %add3A_380 = arith.constant 32 : i32
    %add3A_381 = arith.addi %add3A_380, %add3A : i32
    %lt3A_382 = arith.constant 125 : i32
    %lt3A_383 = arith.cmpi slt, %add3A_381, %lt3A_382 : i32
    %convert_element_type3A_384 = arith.extui %lt3A_383 : i1 to i32
    %cond3A_385 = arith.constant 0 : i32
    %cond3A_386 = arith.cmpi ne, %convert_element_type3A_384, %cond3A_385 : i32
    scf.if %cond3A_386 {
      %mul3A_436 = arith.constant 80 : i32
      %mul3A_437 = arith.muli %add3A_381, %mul3A_436 : i32
      %dma_wait3A_438 = arith.constant 1 : i32
      %dma_wait3A_439 = arith.constant 0 : i32
      %dma_wait3A_440 = tpu.memref_slice %arg2[%mul3A_437, %dma_wait3A_439] : memref<10000x128xf32, #tpu.memory_space<hbm>> -> memref<80x128xf32, #tpu.memory_space<hbm>>
      %dma_wait3A_441 = tpu.memref_slice %arg15[%dma_wait3A_438] : memref<2x!tpu.dma_semaphore, #tpu.memory_space<semaphore_mem>> -> memref<1x!tpu.dma_semaphore, #tpu.memory_space<semaphore_mem>>
      %dma_wait3A_442 = tpu.memref_squeeze %dma_wait3A_441 : memref<1x!tpu.dma_semaphore, #tpu.memory_space<semaphore_mem>> -> memref<!tpu.dma_semaphore, #tpu.memory_space<semaphore_mem>>
      %dma_wait3A_443 = arith.constant 0 : i32
      %dma_wait3A_444 = tpu.memref_slice %arg2[%mul3A_437, %dma_wait3A_443] : memref<10000x128xf32, #tpu.memory_space<hbm>> -> memref<80x128xf32, #tpu.memory_space<hbm>>
      tpu.wait_dma2 semaphore(%dma_wait3A_442 : memref<!tpu.dma_semaphore, #tpu.memory_space<semaphore_mem>>) src(%dma_wait3A_444 : memref<80x128xf32, #tpu.memory_space<hbm>>) dst(%arg11 : memref<80x128xf32, #tpu.memory_space<vmem>>)
      %scan3A_445 = arith.constant 0 : i32
      %scan3A_446 = arith.constant 0 : i32
      %scan3A_447 = arith.constant 80 : i32
      %scan3A_448 = arith.addi %scan3A_446, %scan3A_447 : i32
      %scan3A_449 = arith.constant 1 : i32
      %scan3A_450 = scf.for %scan3A_459 = %scan3A_446 to %scan3A_448 step %scan3A_449 iter_args(%scan3A_460 = %scan3A_445) -> (i32)  : i32 {
        %broadcast_in_dim3A_461 = vector.broadcast %scan3A_459 : i32 to vector<16xi32>
        %add3A_462 = arith.addi %mul3A_437, %scan3A_459 : i32
        %broadcast_in_dim3A_463 = vector.broadcast %add3A_462 : i32 to vector<16xi32>
        %gather3A = tpu.vector_load_idx %arg8[%broadcast_in_dim3A_463] : memref<10240xf32, #tpu.memory_space<vmem>>[vector<16xi32>], vector<16xf32>,
        %iota3A = tpu.iota {dimensions = array<i32: 0>} : vector<16xi32>
        %add3A_464 = arith.constant 0 : i32
        %add3A_465 = vector.broadcast %add3A_464 : i32 to vector<16xi32>
        %add3A_466 = arith.addi %iota3A, %add3A_465 : vector<16xi32>
        %gather3A_467 = tpu.vector_load_idx %arg11[%broadcast_in_dim3A_461, %add3A_466] : memref<80x128xf32, #tpu.memory_space<vmem>>[vector<16xi32>, vector<16xi32>], vector<16xf32>,
        %mul3A_468 = arith.mulf %gather3A_467, %gather3A : vector<16xf32>
        tpu.vector_store_idx %arg11[%broadcast_in_dim3A_461, %add3A_466], %mul3A_468 : memref<80x128xf32, #tpu.memory_space<vmem>>[vector<16xi32>, vector<16xi32>], vector<16xf32>,
        %iota3A_469 = tpu.iota {dimensions = array<i32: 0>} : vector<16xi32>
        %add3A_470 = arith.constant 16 : i32
        %add3A_471 = vector.broadcast %add3A_470 : i32 to vector<16xi32>
        %add3A_472 = arith.addi %iota3A_469, %add3A_471 : vector<16xi32>
        %gather3A_473 = tpu.vector_load_idx %arg11[%broadcast_in_dim3A_461, %add3A_472] : memref<80x128xf32, #tpu.memory_space<vmem>>[vector<16xi32>, vector<16xi32>], vector<16xf32>,
        %mul3A_474 = arith.mulf %gather3A_473, %gather3A : vector<16xf32>
        tpu.vector_store_idx %arg11[%broadcast_in_dim3A_461, %add3A_472], %mul3A_474 : memref<80x128xf32, #tpu.memory_space<vmem>>[vector<16xi32>, vector<16xi32>], vector<16xf32>,
        %iota3A_475 = tpu.iota {dimensions = array<i32: 0>} : vector<16xi32>
        %add3A_476 = arith.constant 32 : i32
        %add3A_477 = vector.broadcast %add3A_476 : i32 to vector<16xi32>
        %add3A_478 = arith.addi %iota3A_475, %add3A_477 : vector<16xi32>
        %gather3A_479 = tpu.vector_load_idx %arg11[%broadcast_in_dim3A_461, %add3A_478] : memref<80x128xf32, #tpu.memory_space<vmem>>[vector<16xi32>, vector<16xi32>], vector<16xf32>,
        %mul3A_480 = arith.mulf %gather3A_479, %gather3A : vector<16xf32>
        tpu.vector_store_idx %arg11[%broadcast_in_dim3A_461, %add3A_478], %mul3A_480 : memref<80x128xf32, #tpu.memory_space<vmem>>[vector<16xi32>, vector<16xi32>], vector<16xf32>,
        %iota3A_481 = tpu.iota {dimensions = array<i32: 0>} : vector<16xi32>
        %add3A_482 = arith.constant 48 : i32
        %add3A_483 = vector.broadcast %add3A_482 : i32 to vector<16xi32>
        %add3A_484 = arith.addi %iota3A_481, %add3A_483 : vector<16xi32>
        %gather3A_485 = tpu.vector_load_idx %arg11[%broadcast_in_dim3A_461, %add3A_484] : memref<80x128xf32, #tpu.memory_space<vmem>>[vector<16xi32>, vector<16xi32>], vector<16xf32>,
        %mul3A_486 = arith.mulf %gather3A_485, %gather3A : vector<16xf32>
        tpu.vector_store_idx %arg11[%broadcast_in_dim3A_461, %add3A_484], %mul3A_486 : memref<80x128xf32, #tpu.memory_space<vmem>>[vector<16xi32>, vector<16xi32>], vector<16xf32>,
        %iota3A_487 = tpu.iota {dimensions = array<i32: 0>} : vector<16xi32>
        %add3A_488 = arith.constant 64 : i32
        %add3A_489 = vector.broadcast %add3A_488 : i32 to vector<16xi32>
        %add3A_490 = arith.addi %iota3A_487, %add3A_489 : vector<16xi32>
        %gather3A_491 = tpu.vector_load_idx %arg11[%broadcast_in_dim3A_461, %add3A_490] : memref<80x128xf32, #tpu.memory_space<vmem>>[vector<16xi32>, vector<16xi32>], vector<16xf32>,
        %mul3A_492 = arith.mulf %gather3A_491, %gather3A : vector<16xf32>
        tpu.vector_store_idx %arg11[%broadcast_in_dim3A_461, %add3A_490], %mul3A_492 : memref<80x128xf32, #tpu.memory_space<vmem>>[vector<16xi32>, vector<16xi32>], vector<16xf32>,
        %iota3A_493 = tpu.iota {dimensions = array<i32: 0>} : vector<16xi32>
        %add3A_494 = arith.constant 80 : i32
        %add3A_495 = vector.broadcast %add3A_494 : i32 to vector<16xi32>
        %add3A_496 = arith.addi %iota3A_493, %add3A_495 : vector<16xi32>
        %gather3A_497 = tpu.vector_load_idx %arg11[%broadcast_in_dim3A_461, %add3A_496] : memref<80x128xf32, #tpu.memory_space<vmem>>[vector<16xi32>, vector<16xi32>], vector<16xf32>,
        %mul3A_498 = arith.mulf %gather3A_497, %gather3A : vector<16xf32>
        tpu.vector_store_idx %arg11[%broadcast_in_dim3A_461, %add3A_496], %mul3A_498 : memref<80x128xf32, #tpu.memory_space<vmem>>[vector<16xi32>, vector<16xi32>], vector<16xf32>,
        %iota3A_499 = tpu.iota {dimensions = array<i32: 0>} : vector<16xi32>
        %add3A_500 = arith.constant 96 : i32
        %add3A_501 = vector.broadcast %add3A_500 : i32 to vector<16xi32>
        %add3A_502 = arith.addi %iota3A_499, %add3A_501 : vector<16xi32>
        %gather3A_503 = tpu.vector_load_idx %arg11[%broadcast_in_dim3A_461, %add3A_502] : memref<80x128xf32, #tpu.memory_space<vmem>>[vector<16xi32>, vector<16xi32>], vector<16xf32>,
        %mul3A_504 = arith.mulf %gather3A_503, %gather3A : vector<16xf32>
        tpu.vector_store_idx %arg11[%broadcast_in_dim3A_461, %add3A_502], %mul3A_504 : memref<80x128xf32, #tpu.memory_space<vmem>>[vector<16xi32>, vector<16xi32>], vector<16xf32>,
        %iota3A_505 = tpu.iota {dimensions = array<i32: 0>} : vector<16xi32>
        %add3A_506 = arith.constant 112 : i32
        %add3A_507 = vector.broadcast %add3A_506 : i32 to vector<16xi32>
        %add3A_508 = arith.addi %iota3A_505, %add3A_507 : vector<16xi32>
        %gather3A_509 = tpu.vector_load_idx %arg11[%broadcast_in_dim3A_461, %add3A_508] : memref<80x128xf32, #tpu.memory_space<vmem>>[vector<16xi32>, vector<16xi32>], vector<16xf32>,
        %mul3A_510 = arith.mulf %gather3A_509, %gather3A : vector<16xf32>
        tpu.vector_store_idx %arg11[%broadcast_in_dim3A_461, %add3A_508], %mul3A_510 : memref<80x128xf32, #tpu.memory_space<vmem>>[vector<16xi32>, vector<16xi32>], vector<16xf32>,
        %scan3A_511 = arith.constant 0 : i32
        scf.yield %scan3A_511 : i32
      }
      %scan3A_451 = arith.constant 80 : i32
      %dma_start3A_452 = arith.constant 1 : i32
      %dma_start3A_453 = arith.constant 0 : i32
      %dma_start3A_454 = tpu.memref_slice %arg4[%mul3A_437, %dma_start3A_453] : memref<10000x128xf32, #tpu.memory_space<hbm>> -> memref<80x128xf32, #tpu.memory_space<hbm>>
      %dma_start3A_455 = tpu.memref_slice %arg16[%dma_start3A_452] : memref<2x!tpu.dma_semaphore, #tpu.memory_space<semaphore_mem>> -> memref<1x!tpu.dma_semaphore, #tpu.memory_space<semaphore_mem>>
      %dma_start3A_456 = tpu.memref_squeeze %dma_start3A_455 : memref<1x!tpu.dma_semaphore, #tpu.memory_space<semaphore_mem>> -> memref<!tpu.dma_semaphore, #tpu.memory_space<semaphore_mem>>
      %dma_start3A_457 = arith.constant 0 : i32
      %dma_start3A_458 = tpu.memref_slice %arg4[%mul3A_437, %dma_start3A_457] : memref<10000x128xf32, #tpu.memory_space<hbm>> -> memref<80x128xf32, #tpu.memory_space<hbm>>
      tpu.enqueue_dma source(%arg11 : memref<80x128xf32, #tpu.memory_space<vmem>>) target(%dma_start3A_458 : memref<80x128xf32, #tpu.memory_space<hbm>>) target_semaphore(%dma_start3A_456 : memref<!tpu.dma_semaphore, #tpu.memory_space<semaphore_mem>>)
    } else {
    }
    %add3A_387 = arith.constant 0 : i32
    %add3A_388 = arith.addi %add3A_387, %add3A : i32
    %lt3A_389 = arith.constant 125 : i32
    %lt3A_390 = arith.cmpi slt, %add3A_388, %lt3A_389 : i32
    %convert_element_type3A_391 = arith.extui %lt3A_390 : i1 to i32
    %cond3A_392 = arith.constant 0 : i32
    %cond3A_393 = arith.cmpi ne, %convert_element_type3A_391, %cond3A_392 : i32
    scf.if %cond3A_393 {
      %mul3A_436 = arith.constant 80 : i32
      %mul3A_437 = arith.muli %add3A_388, %mul3A_436 : i32
      %dma_wait3A_438 = arith.constant 0 : i32
      %dma_wait3A_439 = arith.constant 0 : i32
      %dma_wait3A_440 = tpu.memref_slice %arg4[%mul3A_437, %dma_wait3A_439] : memref<10000x128xf32, #tpu.memory_space<hbm>> -> memref<80x128xf32, #tpu.memory_space<hbm>>
      %dma_wait3A_441 = tpu.memref_slice %arg16[%dma_wait3A_438] : memref<2x!tpu.dma_semaphore, #tpu.memory_space<semaphore_mem>> -> memref<1x!tpu.dma_semaphore, #tpu.memory_space<semaphore_mem>>
      %dma_wait3A_442 = tpu.memref_squeeze %dma_wait3A_441 : memref<1x!tpu.dma_semaphore, #tpu.memory_space<semaphore_mem>> -> memref<!tpu.dma_semaphore, #tpu.memory_space<semaphore_mem>>
      %dma_wait3A_443 = arith.constant 0 : i32
      %dma_wait3A_444 = tpu.memref_slice %arg4[%mul3A_437, %dma_wait3A_443] : memref<10000x128xf32, #tpu.memory_space<hbm>> -> memref<80x128xf32, #tpu.memory_space<hbm>>
      tpu.wait_dma2 semaphore(%dma_wait3A_442 : memref<!tpu.dma_semaphore, #tpu.memory_space<semaphore_mem>>) src(%arg10 : memref<80x128xf32, #tpu.memory_space<vmem>>) dst(%dma_wait3A_444 : memref<80x128xf32, #tpu.memory_space<hbm>>)
    } else {
    }
    %add3A_394 = arith.constant 96 : i32
    %add3A_395 = arith.addi %add3A_394, %add3A : i32
    %lt3A_396 = arith.constant 125 : i32
    %lt3A_397 = arith.cmpi slt, %add3A_395, %lt3A_396 : i32
    %convert_element_type3A_398 = arith.extui %lt3A_397 : i1 to i32
    %cond3A_399 = arith.constant 0 : i32
    %cond3A_400 = arith.cmpi ne, %convert_element_type3A_398, %cond3A_399 : i32
    scf.if %cond3A_400 {
      %mul3A_436 = arith.constant 80 : i32
      %mul3A_437 = arith.muli %add3A_395, %mul3A_436 : i32
      %dma_start3A_438 = arith.constant 1 : i32
      %dma_start3A_439 = arith.constant 0 : i32
      %dma_start3A_440 = tpu.memref_slice %arg2[%mul3A_437, %dma_start3A_439] : memref<10000x128xf32, #tpu.memory_space<hbm>> -> memref<80x128xf32, #tpu.memory_space<hbm>>
      %dma_start3A_441 = tpu.memref_slice %arg15[%dma_start3A_438] : memref<2x!tpu.dma_semaphore, #tpu.memory_space<semaphore_mem>> -> memref<1x!tpu.dma_semaphore, #tpu.memory_space<semaphore_mem>>
      %dma_start3A_442 = tpu.memref_squeeze %dma_start3A_441 : memref<1x!tpu.dma_semaphore, #tpu.memory_space<semaphore_mem>> -> memref<!tpu.dma_semaphore, #tpu.memory_space<semaphore_mem>>
      %dma_start3A_443 = arith.constant 0 : i32
      %dma_start3A_444 = tpu.memref_slice %arg2[%mul3A_437, %dma_start3A_443] : memref<10000x128xf32, #tpu.memory_space<hbm>> -> memref<80x128xf32, #tpu.memory_space<hbm>>
      tpu.enqueue_dma source(%dma_start3A_444 : memref<80x128xf32, #tpu.memory_space<hbm>>) target(%arg11 : memref<80x128xf32, #tpu.memory_space<vmem>>) target_semaphore(%dma_start3A_442 : memref<!tpu.dma_semaphore, #tpu.memory_space<semaphore_mem>>)
    } else {
    }
    %add3A_401 = arith.constant 64 : i32
    %add3A_402 = arith.addi %add3A_401, %add3A : i32
    %lt3A_403 = arith.constant 125 : i32
    %lt3A_404 = arith.cmpi slt, %add3A_402, %lt3A_403 : i32
    %convert_element_type3A_405 = arith.extui %lt3A_404 : i1 to i32
    %cond3A_406 = arith.constant 0 : i32
    %cond3A_407 = arith.cmpi ne, %convert_element_type3A_405, %cond3A_406 : i32
    scf.if %cond3A_407 {
      %mul3A_436 = arith.constant 80 : i32
      %mul3A_437 = arith.muli %add3A_402, %mul3A_436 : i32
      %dma_wait3A_438 = arith.constant 0 : i32
      %dma_wait3A_439 = arith.constant 0 : i32
      %dma_wait3A_440 = tpu.memref_slice %arg2[%mul3A_437, %dma_wait3A_439] : memref<10000x128xf32, #tpu.memory_space<hbm>> -> memref<80x128xf32, #tpu.memory_space<hbm>>
      %dma_wait3A_441 = tpu.memref_slice %arg15[%dma_wait3A_438] : memref<2x!tpu.dma_semaphore, #tpu.memory_space<semaphore_mem>> -> memref<1x!tpu.dma_semaphore, #tpu.memory_space<semaphore_mem>>
      %dma_wait3A_442 = tpu.memref_squeeze %dma_wait3A_441 : memref<1x!tpu.dma_semaphore, #tpu.memory_space<semaphore_mem>> -> memref<!tpu.dma_semaphore, #tpu.memory_space<semaphore_mem>>
      %dma_wait3A_443 = arith.constant 0 : i32
      %dma_wait3A_444 = tpu.memref_slice %arg2[%mul3A_437, %dma_wait3A_443] : memref<10000x128xf32, #tpu.memory_space<hbm>> -> memref<80x128xf32, #tpu.memory_space<hbm>>
      tpu.wait_dma2 semaphore(%dma_wait3A_442 : memref<!tpu.dma_semaphore, #tpu.memory_space<semaphore_mem>>) src(%dma_wait3A_444 : memref<80x128xf32, #tpu.memory_space<hbm>>) dst(%arg10 : memref<80x128xf32, #tpu.memory_space<vmem>>)
      %scan3A_445 = arith.constant 0 : i32
      %scan3A_446 = arith.constant 0 : i32
      %scan3A_447 = arith.constant 80 : i32
      %scan3A_448 = arith.addi %scan3A_446, %scan3A_447 : i32
      %scan3A_449 = arith.constant 1 : i32
      %scan3A_450 = scf.for %scan3A_459 = %scan3A_446 to %scan3A_448 step %scan3A_449 iter_args(%scan3A_460 = %scan3A_445) -> (i32)  : i32 {
        %broadcast_in_dim3A_461 = vector.broadcast %scan3A_459 : i32 to vector<16xi32>
        %add3A_462 = arith.addi %mul3A_437, %scan3A_459 : i32
        %broadcast_in_dim3A_463 = vector.broadcast %add3A_462 : i32 to vector<16xi32>
        %gather3A = tpu.vector_load_idx %arg8[%broadcast_in_dim3A_463] : memref<10240xf32, #tpu.memory_space<vmem>>[vector<16xi32>], vector<16xf32>,
        %iota3A = tpu.iota {dimensions = array<i32: 0>} : vector<16xi32>
        %add3A_464 = arith.constant 0 : i32
        %add3A_465 = vector.broadcast %add3A_464 : i32 to vector<16xi32>
        %add3A_466 = arith.addi %iota3A, %add3A_465 : vector<16xi32>
        %gather3A_467 = tpu.vector_load_idx %arg10[%broadcast_in_dim3A_461, %add3A_466] : memref<80x128xf32, #tpu.memory_space<vmem>>[vector<16xi32>, vector<16xi32>], vector<16xf32>,
        %mul3A_468 = arith.mulf %gather3A_467, %gather3A : vector<16xf32>
        tpu.vector_store_idx %arg10[%broadcast_in_dim3A_461, %add3A_466], %mul3A_468 : memref<80x128xf32, #tpu.memory_space<vmem>>[vector<16xi32>, vector<16xi32>], vector<16xf32>,
        %iota3A_469 = tpu.iota {dimensions = array<i32: 0>} : vector<16xi32>
        %add3A_470 = arith.constant 16 : i32
        %add3A_471 = vector.broadcast %add3A_470 : i32 to vector<16xi32>
        %add3A_472 = arith.addi %iota3A_469, %add3A_471 : vector<16xi32>
        %gather3A_473 = tpu.vector_load_idx %arg10[%broadcast_in_dim3A_461, %add3A_472] : memref<80x128xf32, #tpu.memory_space<vmem>>[vector<16xi32>, vector<16xi32>], vector<16xf32>,
        %mul3A_474 = arith.mulf %gather3A_473, %gather3A : vector<16xf32>
        tpu.vector_store_idx %arg10[%broadcast_in_dim3A_461, %add3A_472], %mul3A_474 : memref<80x128xf32, #tpu.memory_space<vmem>>[vector<16xi32>, vector<16xi32>], vector<16xf32>,
        %iota3A_475 = tpu.iota {dimensions = array<i32: 0>} : vector<16xi32>
        %add3A_476 = arith.constant 32 : i32
        %add3A_477 = vector.broadcast %add3A_476 : i32 to vector<16xi32>
        %add3A_478 = arith.addi %iota3A_475, %add3A_477 : vector<16xi32>
        %gather3A_479 = tpu.vector_load_idx %arg10[%broadcast_in_dim3A_461, %add3A_478] : memref<80x128xf32, #tpu.memory_space<vmem>>[vector<16xi32>, vector<16xi32>], vector<16xf32>,
        %mul3A_480 = arith.mulf %gather3A_479, %gather3A : vector<16xf32>
        tpu.vector_store_idx %arg10[%broadcast_in_dim3A_461, %add3A_478], %mul3A_480 : memref<80x128xf32, #tpu.memory_space<vmem>>[vector<16xi32>, vector<16xi32>], vector<16xf32>,
        %iota3A_481 = tpu.iota {dimensions = array<i32: 0>} : vector<16xi32>
        %add3A_482 = arith.constant 48 : i32
        %add3A_483 = vector.broadcast %add3A_482 : i32 to vector<16xi32>
        %add3A_484 = arith.addi %iota3A_481, %add3A_483 : vector<16xi32>
        %gather3A_485 = tpu.vector_load_idx %arg10[%broadcast_in_dim3A_461, %add3A_484] : memref<80x128xf32, #tpu.memory_space<vmem>>[vector<16xi32>, vector<16xi32>], vector<16xf32>,
        %mul3A_486 = arith.mulf %gather3A_485, %gather3A : vector<16xf32>
        tpu.vector_store_idx %arg10[%broadcast_in_dim3A_461, %add3A_484], %mul3A_486 : memref<80x128xf32, #tpu.memory_space<vmem>>[vector<16xi32>, vector<16xi32>], vector<16xf32>,
        %iota3A_487 = tpu.iota {dimensions = array<i32: 0>} : vector<16xi32>
        %add3A_488 = arith.constant 64 : i32
        %add3A_489 = vector.broadcast %add3A_488 : i32 to vector<16xi32>
        %add3A_490 = arith.addi %iota3A_487, %add3A_489 : vector<16xi32>
        %gather3A_491 = tpu.vector_load_idx %arg10[%broadcast_in_dim3A_461, %add3A_490] : memref<80x128xf32, #tpu.memory_space<vmem>>[vector<16xi32>, vector<16xi32>], vector<16xf32>,
        %mul3A_492 = arith.mulf %gather3A_491, %gather3A : vector<16xf32>
        tpu.vector_store_idx %arg10[%broadcast_in_dim3A_461, %add3A_490], %mul3A_492 : memref<80x128xf32, #tpu.memory_space<vmem>>[vector<16xi32>, vector<16xi32>], vector<16xf32>,
        %iota3A_493 = tpu.iota {dimensions = array<i32: 0>} : vector<16xi32>
        %add3A_494 = arith.constant 80 : i32
        %add3A_495 = vector.broadcast %add3A_494 : i32 to vector<16xi32>
        %add3A_496 = arith.addi %iota3A_493, %add3A_495 : vector<16xi32>
        %gather3A_497 = tpu.vector_load_idx %arg10[%broadcast_in_dim3A_461, %add3A_496] : memref<80x128xf32, #tpu.memory_space<vmem>>[vector<16xi32>, vector<16xi32>], vector<16xf32>,
        %mul3A_498 = arith.mulf %gather3A_497, %gather3A : vector<16xf32>
        tpu.vector_store_idx %arg10[%broadcast_in_dim3A_461, %add3A_496], %mul3A_498 : memref<80x128xf32, #tpu.memory_space<vmem>>[vector<16xi32>, vector<16xi32>], vector<16xf32>,
        %iota3A_499 = tpu.iota {dimensions = array<i32: 0>} : vector<16xi32>
        %add3A_500 = arith.constant 96 : i32
        %add3A_501 = vector.broadcast %add3A_500 : i32 to vector<16xi32>
        %add3A_502 = arith.addi %iota3A_499, %add3A_501 : vector<16xi32>
        %gather3A_503 = tpu.vector_load_idx %arg10[%broadcast_in_dim3A_461, %add3A_502] : memref<80x128xf32, #tpu.memory_space<vmem>>[vector<16xi32>, vector<16xi32>], vector<16xf32>,
        %mul3A_504 = arith.mulf %gather3A_503, %gather3A : vector<16xf32>
        tpu.vector_store_idx %arg10[%broadcast_in_dim3A_461, %add3A_502], %mul3A_504 : memref<80x128xf32, #tpu.memory_space<vmem>>[vector<16xi32>, vector<16xi32>], vector<16xf32>,
        %iota3A_505 = tpu.iota {dimensions = array<i32: 0>} : vector<16xi32>
        %add3A_506 = arith.constant 112 : i32
        %add3A_507 = vector.broadcast %add3A_506 : i32 to vector<16xi32>
        %add3A_508 = arith.addi %iota3A_505, %add3A_507 : vector<16xi32>
        %gather3A_509 = tpu.vector_load_idx %arg10[%broadcast_in_dim3A_461, %add3A_508] : memref<80x128xf32, #tpu.memory_space<vmem>>[vector<16xi32>, vector<16xi32>], vector<16xf32>,
        %mul3A_510 = arith.mulf %gather3A_509, %gather3A : vector<16xf32>
        tpu.vector_store_idx %arg10[%broadcast_in_dim3A_461, %add3A_508], %mul3A_510 : memref<80x128xf32, #tpu.memory_space<vmem>>[vector<16xi32>, vector<16xi32>], vector<16xf32>,
        %scan3A_511 = arith.constant 0 : i32
        scf.yield %scan3A_511 : i32
      }
      %scan3A_451 = arith.constant 80 : i32
      %dma_start3A_452 = arith.constant 0 : i32
      %dma_start3A_453 = arith.constant 0 : i32
      %dma_start3A_454 = tpu.memref_slice %arg4[%mul3A_437, %dma_start3A_453] : memref<10000x128xf32, #tpu.memory_space<hbm>> -> memref<80x128xf32, #tpu.memory_space<hbm>>
      %dma_start3A_455 = tpu.memref_slice %arg16[%dma_start3A_452] : memref<2x!tpu.dma_semaphore, #tpu.memory_space<semaphore_mem>> -> memref<1x!tpu.dma_semaphore, #tpu.memory_space<semaphore_mem>>
      %dma_start3A_456 = tpu.memref_squeeze %dma_start3A_455 : memref<1x!tpu.dma_semaphore, #tpu.memory_space<semaphore_mem>> -> memref<!tpu.dma_semaphore, #tpu.memory_space<semaphore_mem>>
      %dma_start3A_457 = arith.constant 0 : i32
      %dma_start3A_458 = tpu.memref_slice %arg4[%mul3A_437, %dma_start3A_457] : memref<10000x128xf32, #tpu.memory_space<hbm>> -> memref<80x128xf32, #tpu.memory_space<hbm>>
      tpu.enqueue_dma source(%arg10 : memref<80x128xf32, #tpu.memory_space<vmem>>) target(%dma_start3A_458 : memref<80x128xf32, #tpu.memory_space<hbm>>) target_semaphore(%dma_start3A_456 : memref<!tpu.dma_semaphore, #tpu.memory_space<semaphore_mem>>)
    } else {
    }
    %add3A_408 = arith.constant 32 : i32
    %add3A_409 = arith.addi %add3A_408, %add3A : i32
    %lt3A_410 = arith.constant 125 : i32
    %lt3A_411 = arith.cmpi slt, %add3A_409, %lt3A_410 : i32
    %convert_element_type3A_412 = arith.extui %lt3A_411 : i1 to i32
    %cond3A_413 = arith.constant 0 : i32
    %cond3A_414 = arith.cmpi ne, %convert_element_type3A_412, %cond3A_413 : i32
    scf.if %cond3A_414 {
      %mul3A_436 = arith.constant 80 : i32
      %mul3A_437 = arith.muli %add3A_409, %mul3A_436 : i32
      %dma_wait3A_438 = arith.constant 1 : i32
      %dma_wait3A_439 = arith.constant 0 : i32
      %dma_wait3A_440 = tpu.memref_slice %arg4[%mul3A_437, %dma_wait3A_439] : memref<10000x128xf32, #tpu.memory_space<hbm>> -> memref<80x128xf32, #tpu.memory_space<hbm>>
      %dma_wait3A_441 = tpu.memref_slice %arg16[%dma_wait3A_438] : memref<2x!tpu.dma_semaphore, #tpu.memory_space<semaphore_mem>> -> memref<1x!tpu.dma_semaphore, #tpu.memory_space<semaphore_mem>>
      %dma_wait3A_442 = tpu.memref_squeeze %dma_wait3A_441 : memref<1x!tpu.dma_semaphore, #tpu.memory_space<semaphore_mem>> -> memref<!tpu.dma_semaphore, #tpu.memory_space<semaphore_mem>>
      %dma_wait3A_443 = arith.constant 0 : i32
      %dma_wait3A_444 = tpu.memref_slice %arg4[%mul3A_437, %dma_wait3A_443] : memref<10000x128xf32, #tpu.memory_space<hbm>> -> memref<80x128xf32, #tpu.memory_space<hbm>>
      tpu.wait_dma2 semaphore(%dma_wait3A_442 : memref<!tpu.dma_semaphore, #tpu.memory_space<semaphore_mem>>) src(%arg11 : memref<80x128xf32, #tpu.memory_space<vmem>>) dst(%dma_wait3A_444 : memref<80x128xf32, #tpu.memory_space<hbm>>)
    } else {
    }
    %add3A_415 = arith.constant 96 : i32
    %add3A_416 = arith.addi %add3A_415, %add3A : i32
    %lt3A_417 = arith.constant 125 : i32
    %lt3A_418 = arith.cmpi slt, %add3A_416, %lt3A_417 : i32
    %convert_element_type3A_419 = arith.extui %lt3A_418 : i1 to i32
    %cond3A_420 = arith.constant 0 : i32
    %cond3A_421 = arith.cmpi ne, %convert_element_type3A_419, %cond3A_420 : i32
    scf.if %cond3A_421 {
      %mul3A_436 = arith.constant 80 : i32
      %mul3A_437 = arith.muli %add3A_416, %mul3A_436 : i32
      %dma_wait3A_438 = arith.constant 1 : i32
      %dma_wait3A_439 = arith.constant 0 : i32
      %dma_wait3A_440 = tpu.memref_slice %arg2[%mul3A_437, %dma_wait3A_439] : memref<10000x128xf32, #tpu.memory_space<hbm>> -> memref<80x128xf32, #tpu.memory_space<hbm>>
      %dma_wait3A_441 = tpu.memref_slice %arg15[%dma_wait3A_438] : memref<2x!tpu.dma_semaphore, #tpu.memory_space<semaphore_mem>> -> memref<1x!tpu.dma_semaphore, #tpu.memory_space<semaphore_mem>>
      %dma_wait3A_442 = tpu.memref_squeeze %dma_wait3A_441 : memref<1x!tpu.dma_semaphore, #tpu.memory_space<semaphore_mem>> -> memref<!tpu.dma_semaphore, #tpu.memory_space<semaphore_mem>>
      %dma_wait3A_443 = arith.constant 0 : i32
      %dma_wait3A_444 = tpu.memref_slice %arg2[%mul3A_437, %dma_wait3A_443] : memref<10000x128xf32, #tpu.memory_space<hbm>> -> memref<80x128xf32, #tpu.memory_space<hbm>>
      tpu.wait_dma2 semaphore(%dma_wait3A_442 : memref<!tpu.dma_semaphore, #tpu.memory_space<semaphore_mem>>) src(%dma_wait3A_444 : memref<80x128xf32, #tpu.memory_space<hbm>>) dst(%arg11 : memref<80x128xf32, #tpu.memory_space<vmem>>)
      %scan3A_445 = arith.constant 0 : i32
      %scan3A_446 = arith.constant 0 : i32
      %scan3A_447 = arith.constant 80 : i32
      %scan3A_448 = arith.addi %scan3A_446, %scan3A_447 : i32
      %scan3A_449 = arith.constant 1 : i32
      %scan3A_450 = scf.for %scan3A_459 = %scan3A_446 to %scan3A_448 step %scan3A_449 iter_args(%scan3A_460 = %scan3A_445) -> (i32)  : i32 {
        %broadcast_in_dim3A_461 = vector.broadcast %scan3A_459 : i32 to vector<16xi32>
        %add3A_462 = arith.addi %mul3A_437, %scan3A_459 : i32
        %broadcast_in_dim3A_463 = vector.broadcast %add3A_462 : i32 to vector<16xi32>
        %gather3A = tpu.vector_load_idx %arg8[%broadcast_in_dim3A_463] : memref<10240xf32, #tpu.memory_space<vmem>>[vector<16xi32>], vector<16xf32>,
        %iota3A = tpu.iota {dimensions = array<i32: 0>} : vector<16xi32>
        %add3A_464 = arith.constant 0 : i32
        %add3A_465 = vector.broadcast %add3A_464 : i32 to vector<16xi32>
        %add3A_466 = arith.addi %iota3A, %add3A_465 : vector<16xi32>
        %gather3A_467 = tpu.vector_load_idx %arg11[%broadcast_in_dim3A_461, %add3A_466] : memref<80x128xf32, #tpu.memory_space<vmem>>[vector<16xi32>, vector<16xi32>], vector<16xf32>,
        %mul3A_468 = arith.mulf %gather3A_467, %gather3A : vector<16xf32>
        tpu.vector_store_idx %arg11[%broadcast_in_dim3A_461, %add3A_466], %mul3A_468 : memref<80x128xf32, #tpu.memory_space<vmem>>[vector<16xi32>, vector<16xi32>], vector<16xf32>,
        %iota3A_469 = tpu.iota {dimensions = array<i32: 0>} : vector<16xi32>
        %add3A_470 = arith.constant 16 : i32
        %add3A_471 = vector.broadcast %add3A_470 : i32 to vector<16xi32>
        %add3A_472 = arith.addi %iota3A_469, %add3A_471 : vector<16xi32>
        %gather3A_473 = tpu.vector_load_idx %arg11[%broadcast_in_dim3A_461, %add3A_472] : memref<80x128xf32, #tpu.memory_space<vmem>>[vector<16xi32>, vector<16xi32>], vector<16xf32>,
        %mul3A_474 = arith.mulf %gather3A_473, %gather3A : vector<16xf32>
        tpu.vector_store_idx %arg11[%broadcast_in_dim3A_461, %add3A_472], %mul3A_474 : memref<80x128xf32, #tpu.memory_space<vmem>>[vector<16xi32>, vector<16xi32>], vector<16xf32>,
        %iota3A_475 = tpu.iota {dimensions = array<i32: 0>} : vector<16xi32>
        %add3A_476 = arith.constant 32 : i32
        %add3A_477 = vector.broadcast %add3A_476 : i32 to vector<16xi32>
        %add3A_478 = arith.addi %iota3A_475, %add3A_477 : vector<16xi32>
        %gather3A_479 = tpu.vector_load_idx %arg11[%broadcast_in_dim3A_461, %add3A_478] : memref<80x128xf32, #tpu.memory_space<vmem>>[vector<16xi32>, vector<16xi32>], vector<16xf32>,
        %mul3A_480 = arith.mulf %gather3A_479, %gather3A : vector<16xf32>
        tpu.vector_store_idx %arg11[%broadcast_in_dim3A_461, %add3A_478], %mul3A_480 : memref<80x128xf32, #tpu.memory_space<vmem>>[vector<16xi32>, vector<16xi32>], vector<16xf32>,
        %iota3A_481 = tpu.iota {dimensions = array<i32: 0>} : vector<16xi32>
        %add3A_482 = arith.constant 48 : i32
        %add3A_483 = vector.broadcast %add3A_482 : i32 to vector<16xi32>
        %add3A_484 = arith.addi %iota3A_481, %add3A_483 : vector<16xi32>
        %gather3A_485 = tpu.vector_load_idx %arg11[%broadcast_in_dim3A_461, %add3A_484] : memref<80x128xf32, #tpu.memory_space<vmem>>[vector<16xi32>, vector<16xi32>], vector<16xf32>,
        %mul3A_486 = arith.mulf %gather3A_485, %gather3A : vector<16xf32>
        tpu.vector_store_idx %arg11[%broadcast_in_dim3A_461, %add3A_484], %mul3A_486 : memref<80x128xf32, #tpu.memory_space<vmem>>[vector<16xi32>, vector<16xi32>], vector<16xf32>,
        %iota3A_487 = tpu.iota {dimensions = array<i32: 0>} : vector<16xi32>
        %add3A_488 = arith.constant 64 : i32
        %add3A_489 = vector.broadcast %add3A_488 : i32 to vector<16xi32>
        %add3A_490 = arith.addi %iota3A_487, %add3A_489 : vector<16xi32>
        %gather3A_491 = tpu.vector_load_idx %arg11[%broadcast_in_dim3A_461, %add3A_490] : memref<80x128xf32, #tpu.memory_space<vmem>>[vector<16xi32>, vector<16xi32>], vector<16xf32>,
        %mul3A_492 = arith.mulf %gather3A_491, %gather3A : vector<16xf32>
        tpu.vector_store_idx %arg11[%broadcast_in_dim3A_461, %add3A_490], %mul3A_492 : memref<80x128xf32, #tpu.memory_space<vmem>>[vector<16xi32>, vector<16xi32>], vector<16xf32>,
        %iota3A_493 = tpu.iota {dimensions = array<i32: 0>} : vector<16xi32>
        %add3A_494 = arith.constant 80 : i32
        %add3A_495 = vector.broadcast %add3A_494 : i32 to vector<16xi32>
        %add3A_496 = arith.addi %iota3A_493, %add3A_495 : vector<16xi32>
        %gather3A_497 = tpu.vector_load_idx %arg11[%broadcast_in_dim3A_461, %add3A_496] : memref<80x128xf32, #tpu.memory_space<vmem>>[vector<16xi32>, vector<16xi32>], vector<16xf32>,
        %mul3A_498 = arith.mulf %gather3A_497, %gather3A : vector<16xf32>
        tpu.vector_store_idx %arg11[%broadcast_in_dim3A_461, %add3A_496], %mul3A_498 : memref<80x128xf32, #tpu.memory_space<vmem>>[vector<16xi32>, vector<16xi32>], vector<16xf32>,
        %iota3A_499 = tpu.iota {dimensions = array<i32: 0>} : vector<16xi32>
        %add3A_500 = arith.constant 96 : i32
        %add3A_501 = vector.broadcast %add3A_500 : i32 to vector<16xi32>
        %add3A_502 = arith.addi %iota3A_499, %add3A_501 : vector<16xi32>
        %gather3A_503 = tpu.vector_load_idx %arg11[%broadcast_in_dim3A_461, %add3A_502] : memref<80x128xf32, #tpu.memory_space<vmem>>[vector<16xi32>, vector<16xi32>], vector<16xf32>,
        %mul3A_504 = arith.mulf %gather3A_503, %gather3A : vector<16xf32>
        tpu.vector_store_idx %arg11[%broadcast_in_dim3A_461, %add3A_502], %mul3A_504 : memref<80x128xf32, #tpu.memory_space<vmem>>[vector<16xi32>, vector<16xi32>], vector<16xf32>,
        %iota3A_505 = tpu.iota {dimensions = array<i32: 0>} : vector<16xi32>
        %add3A_506 = arith.constant 112 : i32
        %add3A_507 = vector.broadcast %add3A_506 : i32 to vector<16xi32>
        %add3A_508 = arith.addi %iota3A_505, %add3A_507 : vector<16xi32>
        %gather3A_509 = tpu.vector_load_idx %arg11[%broadcast_in_dim3A_461, %add3A_508] : memref<80x128xf32, #tpu.memory_space<vmem>>[vector<16xi32>, vector<16xi32>], vector<16xf32>,
        %mul3A_510 = arith.mulf %gather3A_509, %gather3A : vector<16xf32>
        tpu.vector_store_idx %arg11[%broadcast_in_dim3A_461, %add3A_508], %mul3A_510 : memref<80x128xf32, #tpu.memory_space<vmem>>[vector<16xi32>, vector<16xi32>], vector<16xf32>,
        %scan3A_511 = arith.constant 0 : i32
        scf.yield %scan3A_511 : i32
      }
      %scan3A_451 = arith.constant 80 : i32
      %dma_start3A_452 = arith.constant 1 : i32
      %dma_start3A_453 = arith.constant 0 : i32
      %dma_start3A_454 = tpu.memref_slice %arg4[%mul3A_437, %dma_start3A_453] : memref<10000x128xf32, #tpu.memory_space<hbm>> -> memref<80x128xf32, #tpu.memory_space<hbm>>
      %dma_start3A_455 = tpu.memref_slice %arg16[%dma_start3A_452] : memref<2x!tpu.dma_semaphore, #tpu.memory_space<semaphore_mem>> -> memref<1x!tpu.dma_semaphore, #tpu.memory_space<semaphore_mem>>
      %dma_start3A_456 = tpu.memref_squeeze %dma_start3A_455 : memref<1x!tpu.dma_semaphore, #tpu.memory_space<semaphore_mem>> -> memref<!tpu.dma_semaphore, #tpu.memory_space<semaphore_mem>>
      %dma_start3A_457 = arith.constant 0 : i32
      %dma_start3A_458 = tpu.memref_slice %arg4[%mul3A_437, %dma_start3A_457] : memref<10000x128xf32, #tpu.memory_space<hbm>> -> memref<80x128xf32, #tpu.memory_space<hbm>>
      tpu.enqueue_dma source(%arg11 : memref<80x128xf32, #tpu.memory_space<vmem>>) target(%dma_start3A_458 : memref<80x128xf32, #tpu.memory_space<hbm>>) target_semaphore(%dma_start3A_456 : memref<!tpu.dma_semaphore, #tpu.memory_space<semaphore_mem>>)
    } else {
    }
    %add3A_422 = arith.constant 64 : i32
    %add3A_423 = arith.addi %add3A_422, %add3A : i32
    %lt3A_424 = arith.constant 125 : i32
    %lt3A_425 = arith.cmpi slt, %add3A_423, %lt3A_424 : i32
    %convert_element_type3A_426 = arith.extui %lt3A_425 : i1 to i32
    %cond3A_427 = arith.constant 0 : i32
    %cond3A_428 = arith.cmpi ne, %convert_element_type3A_426, %cond3A_427 : i32
    scf.if %cond3A_428 {
      %mul3A_436 = arith.constant 80 : i32
      %mul3A_437 = arith.muli %add3A_423, %mul3A_436 : i32
      %dma_wait3A_438 = arith.constant 0 : i32
      %dma_wait3A_439 = arith.constant 0 : i32
      %dma_wait3A_440 = tpu.memref_slice %arg4[%mul3A_437, %dma_wait3A_439] : memref<10000x128xf32, #tpu.memory_space<hbm>> -> memref<80x128xf32, #tpu.memory_space<hbm>>
      %dma_wait3A_441 = tpu.memref_slice %arg16[%dma_wait3A_438] : memref<2x!tpu.dma_semaphore, #tpu.memory_space<semaphore_mem>> -> memref<1x!tpu.dma_semaphore, #tpu.memory_space<semaphore_mem>>
      %dma_wait3A_442 = tpu.memref_squeeze %dma_wait3A_441 : memref<1x!tpu.dma_semaphore, #tpu.memory_space<semaphore_mem>> -> memref<!tpu.dma_semaphore, #tpu.memory_space<semaphore_mem>>
      %dma_wait3A_443 = arith.constant 0 : i32
      %dma_wait3A_444 = tpu.memref_slice %arg4[%mul3A_437, %dma_wait3A_443] : memref<10000x128xf32, #tpu.memory_space<hbm>> -> memref<80x128xf32, #tpu.memory_space<hbm>>
      tpu.wait_dma2 semaphore(%dma_wait3A_442 : memref<!tpu.dma_semaphore, #tpu.memory_space<semaphore_mem>>) src(%arg10 : memref<80x128xf32, #tpu.memory_space<vmem>>) dst(%dma_wait3A_444 : memref<80x128xf32, #tpu.memory_space<hbm>>)
    } else {
    }
    %add3A_429 = arith.constant 96 : i32
    %add3A_430 = arith.addi %add3A_429, %add3A : i32
    %lt3A_431 = arith.constant 125 : i32
    %lt3A_432 = arith.cmpi slt, %add3A_430, %lt3A_431 : i32
    %convert_element_type3A_433 = arith.extui %lt3A_432 : i1 to i32
    %cond3A_434 = arith.constant 0 : i32
    %cond3A_435 = arith.cmpi ne, %convert_element_type3A_433, %cond3A_434 : i32
    scf.if %cond3A_435 {
      %mul3A_436 = arith.constant 80 : i32
      %mul3A_437 = arith.muli %add3A_430, %mul3A_436 : i32
      %dma_wait3A_438 = arith.constant 1 : i32
      %dma_wait3A_439 = arith.constant 0 : i32
      %dma_wait3A_440 = tpu.memref_slice %arg4[%mul3A_437, %dma_wait3A_439] : memref<10000x128xf32, #tpu.memory_space<hbm>> -> memref<80x128xf32, #tpu.memory_space<hbm>>
      %dma_wait3A_441 = tpu.memref_slice %arg16[%dma_wait3A_438] : memref<2x!tpu.dma_semaphore, #tpu.memory_space<semaphore_mem>> -> memref<1x!tpu.dma_semaphore, #tpu.memory_space<semaphore_mem>>
      %dma_wait3A_442 = tpu.memref_squeeze %dma_wait3A_441 : memref<1x!tpu.dma_semaphore, #tpu.memory_space<semaphore_mem>> -> memref<!tpu.dma_semaphore, #tpu.memory_space<semaphore_mem>>
      %dma_wait3A_443 = arith.constant 0 : i32
      %dma_wait3A_444 = tpu.memref_slice %arg4[%mul3A_437, %dma_wait3A_443] : memref<10000x128xf32, #tpu.memory_space<hbm>> -> memref<80x128xf32, #tpu.memory_space<hbm>>
      tpu.wait_dma2 semaphore(%dma_wait3A_442 : memref<!tpu.dma_semaphore, #tpu.memory_space<semaphore_mem>>) src(%arg11 : memref<80x128xf32, #tpu.memory_space<vmem>>) dst(%dma_wait3A_444 : memref<80x128xf32, #tpu.memory_space<hbm>>)
    } else {
    }
    return
  }
}

module attributes {stable_mosaic.version = 14 : i64} {
  func.func @_k3_body(%arg0: i32, %arg1: memref<400x128xf32, #tpu.memory_space<vmem>>, %arg2: memref<400x128xf32, #tpu.memory_space<vmem>>, %arg3: memref<400x1xf32, #tpu.memory_space<vmem>>, %arg4: memref<400x1xf32, #tpu.memory_space<vmem>>, %arg5: memref<400x128xf32, #tpu.memory_space<vmem>>) attributes {dimension_semantics = [#tpu.dimension_semantics<arbitrary>], iteration_bounds = array<i64: 25>, scalar_prefetch = 0 : i64, scratch_operands = 0 : i64, tpu.core_type = #tpu.core_type<tc>, window_params = [{transform_indices = @transform_0, window_bounds = array<i64: 400, 128>}, {transform_indices = @transform_1, window_bounds = array<i64: 400, 128>}, {transform_indices = @transform_2, window_bounds = array<i64: 400, 1>}, {transform_indices = @transform_3, window_bounds = array<i64: 400, 1>}, {transform_indices = @transform_4, window_bounds = array<i64: 400, 128>}]} {
    %get3A = arith.constant 0 : index
    %get3A_0 = arith.constant 0 : index
    %get3A_1 = vector.load %arg3[%get3A, %get3A_0] : memref<400x1xf32, #tpu.memory_space<vmem>>, vector<400x1xf32>
    %get3A_2 = arith.constant 0 : index
    %get3A_3 = arith.constant 0 : index
    %get3A_4 = vector.load %arg4[%get3A_2, %get3A_3] : memref<400x1xf32, #tpu.memory_space<vmem>>, vector<400x1xf32>
    %add3A = arith.addf %get3A_1, %get3A_4 : vector<400x1xf32>
    %gt3A = arith.constant 0.000000e+00 : f32
    %gt3A_5 = vector.broadcast %gt3A : f32 to vector<400x1xf32>
    %gt3A_6 = arith.cmpf ogt, %add3A, %gt3A_5 : vector<400x1xf32>
    %rsqrt3A = math.rsqrt %add3A : vector<400x1xf32>
    %jit3A = arith.constant 0.000000e+00 : f32
    %broadcast_in_dim3A = vector.broadcast %jit3A : f32 to vector<400x1xf32>
    %select_n3A = arith.select %gt3A_6, %rsqrt3A, %broadcast_in_dim3A : vector<400x1xi1>, vector<400x1xf32>
    %get3A_7 = arith.constant 0 : index
    %get3A_8 = arith.constant 0 : index
    %get3A_9 = vector.load %arg1[%get3A_7, %get3A_8] : memref<400x128xf32, #tpu.memory_space<vmem>>, vector<400x128xf32>
    %get3A_10 = arith.constant 0 : index
    %get3A_11 = arith.constant 0 : index
    %get3A_12 = vector.load %arg2[%get3A_10, %get3A_11] : memref<400x128xf32, #tpu.memory_space<vmem>>, vector<400x128xf32>
    %add3A_13 = arith.addf %get3A_9, %get3A_12 : vector<400x128xf32>
    %mul3A = vector.broadcast %select_n3A : vector<400x1xf32> to vector<400x128xf32>
    %mul3A_14 = arith.mulf %add3A_13, %mul3A : vector<400x128xf32>
    %swap3A = arith.constant 0 : index
    %swap3A_15 = arith.constant 0 : index
    %swap3A_16 = vector.load %arg5[%swap3A, %swap3A_15] : memref<400x128xf32, #tpu.memory_space<vmem>>, vector<400x128xf32>
    tpu.vector_store %arg5[%swap3A, %swap3A_15], %mul3A_14 {strides = array<i32>} : memref<400x128xf32, #tpu.memory_space<vmem>>, vector<400x128xf32>,
    return
  }
  func.func @transform_0(%arg0: i32) -> (i32, i32) {
    %c0_i32 = arith.constant 0 : i32
    %c0_i32_0 = arith.constant 0 : i32
    return %arg0, %c0_i32 : i32, i32
  }
  func.func @transform_1(%arg0: i32) -> (i32, i32) {
    %c0_i32 = arith.constant 0 : i32
    %c0_i32_0 = arith.constant 0 : i32
    return %arg0, %c0_i32 : i32, i32
  }
  func.func @transform_2(%arg0: i32) -> (i32, i32) {
    %c0_i32 = arith.constant 0 : i32
    %c0_i32_0 = arith.constant 0 : i32
    return %arg0, %c0_i32 : i32, i32
  }
  func.func @transform_3(%arg0: i32) -> (i32, i32) {
    %c0_i32 = arith.constant 0 : i32
    %c0_i32_0 = arith.constant 0 : i32
    return %arg0, %c0_i32 : i32, i32
  }
  func.func @transform_4(%arg0: i32) -> (i32, i32) {
    %c0_i32 = arith.constant 0 : i32
    %c0_i32_0 = arith.constant 0 : i32
    return %arg0, %c0_i32 : i32, i32
  }
}

</mosaic_0001>

<sc_bundles>
// kernel: kernel.5.cloned.1.call-start
scs
__scs_entry_jumppad:
0x0: {  	(pc) =	sbr.rel $0x88, $3  }
0x1: {  	(tag) =	ssettag $0x0;
	lr =	simm.s32 $0x1  }
0x2: {  	[smem:$0x3F9F] =	sst lr;
	_ =	strace $0xD0000000  }
0x3: {  	_ = 	snop  }
0x4: {  	_ = 	snop  }
0x5: {  	_ = 	snop  }
0x6: {  	_ = 	snop  }
0x7: {  	_ = 	snop  }
__scs_overlays_trampoline_lowered:
0x8: {  	[smem:$0x3FAE] =	sst s0  }
0x9: {  	[smem:$0x3FAF] =	sst s1  }
0xa: {  	[smem:$0x3FB0] =	sst s2  }
0xb: {  	[smem:$0x3FB1] =	sst s3  }
0xc: {  	[smem:$0x3FB2] =	sst s4  }
0xd: {  	[smem:$0x3FB3] =	sst s5  }
0xe: {  	[smem:$0x3FB4] =	sst s6  }
0xf: {  	[smem:$0x3FB5] =	sst s7  }
0x10: {  	[smem:$0x3FB6] =	sst s8  }
0x11: {  	[smem:$0x3FB7] =	sst s9;
	s0 =	simm.s32 @!p0 $0x0  }
0x12: {  	s1 =	sld [smem:$0x3F9D];
	s0 =	simm.s32 @p0 $0x1  }
0x13: {  	[smem:$0x3FB8] =	sst s0;
	s0 =	simm.s32 @!p1 $0x0  }
0x14: {  	s2 =	sld [smem:$0x3F9C];
	s0 =	simm.s32 @p1 $0x1  }
0x15: {  	[smem:$0x3FB9] =	sst s0;
	s0 =	simm.s32 @!p2 $0x0  }
0x16: {  	s3 =	sld [smem:$0x3FDB];
	s0 =	simm.s32 @p2 $0x1  }
0x17: {  	s4 =	simm.s32 $0x1BF5;
	[smem:$0x3FBB] =	sst s0  }
0x18: {  	s0 =	sld [smem:$0x3F9E];
	_ =	swait.ge [sflag:s4], $0x0  }
0x19: {  	s7 =	sld [smem:$0x3F9F]  }
0x1a: {  	s8 =	sadd.s32 $0xFFFFE003, lr  }
0x1b: {  	s9 =	sadd.s32 $0xFFFFFEF7, lr;
	s5 =	simm.s32 $0xFFFFFFFF;
	p2 =	slt.u32 s8, $0xFFFFF086  }
0x1c: {  	p1 =	slt.u32 s9, $0xF7A;
	s5 =	simm.s32 @!p2 $0x0  }
0x1d: {  	s5 =	simm.s32 @p1 $0x1;
	p0 =	seq.s32 s7, s2  }
0x1e: {  	s7 =	smul.u32 @!p0 $0xF7A, s2;
	p2 =	seq.s32 @!p0 s5, $0x0  }
0x1f: {  	s9 =	smul.u32 $0xF7A, s1;
	s8 =	simm.s32 @!p0 $0x1BF5;
	p2 =	por !p2, p0  }
0x20: {  	[sflag:s8] =	ssyncset.s32 @!p0 $0xFFFFF086;
	s6 =	sadd.s32 @!p0 s3, s7;
	s7 =	simm.s32 @!p0 $0x108  }
0x21: {  	s3 =	sadd.s32 s3, s9;
	s6 =	sadd.s32 @!p0 $0x88, s6;
	s7 =	simm.s32 @p2 $0x1082  }
0x22: {  	[simem:s7], [sflag:s8] =	dma.local @!p0 [hbm:s6], $0xF7A  }
0x23: {  	s9 =	sor.u32 $0xD0000000, s2;
	s6 =	simm.s32 $0x108;
	_ =	swait.ge @!p0 [sflag:s8], $0x0  }
0x24: {  	s3 =	sadd.s32 $0x88, s3;
	s6 =	simm.s32 @!p1 $0x1082;
	[sflag:s4] =	ssyncset.s32 $0xFFFFF086  }
0x25: {  	[simem:s6], [sflag:s4] =	dma.local [hbm:s3], $0xF7A  }
0x26: {  	[smem:$0x3F9F] =	sst s1;
	(tag) =	ssettag s2;
	_ =	strace s9  }
0x27: {  	s1 =	sld [smem:$0x3FAF]  }
0x28: {  	s2 =	sld [smem:$0x3FB0]  }
0x29: {  	s4 =	sld [smem:$0x3FB2]  }
0x2a: {  	p0 =	seq.s32 s5, $0x0;
	s5 =	sld [smem:$0x3FB3]  }
0x2b: {  	s6 =	sld [smem:$0x3FB4]  }
0x2c: {  	s7 =	sld [smem:$0x3FB5]  }
0x2d: {  	s3 =	simm.s32 $0x108;
	s8 =	sld [smem:$0x3FB6]  }
0x2e: {  	s3 =	simm.s32 @!p0 $0x1082;
	s9 =	sld [smem:$0x3FB7]  }
0x2f: {  	lr =	sadd.s32 s0, s3;
	s0 =	sld [smem:$0x3FAE]  }
0x30: {  	s3 =	sld [smem:$0x3FB1]  }
0x31: {  	[smem:$0x3FBA] =	sst s10  }
0x32: {  	s10 =	sld [smem:$0x3FB8];
	_ =	sdelay $0x3  }
0x33: {  	p0 =	seq.s32 s10, $0x1;
	s10 =	sld [smem:$0x3FBA];
	_ =	sdelay $0x3  }
0x34: {  	[smem:$0x3FBA] =	sst s10  }
0x35: {  	s10 =	sld [smem:$0x3FB9];
	_ =	sdelay $0x3  }
0x36: {  	p1 =	seq.s32 s10, $0x1;
	s10 =	sld [smem:$0x3FBA];
	_ =	sdelay $0x3  }
0x37: {  	[smem:$0x3FBA] =	sst s10  }
0x38: {  	s10 =	sld [smem:$0x3FBB]  }
0x39: {  	_ = 	snop;
	(pc) =	sbr.ind lr, $3  }
0x3a: {  	_ = 	snop  }
0x3b: {  	_ = 	snop  }
0x3c: {  	p2 =	seq.s32 s10, $0x1;
	s10 =	sld [smem:$0x3FBA]  }
0x3d: {  	_ =	shalt  }
0x3e: {  	_ =	shalt  }
0x3f: {  	_ =	shalt  }
0x40: {  	_ =	shalt  }
0x41: {  	_ =	shalt  }
0x42: {  	_ =	shalt  }
0x43: {  	_ =	shalt  }
0x44: {  	_ =	shalt  }
0x45: {  	_ =	shalt  }
0x46: {  	_ =	shalt  }
0x47: {  	_ =	shalt  }
0x48: {  	_ =	shalt  }
0x49: {  	_ =	shalt  }
0x4a: {  	_ =	shalt  }
0x4b: {  	_ =	shalt  }
0x4c: {  	_ =	shalt  }
0x4d: {  	_ =	shalt  }
0x4e: {  	_ =	shalt  }
0x4f: {  	_ =	shalt  }
0x50: {  	_ =	shalt  }
0x51: {  	_ =	shalt  }
0x52: {  	_ =	shalt  }
0x53: {  	_ =	shalt  }
0x54: {  	_ =	shalt  }
0x55: {  	_ =	shalt  }
0x56: {  	_ =	shalt  }
0x57: {  	_ =	shalt  }
0x58: {  	_ =	shalt  }
0x59: {  	_ =	shalt  }
0x5a: {  	_ =	shalt  }
0x5b: {  	_ =	shalt  }
0x5c: {  	_ =	shalt  }
0x5d: {  	_ =	shalt  }
0x5e: {  	_ =	shalt  }
0x5f: {  	_ =	shalt  }
0x60: {  	_ =	shalt  }
0x61: {  	_ =	shalt  }
0x62: {  	_ =	shalt  }
0x63: {  	_ =	shalt  }
0x64: {  	_ =	shalt  }
0x65: {  	_ =	shalt  }
0x66: {  	_ =	shalt  }
0x67: {  	_ =	shalt  }
0x68: {  	_ =	shalt  }
0x69: {  	_ =	shalt  }
0x6a: {  	_ =	shalt  }
0x6b: {  	_ =	shalt  }
0x6c: {  	_ =	shalt  }
0x6d: {  	_ =	shalt  }
0x6e: {  	_ =	shalt  }
0x6f: {  	_ =	shalt  }
0x70: {  	_ =	shalt  }
0x71: {  	_ =	shalt  }
0x72: {  	_ =	shalt  }
0x73: {  	_ =	shalt  }
0x74: {  	_ =	shalt  }
0x75: {  	_ =	shalt  }
0x76: {  	_ =	shalt  }
0x77: {  	_ =	shalt  }
0x78: {  	_ =	shalt  }
0x79: {  	_ =	shalt  }
0x7a: {  	_ =	shalt  }
0x7b: {  	_ =	shalt  }
0x7c: {  	_ =	shalt  }
0x7d: {  	_ =	shalt  }
0x7e: {  	_ =	shalt  }
0x7f: {  	_ =	shalt  }
0x80: {  	_ =	shalt  }
0x81: {  	_ =	shalt  }
0x82: {  	_ =	shalt  }
0x83: {  	_ =	shalt  }
0x84: {  	_ =	shalt  }
0x85: {  	_ =	shalt  }
0x86: {  	_ =	shalt  }
0x87: {  	_ =	shalt  }
.Lfunc_end0:
.L_simem_size_0:
called_computation_lowered:
.L_overlay_start_0:
0x88: {  	s2 =	sld [smem:$0x3FD9]  }
0x89: {  	s3 =	sld [smem:$0x3FFE];
	_ =	sdelay $0x1  }
0x8a: {  	s1 =	srdreg.scid  }
0x8b: {  	s0 =	sand.u32 $0x1, s1  }
0x8c: {  	s17 =	sshll.u32 s0, $0xA;
	s2 =	sadd.s32 s3, s2  }
0x8d: {  	s2 =	sadd.s32 s2, s17  }
0x8e: {  	[smem:$0x3FC6] =	sst s2  }
0x8f: {  	_ = 	snop  }
0x90: {  	s2 =	sld [smem:$0x3FC9];
	(tm) =	ssettm $0x1  }
0x91: {  	s18 =	sld [smem:$0x3FFB];
	_ =	sdelay $0x3  }
0x92: {  	_ =	strace s18  }
0x93: {  	s3 =	sld [smem:$0x3FFC];
	_ =	sdelay $0x3  }
0x94: {  	_ =	strace s3  }
0x95: {  	s3 =	sld [smem:$0x3FFD];
	_ =	sdelay $0x3  }
0x96: {  	_ =	strace s3  }
0x97: {  	_ =	strace $0x8FFFFFFF  }
0x98: {  	s19 =	sld [smem:$0x3FDB];
	_ =	sdelay $0x1  }
0x99: {  	s4 =	simm.s32 $_scs_section_size  }
0x9a: {  	s5 =	simm.s32 $_size__tile_overlayer_lowered;
	s6 =	simm.s32 $_tile_overlayer_lowered  }
0x9b: {  	s22 =	simm.s32 $0x1BFF;
	s21 =	sshll.u32 s6, $0x1;
	s3 =	sadd.s32 s4, s19  }
0x9c: {  	s7 =	simm.s32 $0x0;
	s20 =	sshll.u32 s5, $0x1;
	s5 =	sadd.s32 s21, s3  }
0x9d: {  	[timem:s7], [sflag:s22] =	dma.local [hbm:s5], s20  }
0x9e: {  	_ =	swait.ge [sflag:s22], s20  }
0x9f: {  	s4 =	ssub.s32 $0x0, s20;
	[sflag:s22] =	ssyncset.done $0x0  }
0xa0: {  	[sflag:s22] =	ssyncadd.s32 s4;
	_ =	sdelay $0x1  }
0xa1: {  	s23 =	simm.s32 $0x1B8B  }
0xa2: {  	_ =	swait.ge [sflag:s23], $0x1  }
0xa3: {  	[sflag:s23] =	ssyncset.done $0x0  }
0xa4: {  	s25 =	simm.s32 $0x1B8E;
	s24 =	sld [smem:$0x3FFE];
	[sflag:s23] =	ssyncadd.s32 $0xFFFFFFFF  }
0xa5: {  	s26 =	simm.s32 $execute0_lowered;
	[smem:$0x3FD2] =	sst s25  }
0xa6: {  	s5 =	sshll.u32 s26, $0x1;
	_ =	strace $0x80000046;
	[dreg:$0x1] =	wrdreg $0xFFFFFFFF  }
0xa7: {  	s28 =	simm.s32 $_size_execute0_lowered;
	s3 =	sadd.s32 s3, s5;
	[dreg:$0x0] =	wrdreg $0x0  }
0xa8: {  	s5 =	sshll.u32 s28, $0x1;
	[dreg:$0x2] =	wrdreg s3  }
0xa9: {  	[dreg:$0x3] =	wrdreg s5  }
0xaa: {  	[dreg:$0x4] =	wrdreg $0xC0  }
0xab: {  	_ =	task [dreg:s7], $0x5FFFF  }
0xac: {  	[dreg:$0x1] =	wrdreg $0xFFFFFFFF  }
0xad: {  	[dreg:$0x0] =	wrdreg $0x60  }
0xae: {  	[dreg:$0x2] =	wrdreg s2  }
0xaf: {  	[dreg:$0x3] =	wrdreg s24  }
0xb0: {  	[dreg:$0x4] =	wrdreg $0x119000  }
0xb1: {  	[dreg:$0x5] =	wrdreg $0x141000  }
0xb2: {  	[dreg:$0x6] =	wrdreg $0x9  }
0xb3: {  	_ =	task.clear_ibuf [dreg:s7], $0x7FFFF;
	_ =	strace $0x90000046  }
0xb4: {  	s29 =	simm.s32 $0x9;
	_ =	strace $0x80000048  }
0xb5: {  	_ =	swait.ge [sflag:s29], $0x1  }
0xb6: {  	[sflag:s29] =	ssyncadd.s32 $0xFFFFFFFF  }
0xb7: {  	_ =	strace $0x90000048  }
0xb8: {  	_ =	sfence  }
0xb9: {  	s30 =	sld [smem:$0x0];
	_ =	sdelay $0x2  }
0xba: {  	s31 =	sshll.u32 s1, $0xD;
	s1 =	sshrl.u32 s1, $0x2  }
0xbb: {  	s3 =	sand.u32 $0x4000, s31;
	s1 =	sadd.s32 s1, s30  }
0xbc: {  	s0 =	sor.u32 s3, s0;
	s1 =	sshll.u32 s1, $0x11  }
0xbd: {  	s0 =	sor.u32 s1, s0  }
0xbe: {  	s0 =	sadd.s32 $0x8F2B, s0  }
0xbf: {  	[sflag:s0] =	ssyncadd.remote.s32 $0x1  }
0xc0: {  	_ =	sfence.sel $0xFFFF  }
0xc1: {  	[dreg:$0x0] =	wrdreg $0xFFFFFFFF;
	(pc) =	sbr.abs _section_cstart, $3  }
0xc2: {  	[dreg:$0x1] =	wrdreg $0xFFFFFFFF  }
0xc3: {  	_ =	task.clear_ibuf [dreg:s7], $0x2FFFF;
	_ =	strace $0x9FFFFFFF  }
0xc4: {  	(tm) =	ssettm $0x7FFFFFFF  }
0xc5: {  	_ =	shalt  }
tec
execute0_lowered:
.L_overlay_start_1:
0x0: {  	(tag) =	ssettag $0x1  }
0x1: {  	s0 =	rddreg [dreg:$0x0]  }
0x2: {  	s1 =	rddreg [dreg:$0x1]  }
0x3: {  	s2 =	rddreg [dreg:$0x2];
	s12 =	stileid.u32  }
0x4: {  	s13 =	rddreg [dreg:$0x3];
	s4 =	smul.u32 $0x9C4, s12  }
0x5: {  	s3 =	simm.s32 $0x0;
	s5 =	srdreg.scid;
	s7 =	smul.u32 $0xA000, s12  }
0x6: {  	[smem:$0x7FF] =	sst s3;
	s10 =	smul.u32 $0x280, s12  }
0x7: {  	s5 =	sand.u32 $0x1, s5;
	s22 =	smul.u32 $0x50, s12;
	_ =	strace $0x80000047  }
0x8: {  	s6 =	ssub.s32 $0x2, s5;
	s9 =	sshll.u32 s5, $0x4;
	s5 =	smul.u32 $0x500, s5  }
0x9: {  	s4 =	sadd.s32 s4, s1;
	s1 =	sadd.s32 $0x14600, s1;
	s8 =	sshrl.u32 s6, $0x1  }
0xa: {  	s9 =	sor.u32 s12, s9;
	s24 =	sshrl.u32 s7, $0x2;
	s12 =	simm.s32 $0x2  }
0xb: {  	s8 =	ssub.s32 s6, s8;
	s4 =	sadd.s32 $0xA800, s4;
	s25 =	sadd.s32 s24, s2  }
0xc: {  	s6 =	sadd.s32 s10, s2;
	s26 =	smul.u32 $0x500, s9;
	s14 =	sor.u32 $0x20, s9  }
0xd: {  	s16 =	sor.u32 $0x40, s9;
	s17 =	sor.u32 $0x60, s9;
	[dreg:$0x5] =	wrdreg s4  }
0xe: {  	p0 =	sgt.u32 s9, $0x1C;
	s9 =	simm.s32 $0x9E80;
	[dreg:$0x6] =	wrdreg s25  }
0xf: {  	s2 =	sadd.s32 $0x2800, s6;
	s15 =	sadd.s32 $0x5000, s6;
	s4 =	smul.u32 $0x500, s14  }
0x10: {  	s11 =	sadd.s32 $0x7800, s6;
	s7 =	smul.u32 $0x500, s16;
	[dreg:$0x7] =	wrdreg s2  }
0x11: {  	s14 =	sadd.s32 $0xA000, s6;
	s18 =	sadd.s32 $0xC800, s6;
	[dreg:$0x8] =	wrdreg s15  }
0x12: {  	s25 =	sadd.s32 $0xF000, s6;
	s28 =	sadd.s32 $0x19000, s6;
	[dreg:$0x9] =	wrdreg s11  }
0x13: {  	s29 =	sadd.s32 $0x1B800, s6;
	s30 =	sadd.s32 $0x1E000, s6;
	[dreg:$0xa] =	wrdreg s14  }
0x14: {  	s31 =	sadd.s32 $0x20800, s6;
	s16 =	simm.s32 $0x0;
	[dreg:$0xb] =	wrdreg s18  }
0x15: {  	s11 =	smul.u32 $0x500, s17;
	s19 =	sadd.s32 s0, s26;
	[dreg:$0x14] =	wrdreg s25  }
0x16: {  	s2 =	sadd.s32 s1, s26;
	s26 =	sadd.s32 $0x11800, s6;
	[dreg:$0xc] =	wrdreg s19  }
0x17: {  	s25 =	smax.u32 s8, $0x1;
	s8 =	simm.s32 $0x6;
	[dreg:$0xe] =	wrdreg s2  }
0x18: {  	s14 =	simm.s32 $0x4;
	s20 =	sadd.s32 s0, s4;
	[dreg:$0x15] =	wrdreg s26  }
0x19: {  	s15 =	simm.s32 $0x5;
	s21 =	sadd.s32 s0, s7;
	[dreg:$0xd] =	wrdreg s20  }
0x1a: {  	s4 =	sadd.s32 s1, s4;
	s23 =	sadd.s32 s1, s7;
	[dreg:$0xf] =	wrdreg s21  }
0x1b: {  	s26 =	sadd.s32 $0x16800, s6;
	s7 =	simm.s32 $0x4E80;
	[dreg:$0x10] =	wrdreg s4  }
0x1c: {  	s0 =	sadd.s32 s0, s11;
	[dreg:$0x12] =	wrdreg s23;
	s24 =	sadd.s32 s1, s11  }
.Ltmp0:
0x1d: {  	s21 =	sadd.s32 s22, s5;
	s23 =	sadd.s32 $0x14000, s6;
	(pc) =	sbr.rel .LBB2_1-.Ltmp0, $4  }
0x1e: {  	v0 =	vlaneseq.u32;
	s1 =	sadd.s32 $0x25800, s6;
	s5 =	simm.s32 $0x1;
	[dreg:$0x11] =	wrdreg s0  }
0x1f: {  	v1 =	vimm.f32 $0.0e+00;
	v2 =	vimm.f32 $1.000000000e+00;
	v3 =	vor.u32 $0x10, v0;
	s11 =	simm.s32 $0xF100;
	[dreg:$0x13] =	wrdreg s24;
	s24 =	sadd.s32 s10, s13  }
0x20: {  	v4 =	vor.u32 $0x20, v0;
	v5 =	vor.u32 $0x30, v0;
	v6 =	vor.u32 $0x40, v0;
	s0 =	sadd.s32 $0x23000, s6;
	s2 =	sadd.s32 $0xA00, s21;
	s19 =	sadd.s32 $0x1400, s21  }
0x21: {  	v7 =	vor.u32 $0x50, v0;
	v8 =	vor.u32 $0x60, v0;
	v9 =	vor.u32 $0x70, v0;
	s4 =	sadd.s32 $0x1E00, s21;
	s10 =	simm.s32 $0xC900;
	s13 =	simm.s32 $0x3  }
.LBB2_16:
0x22: {  	_ =	sdelay $0x3  }
0x23: {  	[tilespmem:v10+s11+$0x0] =	vst.idx.msk $0xffff, v13  }
0x24: {  	v10 =	vld.idx.msk [tilespmem:v12+s9+$0x0], $0xffff  }
0x25: {  	v56 =	vld.idx.msk [tilespmem:v11+s11+$0x0], $0xffff;
	_ =	sdelay $0x2  }
0x26: {  	v57 =	vor.u32 s17, v3;
	_ =	sdelay $0x1  }
0x27: {  	v12 =	vmul.f32 v56, v10;
	_ =	sdelay $0x1  }
0x28: {  	[tilespmem:v11+s11+$0x0] =	vst.idx.msk $0xffff, v12  }
0x29: {  	v11 =	vld.idx.msk [tilespmem:v57+s11+$0x0], $0xffff;
	_ =	sdelay $0x2  }
0x2a: {  	v58 =	vor.u32 s17, v4;
	_ =	sdelay $0x1  }
0x2b: {  	v11 =	vmul.f32 v11, v10;
	_ =	sdelay $0x1  }
0x2c: {  	[tilespmem:v57+s11+$0x0] =	vst.idx.msk $0xffff, v11  }
0x2d: {  	v11 =	vld.idx.msk [tilespmem:v58+s11+$0x0], $0xffff;
	_ =	sdelay $0x2  }
0x2e: {  	v59 =	vor.u32 s17, v5;
	_ =	sdelay $0x1  }
0x2f: {  	v11 =	vmul.f32 v11, v10;
	_ =	sdelay $0x1  }
0x30: {  	[tilespmem:v58+s11+$0x0] =	vst.idx.msk $0xffff, v11  }
0x31: {  	v11 =	vld.idx.msk [tilespmem:v59+s11+$0x0], $0xffff;
	_ =	sdelay $0x2  }
0x32: {  	v60 =	vor.u32 s17, v6;
	_ =	sdelay $0x1  }
0x33: {  	v11 =	vmul.f32 v11, v10;
	_ =	sdelay $0x1  }
0x34: {  	[tilespmem:v59+s11+$0x0] =	vst.idx.msk $0xffff, v11  }
0x35: {  	v11 =	vld.idx.msk [tilespmem:v60+s11+$0x0], $0xffff;
	_ =	sdelay $0x2  }
0x36: {  	v61 =	vor.u32 s17, v7;
	_ =	sdelay $0x1  }
0x37: {  	v11 =	vmul.f32 v11, v10;
	_ =	sdelay $0x1  }
0x38: {  	[tilespmem:v60+s11+$0x0] =	vst.idx.msk $0xffff, v11  }
0x39: {  	v11 =	vld.idx.msk [tilespmem:v61+s11+$0x0], $0xffff;
	_ =	sdelay $0x2  }
0x3a: {  	v62 =	vor.u32 s17, v8;
	_ =	sdelay $0x1  }
0x3b: {  	v11 =	vmul.f32 v11, v10;
	_ =	sdelay $0x1  }
0x3c: {  	[tilespmem:v61+s11+$0x0] =	vst.idx.msk $0xffff, v11  }
0x3d: {  	v11 =	vld.idx.msk [tilespmem:v62+s11+$0x0], $0xffff;
	_ =	sdelay $0x2  }
0x3e: {  	v63 =	vor.u32 s17, v9;
	_ =	sdelay $0x1  }
0x3f: {  	v11 =	vmul.f32 v11, v10;
	_ =	sdelay $0x1  }
0x40: {  	[tilespmem:v62+s11+$0x0] =	vst.idx.msk $0xffff, v11  }
0x41: {  	v11 =	vld.idx.msk [tilespmem:v63+s11+$0x0], $0xffff;
	_ =	sdelay $0x4  }
0x42: {  	v10 =	vmul.f32 v11, v10;
	_ =	sdelay $0x1  }
0x43: {  	s22 =	rddreg [dreg:$0x13];
	[tilespmem:v63+s11+$0x0] =	vst.idx.msk $0xffff, v10  }
0x44: {  	[hbm4b:s22+s3] =	stream.linear.scatter [tilespmem:s11], [sflag:$0x5], $0x2800, $0x38;
	[tilespmem:$0x14380] =	vst v63  }
0x45: {  	_ =	swait.ge [sflag:s14], $0x2800  }
0x46: {  	[sflag:s14] =	ssyncset.done $0x0  }
0x47: {  	s17 =	simm.s32 $0x5;
	[sflag:s14] =	ssyncadd.s32 $0xFFFFD800  }
.LBB2_17:
0x48: {  	s16 =	sadd.s32 $0x1, s16  }
0x49: {  	p1 =	sne.s32 s16, s25  }
.Ltmp1:
0x4a: {  	_ = 	snop;
	(pc) =	sbr.rel @!p1 .LBB2_18-.Ltmp1, $4  }
0x4b: {  	_ = 	snop  }
0x4c: {  	_ =	swait.ge [sflag:s17], $0x2800  }
0x4d: {  	[sflag:s17] =	ssyncset.done $0x0  }
0x4e: {  	[sflag:s17] =	ssyncadd.s32 $0xFFFFD800  }
.LBB2_1:
0x4f: {  	s17 =	rddreg [dreg:$0x5]  }
0x50: {  	[tilespmem:s3], [sflag:$0x1] =	stream.linear.gather [hbm4b:s17+s3], $0x4E20, $0x38;
	[tilespmem:$0x14380] =	vst v63  }
0x51: {  	s18 =	simm.s32 $0x0;
	s17 =	simm.s32 $0x40  }
.LBB2_2:
0x52: {  	p1 =	sne.s32 s17, $0x9FC0;
	[tilespmem:s18+$0x4E80] =	vst v1;
	s18 =	smov.u32 s17;
	s17 =	sadd.s32 $0x40, s17  }
.Ltmp2:
0x53: {  	(pc) =	sbr.rel @p1 .LBB2_2-.Ltmp2, $2  }
0x54: {  	_ =	sdelay $0x2  }
0x55: {  	s18 =	sshra.s32 s18, $0x2  }
0x56: {  	[tilespmem:s18+$0x4E80] =	vst v1  }
0x57: {  	_ =	swait.ge [sflag:s5], $0x4E20  }
0x58: {  	[sflag:s5] =	ssyncset.done $0x0  }
0x59: {  	s18 =	simm.s32 $0x0;
	s17 =	simm.s32 $0x40;
	[sflag:s5] =	ssyncadd.s32 $0xFFFFB1E0  }
.LBB2_4:
0x5a: {  	p1 =	sne.s32 s17, $0x13840;
	v10 =	vld [tilespmem:s18+$0x0];
	_ =	sdelay $0x3  }
.Ltmp3:
0x5b: {  	(pc) =	sbr.rel @p1 .LBB2_4-.Ltmp3, $2  }
0x5c: {  	_ =	sdelay $0x2  }
0x5d: {  	s18 =	sshra.s32 s17, $0x2;
	s17 =	sadd.s32 $0x40, s17;
	[tilespmem:v10+s7+$0x0] =	vst.idx.add.f32.msk $0xffff, v2  }
0x5e: {  	v10 =	vld [tilespmem:s18+$0x0];
	_ =	sdelay $0x7  }
0x5f: {  	s17 =	rddreg [dreg:$0x6];
	[tilespmem:v10+s7+$0x0] =	vst.idx.add.f32.msk $0xffff, v2  }
0x60: {  	[spmem:s17] =	stream.linear.scatter [tilespmem:s7], [sflag:$0x6], $0x2800, $0x38;
	[tilespmem:$0x14380] =	vst v63  }
0x61: {  	_ =	swait.ge [sflag:s8], $0x2800  }
0x62: {  	[sflag:s8] =	ssyncset.done $0x0  }
0x63: {  	[sflag:s8] =	ssyncadd.s32 $0xFFFFD800  }
0x64: {  	s17 =	simm.s32 $0x7680;
	[bflag:$0x0] =	sbarrier.arrive $0xFFFF  }
0x65: {  	[tilespmem:s17], [sflag:$0x1] =	stream.linear.gather [spmem:s6], $0x280, $0x38;
	[tilespmem:$0x14380] =	vst v63  }
0x66: {  	s20 =	simm.s32 $0x7900;
	s22 =	rddreg [dreg:$0x7]  }
0x67: {  	[tilespmem:s20], [sflag:$0x1] =	stream.linear.gather [spmem:s22], $0x280, $0x38;
	[tilespmem:$0x14380] =	vst v63  }
0x68: {  	s20 =	rddreg [dreg:$0x8];
	s22 =	simm.s32 $0x7B80  }
0x69: {  	[tilespmem:s22], [sflag:$0x1] =	stream.linear.gather [spmem:s20], $0x280, $0x38;
	[tilespmem:$0x14380] =	vst v63  }
0x6a: {  	s20 =	rddreg [dreg:$0x9];
	s22 =	simm.s32 $0x7E00  }
0x6b: {  	[tilespmem:s22], [sflag:$0x1] =	stream.linear.gather [spmem:s20], $0x280, $0x38;
	[tilespmem:$0x14380] =	vst v63  }
0x6c: {  	s20 =	rddreg [dreg:$0xa];
	s22 =	simm.s32 $0x8080  }
0x6d: {  	[tilespmem:s22], [sflag:$0x1] =	stream.linear.gather [spmem:s20], $0x280, $0x38;
	[tilespmem:$0x14380] =	vst v63  }
0x6e: {  	s20 =	rddreg [dreg:$0xb];
	s22 =	simm.s32 $0x8300  }
0x6f: {  	[tilespmem:s22], [sflag:$0x1] =	stream.linear.gather [spmem:s20], $0x280, $0x38;
	[tilespmem:$0x14380] =	vst v63  }
0x70: {  	s20 =	rddreg [dreg:$0x14];
	s22 =	simm.s32 $0x8580  }
0x71: {  	[tilespmem:s22], [sflag:$0x1] =	stream.linear.gather [spmem:s20], $0x280, $0x38;
	[tilespmem:$0x14380] =	vst v63  }
0x72: {  	s20 =	rddreg [dreg:$0x15];
	s22 =	simm.s32 $0x8800  }
0x73: {  	[tilespmem:s22], [sflag:$0x1] =	stream.linear.gather [spmem:s20], $0x280, $0x38;
	[tilespmem:$0x14380] =	vst v63  }
0x74: {  	s20 =	simm.s32 $0x8A80  }
0x75: {  	[tilespmem:s20], [sflag:$0x1] =	stream.linear.gather [spmem:s23], $0x280, $0x38;
	[tilespmem:$0x14380] =	vst v63  }
0x76: {  	s22 =	simm.s32 $0x8D00  }
0x77: {  	[tilespmem:s22], [sflag:$0x1] =	stream.linear.gather [spmem:s26], $0x280, $0x38;
	[tilespmem:$0x14380] =	vst v63  }
0x78: {  	s20 =	simm.s32 $0x8F80  }
0x79: {  	[tilespmem:s20], [sflag:$0x1] =	stream.linear.gather [spmem:s28], $0x280, $0x38;
	[tilespmem:$0x14380] =	vst v63  }
0x7a: {  	s22 =	simm.s32 $0x9200  }
0x7b: {  	[tilespmem:s22], [sflag:$0x1] =	stream.linear.gather [spmem:s29], $0x280, $0x38;
	[tilespmem:$0x14380] =	vst v63  }
0x7c: {  	s20 =	simm.s32 $0x9480  }
0x7d: {  	[tilespmem:s20], [sflag:$0x1] =	stream.linear.gather [spmem:s30], $0x280, $0x38;
	[tilespmem:$0x14380] =	vst v63  }
0x7e: {  	s22 =	simm.s32 $0x9700  }
0x7f: {  	[tilespmem:s22], [sflag:$0x1] =	stream.linear.gather [spmem:s31], $0x280, $0x38;
	[tilespmem:$0x14380] =	vst v63  }
0x80: {  	s20 =	simm.s32 $0x9980  }
0x81: {  	[tilespmem:s20], [sflag:$0x1] =	stream.linear.gather [spmem:s0], $0x280, $0x38;
	[tilespmem:$0x14380] =	vst v63  }
0x82: {  	s22 =	simm.s32 $0x9C00  }
0x83: {  	[tilespmem:s22], [sflag:$0x1] =	stream.linear.gather [spmem:s1], $0x280, $0x38;
	[tilespmem:$0x14380] =	vst v63  }
0x84: {  	_ =	swait.ge [sflag:s5], $0x280  }
0x85: {  	[sflag:s5] =	ssyncset.done $0x0  }
0x86: {  	[sflag:s5] =	ssyncadd.s32 $0xFFFFFD80  }
0x87: {  	_ =	swait.ge [sflag:s5], $0x280  }
0x88: {  	[sflag:s5] =	ssyncset.done $0x0  }
0x89: {  	[sflag:s5] =	ssyncadd.s32 $0xFFFFFD80  }
0x8a: {  	_ =	swait.ge [sflag:s5], $0x280  }
0x8b: {  	[sflag:s5] =	ssyncset.done $0x0  }
0x8c: {  	[sflag:s5] =	ssyncadd.s32 $0xFFFFFD80  }
0x8d: {  	_ =	swait.ge [sflag:s5], $0x280  }
0x8e: {  	[sflag:s5] =	ssyncset.done $0x0  }
0x8f: {  	[sflag:s5] =	ssyncadd.s32 $0xFFFFFD80  }
0x90: {  	_ =	swait.ge [sflag:s5], $0x280  }
0x91: {  	[sflag:s5] =	ssyncset.done $0x0  }
0x92: {  	[sflag:s5] =	ssyncadd.s32 $0xFFFFFD80  }
0x93: {  	_ =	swait.ge [sflag:s5], $0x280  }
0x94: {  	[sflag:s5] =	ssyncset.done $0x0  }
0x95: {  	[sflag:s5] =	ssyncadd.s32 $0xFFFFFD80  }
0x96: {  	_ =	swait.ge [sflag:s5], $0x280  }
0x97: {  	[sflag:s5] =	ssyncset.done $0x0  }
0x98: {  	[sflag:s5] =	ssyncadd.s32 $0xFFFFFD80  }
0x99: {  	_ =	swait.ge [sflag:s5], $0x280  }
0x9a: {  	[sflag:s5] =	ssyncset.done $0x0  }
0x9b: {  	[sflag:s5] =	ssyncadd.s32 $0xFFFFFD80  }
0x9c: {  	_ =	swait.ge [sflag:s5], $0x280  }
0x9d: {  	[sflag:s5] =	ssyncset.done $0x0  }
0x9e: {  	[sflag:s5] =	ssyncadd.s32 $0xFFFFFD80  }
0x9f: {  	_ =	swait.ge [sflag:s5], $0x280  }
0xa0: {  	[sflag:s5] =	ssyncset.done $0x0  }
0xa1: {  	[sflag:s5] =	ssyncadd.s32 $0xFFFFFD80  }
0xa2: {  	_ =	swait.ge [sflag:s5], $0x280  }
0xa3: {  	[sflag:s5] =	ssyncset.done $0x0  }
0xa4: {  	[sflag:s5] =	ssyncadd.s32 $0xFFFFFD80  }
0xa5: {  	_ =	swait.ge [sflag:s5], $0x280  }
0xa6: {  	[sflag:s5] =	ssyncset.done $0x0  }
0xa7: {  	[sflag:s5] =	ssyncadd.s32 $0xFFFFFD80  }
0xa8: {  	_ =	swait.ge [sflag:s5], $0x280  }
0xa9: {  	[sflag:s5] =	ssyncset.done $0x0  }
0xaa: {  	[sflag:s5] =	ssyncadd.s32 $0xFFFFFD80  }
0xab: {  	_ =	swait.ge [sflag:s5], $0x280  }
0xac: {  	[sflag:s5] =	ssyncset.done $0x0  }
0xad: {  	[sflag:s5] =	ssyncadd.s32 $0xFFFFFD80  }
0xae: {  	_ =	swait.ge [sflag:s5], $0x280  }
0xaf: {  	[sflag:s5] =	ssyncset.done $0x0  }
0xb0: {  	[sflag:s5] =	ssyncadd.s32 $0xFFFFFD80  }
0xb1: {  	_ =	swait.ge [sflag:s5], $0x280  }
0xb2: {  	s20 =	simm.s32 $0x0;
	[sflag:s5] =	ssyncset.done $0x0  }
0xb3: {  	s18 =	sand.u32 $0x3F0, s20;
	[sflag:s5] =	ssyncadd.s32 $0xFFFFFD80  }
0xb4: {  	v10 =	vld [tilespmem:s18+$0x7900]  }
0xb5: {  	v11 =	vld [tilespmem:s17+$0x0];
	_ =	sdelay $0x1  }
0xb6: {  	v12 =	vld [tilespmem:s18+$0x7B80];
	_ =	sdelay $0x1  }
0xb7: {  	v13 =	vld [tilespmem:s18+$0x7E00]  }
0xb8: {  	v10 =	vadd.f32 v10, v11  }
0xb9: {  	v11 =	vld [tilespmem:s18+$0x8080]  }
0xba: {  	v10 =	vadd.f32 v12, v10  }
0xbb: {  	v54 =	vld [tilespmem:s18+$0x8300]  }
0xbc: {  	v10 =	vadd.f32 v13, v10  }
0xbd: {  	v55 =	vld [tilespmem:s18+$0x8580]  }
0xbe: {  	v10 =	vadd.f32 v11, v10  }
0xbf: {  	v11 =	vld [tilespmem:s18+$0x8800]  }
0xc0: {  	v10 =	vadd.f32 v54, v10  }
0xc1: {  	v56 =	vld [tilespmem:s18+$0x8A80]  }
0xc2: {  	v10 =	vadd.f32 v55, v10  }
0xc3: {  	v57 =	vld [tilespmem:s18+$0x8D00]  }
0xc4: {  	v10 =	vadd.f32 v11, v10  }
0xc5: {  	v11 =	vld [tilespmem:s18+$0x8F80]  }
0xc6: {  	v10 =	vadd.f32 v56, v10  }
0xc7: {  	v58 =	vld [tilespmem:s18+$0x9200]  }
0xc8: {  	v10 =	vadd.f32 v57, v10  }
0xc9: {  	v59 =	vld [tilespmem:s18+$0x9480]  }
0xca: {  	v10 =	vadd.f32 v11, v10  }
0xcb: {  	v11 =	vld [tilespmem:s18+$0x9700]  }
0xcc: {  	v10 =	vadd.f32 v58, v10  }
0xcd: {  	v60 =	vld [tilespmem:s18+$0x9980]  }
0xce: {  	v10 =	vadd.f32 v59, v10  }
0xcf: {  	v61 =	vld [tilespmem:s18+$0x9C00]  }
0xd0: {  	v10 =	vadd.f32 v11, v10;
	_ =	sdelay $0x1  }
0xd1: {  	v10 =	vadd.f32 v60, v10;
	_ =	sdelay $0x1  }
0xd2: {  	v10 =	vadd.f32 v61, v10;
	_ =	sdelay $0x1  }
0xd3: {  	v11 =	vmax.f32 v10, $1.000000000e+00  }
0xd4: {  	v62 =	vshra.s32 v11, $0x1;
	v11 =	vmul.f32 $5.000000000e-01, v11  }
0xd5: {  	v12 =	vsub.s32 $0x5F3759DF, v62  }
0xd6: {  	v63 =	vmul.f32 v12, v11;
	_ =	sdelay $0x1  }
0xd7: {  	v13 =	vmul.f32 v12, v63;
	_ =	sdelay $0x1  }
0xd8: {  	v13 =	vsub.f32 $1.500000000e+00, v13;
	_ =	sdelay $0x1  }
0xd9: {  	v12 =	vmul.f32 v12, v13;
	_ =	sdelay $0x1  }
0xda: {  	v13 =	vmul.f32 v12, v11;
	_ =	sdelay $0x1  }
0xdb: {  	v13 =	vmul.f32 v13, v12;
	_ =	sdelay $0x1  }
0xdc: {  	v13 =	vsub.f32 $1.500000000e+00, v13;
	_ =	sdelay $0x1  }
0xdd: {  	v12 =	vmul.f32 v13, v12;
	_ =	sdelay $0x1  }
0xde: {  	v11 =	vmul.f32 v12, v11;
	_ =	sdelay $0x1  }
0xdf: {  	v11 =	vmul.f32 v11, v12;
	_ =	sdelay $0x1  }
0xe0: {  	v11 =	vsub.f32 $1.500000000e+00, v11;
	_ =	sdelay $0x1  }
0xe1: {  	v11 =	vmul.f32 v11, v12  }
0xe2: {  	vm0 =	vgt.f32 v10, $0.0e+00  }
0xe3: {  	s22 =	simm.s32 $0x10;
	s17 =	simm.s32 $0xC680;
	v10 =	vnsel vm0, $0x0, v11  }
0xe4: {  	s22 =	sand.u32 $0x3F0, s22;
	[tilespmem:s17+$0x0] =	vst v10  }
0xe5: {  	s20 =	simm.s32 $0x20;
	s18 =	simm.s32 $0x7690;
	v10 =	vld [tilespmem:s22+$0x7900]  }
.LBB2_6:
0xe6: {  	p1 =	sne.s32 s20, $0x270;
	v11 =	vld [tilespmem:s18+$0x0];
	_ =	sdelay $0x1  }
0xe7: {  	v12 =	vld [tilespmem:s22+$0x7B80];
	_ =	sdelay $0x1  }
0xe8: {  	v13 =	vld [tilespmem:s22+$0x7E00]  }
0xe9: {  	v10 =	vadd.f32 v10, v11  }
0xea: {  	v11 =	vld [tilespmem:s22+$0x8080]  }
0xeb: {  	v10 =	vadd.f32 v12, v10  }
0xec: {  	v12 =	vld [tilespmem:s22+$0x8300]  }
0xed: {  	v10 =	vadd.f32 v13, v10  }
0xee: {  	v13 =	vld [tilespmem:s22+$0x8580]  }
0xef: {  	v10 =	vadd.f32 v11, v10  }
0xf0: {  	v11 =	vld [tilespmem:s22+$0x8800]  }
0xf1: {  	v10 =	vadd.f32 v12, v10  }
0xf2: {  	v12 =	vld [tilespmem:s22+$0x8A80]  }
0xf3: {  	v10 =	vadd.f32 v13, v10  }
0xf4: {  	v13 =	vld [tilespmem:s22+$0x8D00]  }
0xf5: {  	v10 =	vadd.f32 v11, v10  }
0xf6: {  	v11 =	vld [tilespmem:s22+$0x8F80]  }
0xf7: {  	v10 =	vadd.f32 v12, v10  }
0xf8: {  	v12 =	vld [tilespmem:s22+$0x9200]  }
0xf9: {  	v10 =	vadd.f32 v13, v10  }
0xfa: {  	v13 =	vld [tilespmem:s22+$0x9480]  }
0xfb: {  	v10 =	vadd.f32 v11, v10  }
0xfc: {  	v11 =	vld [tilespmem:s22+$0x9700]  }
0xfd: {  	v10 =	vadd.f32 v12, v10  }
0xfe: {  	v12 =	vld [tilespmem:s22+$0x9980]  }
0xff: {  	v10 =	vadd.f32 v13, v10  }
0x100: {  	v13 =	vld [tilespmem:s22+$0x9C00]  }
0x101: {  	v10 =	vadd.f32 v11, v10;
	_ =	sdelay $0x1  }
0x102: {  	v10 =	vadd.f32 v12, v10;
	_ =	sdelay $0x1  }
0x103: {  	v10 =	vadd.f32 v13, v10;
	_ =	sdelay $0x1  }
0x104: {  	v11 =	vmax.f32 v10, $1.000000000e+00  }
0x105: {  	v12 =	vshra.s32 v11, $0x1;
	v11 =	vmul.f32 $5.000000000e-01, v11  }
0x106: {  	v12 =	vsub.s32 $0x5F3759DF, v12  }
0x107: {  	v13 =	vmul.f32 v12, v11;
	_ =	sdelay $0x1  }
0x108: {  	v13 =	vmul.f32 v12, v13;
	_ =	sdelay $0x1  }
0x109: {  	v13 =	vsub.f32 $1.500000000e+00, v13;
	_ =	sdelay $0x1  }
0x10a: {  	v12 =	vmul.f32 v12, v13;
	_ =	sdelay $0x1  }
0x10b: {  	v13 =	vmul.f32 v12, v11;
	_ =	sdelay $0x1  }
0x10c: {  	v13 =	vmul.f32 v13, v12;
	_ =	sdelay $0x1  }
0x10d: {  	v13 =	vsub.f32 $1.500000000e+00, v13;
	_ =	sdelay $0x1  }
0x10e: {  	v12 =	vmul.f32 v13, v12;
	_ =	sdelay $0x1  }
0x10f: {  	v11 =	vmul.f32 v12, v11;
	_ =	sdelay $0x1  }
0x110: {  	v11 =	vmul.f32 v11, v12;
	_ =	sdelay $0x1  }
0x111: {  	v11 =	vsub.f32 $1.500000000e+00, v11;
	_ =	sdelay $0x1  }
.Ltmp4:
0x112: {  	v11 =	vmul.f32 v11, v12;
	(pc) =	sbr.rel @p1 .LBB2_6-.Ltmp4, $4  }
0x113: {  	vm0 =	vgt.f32 v10, $0.0e+00  }
0x114: {  	s17 =	sadd.s32 $0x10, s17;
	v10 =	vnsel vm0, $0x0, v11  }
0x115: {  	s22 =	sand.u32 $0x3F0, s20;
	[tilespmem:s17+$0x0] =	vst v10  }
0x116: {  	s18 =	sadd.s32 $0x10, s18;
	s20 =	sadd.s32 $0x10, s20;
	v10 =	vld [tilespmem:s22+$0x7900]  }
0x117: {  	v11 =	vld [tilespmem:s18+$0x0];
	_ =	sdelay $0x1  }
0x118: {  	v12 =	vld [tilespmem:s22+$0x7B80];
	_ =	sdelay $0x1  }
0x119: {  	v13 =	vld [tilespmem:s22+$0x7E00]  }
0x11a: {  	v10 =	vadd.f32 v10, v11  }
0x11b: {  	v11 =	vld [tilespmem:s22+$0x8080]  }
0x11c: {  	v10 =	vadd.f32 v12, v10  }
0x11d: {  	v12 =	vld [tilespmem:s22+$0x8300]  }
0x11e: {  	v10 =	vadd.f32 v13, v10  }
0x11f: {  	v13 =	vld [tilespmem:s22+$0x8580]  }
0x120: {  	v10 =	vadd.f32 v11, v10  }
0x121: {  	v11 =	vld [tilespmem:s22+$0x8800]  }
0x122: {  	v10 =	vadd.f32 v12, v10  }
0x123: {  	v12 =	vld [tilespmem:s22+$0x8A80]  }
0x124: {  	v10 =	vadd.f32 v13, v10  }
0x125: {  	v13 =	vld [tilespmem:s22+$0x8D00]  }
0x126: {  	v10 =	vadd.f32 v11, v10  }
0x127: {  	v11 =	vld [tilespmem:s22+$0x8F80]  }
0x128: {  	v10 =	vadd.f32 v12, v10  }
0x129: {  	v12 =	vld [tilespmem:s22+$0x9200]  }
0x12a: {  	v10 =	vadd.f32 v13, v10  }
0x12b: {  	v13 =	vld [tilespmem:s22+$0x9480]  }
0x12c: {  	v10 =	vadd.f32 v11, v10  }
0x12d: {  	v11 =	vld [tilespmem:s22+$0x9700]  }
0x12e: {  	v10 =	vadd.f32 v12, v10  }
0x12f: {  	v12 =	vld [tilespmem:s22+$0x9980]  }
0x130: {  	v10 =	vadd.f32 v13, v10  }
0x131: {  	v13 =	vld [tilespmem:s22+$0x9C00]  }
0x132: {  	v10 =	vadd.f32 v11, v10;
	_ =	sdelay $0x1  }
0x133: {  	v10 =	vadd.f32 v12, v10;
	_ =	sdelay $0x1  }
0x134: {  	v10 =	vadd.f32 v13, v10;
	_ =	sdelay $0x1  }
0x135: {  	v11 =	vmax.f32 v10, $1.000000000e+00  }
0x136: {  	v12 =	vshra.s32 v11, $0x1;
	v11 =	vmul.f32 $5.000000000e-01, v11  }
0x137: {  	v12 =	vsub.s32 $0x5F3759DF, v12  }
0x138: {  	v13 =	vmul.f32 v12, v11;
	_ =	sdelay $0x1  }
0x139: {  	v13 =	vmul.f32 v12, v13;
	_ =	sdelay $0x1  }
0x13a: {  	v13 =	vsub.f32 $1.500000000e+00, v13;
	_ =	sdelay $0x1  }
0x13b: {  	v12 =	vmul.f32 v12, v13;
	_ =	sdelay $0x1  }
0x13c: {  	v13 =	vmul.f32 v12, v11;
	_ =	sdelay $0x1  }
0x13d: {  	v13 =	vmul.f32 v13, v12;
	_ =	sdelay $0x1  }
0x13e: {  	v13 =	vsub.f32 $1.500000000e+00, v13;
	_ =	sdelay $0x1  }
0x13f: {  	v12 =	vmul.f32 v13, v12;
	_ =	sdelay $0x1  }
0x140: {  	v11 =	vmul.f32 v12, v11;
	_ =	sdelay $0x1  }
0x141: {  	v11 =	vmul.f32 v11, v12;
	_ =	sdelay $0x1  }
0x142: {  	v11 =	vsub.f32 $1.500000000e+00, v11;
	_ =	sdelay $0x1  }
0x143: {  	v11 =	vmul.f32 v11, v12  }
0x144: {  	vm0 =	vgt.f32 v10, $0.0e+00  }
0x145: {  	s17 =	sadd.s32 $0x10, s17;
	v10 =	vnsel vm0, $0x0, v11  }
0x146: {  	s18 =	simm.s32 $0xC680;
	[tilespmem:s17+$0x0] =	vst v10  }
0x147: {  	[spmem:s24] =	stream.linear.scatter [tilespmem:s18], [sflag:$0x6], $0x280, $0x38;
	[tilespmem:$0x14380] =	vst v63  }
0x148: {  	_ =	swait.ge [sflag:s8], $0x280  }
0x149: {  	[sflag:s8] =	ssyncset.done $0x0  }
0x14a: {  	[sflag:s8] =	ssyncadd.s32 $0xFFFFFD80  }
0x14b: {  	[bflag:$0x0] =	sbarrier.arrive $0xFFFF  }
0x14c: {  	s20 =	rddreg [dreg:$0x3]  }
0x14d: {  	[tilespmem:s9], [sflag:$0x6] =	stream.linear.gather [spmem:s20], $0x2800, $0x38;
	[tilespmem:$0x14380] =	vst v63  }
0x14e: {  	_ =	swait.ge [sflag:s8], $0x2800  }
0x14f: {  	s17 =	simm.s32 $0x0;
	[sflag:s8] =	ssyncset.done $0x0  }
0x150: {  	s20 =	sadd.s32 $0x0, s21;
	s22 =	rddreg [dreg:$0xc];
	[sflag:s8] =	ssyncadd.s32 $0xFFFFD800  }
0x151: {  	[tilespmem:s10], [sflag:$0x2] =	stream.linear.gather [hbm4b:s22+s17], $0x2800, $0x38;
	[tilespmem:$0x14380] =	vst v63  }
0x152: {  	v10 =	vmov s20;
	s20 =	rddreg [dreg:$0xd];
	s22 =	simm.s32 $0x0  }
0x153: {  	v11 =	vor.u32 s22, v0;
	[tilespmem:s11], [sflag:$0x3] =	stream.linear.gather [hbm4b:s20+s17], $0x2800, $0x38;
	[tilespmem:$0x14380] =	vst v63  }
0x154: {  	_ =	swait.ge [sflag:s12], $0x2800  }
0x155: {  	[sflag:s12] =	ssyncset.done $0x0  }
0x156: {  	[sflag:s12] =	ssyncadd.s32 $0xFFFFD800  }
0x157: {  	v13 =	vld.idx.msk [tilespmem:v10+s9+$0x0], $0xffff  }
0x158: {  	v10 =	vld.idx.msk [tilespmem:v11+s10+$0x0], $0xffff;
	_ =	sdelay $0x2  }
0x159: {  	v12 =	vor.u32 s22, v3;
	_ =	sdelay $0x1  }
0x15a: {  	v10 =	vmul.f32 v10, v13;
	_ =	sdelay $0x1  }
0x15b: {  	[tilespmem:v11+s10+$0x0] =	vst.idx.msk $0xffff, v10  }
0x15c: {  	v10 =	vld.idx.msk [tilespmem:v12+s10+$0x0], $0xffff;
	_ =	sdelay $0x2  }
0x15d: {  	v11 =	vor.u32 s22, v4;
	_ =	sdelay $0x1  }
0x15e: {  	v10 =	vmul.f32 v10, v13;
	_ =	sdelay $0x1  }
0x15f: {  	[tilespmem:v12+s10+$0x0] =	vst.idx.msk $0xffff, v10  }
0x160: {  	v10 =	vld.idx.msk [tilespmem:v11+s10+$0x0], $0xffff;
	_ =	sdelay $0x2  }
0x161: {  	v12 =	vor.u32 s22, v5;
	_ =	sdelay $0x1  }
0x162: {  	v10 =	vmul.f32 v10, v13;
	_ =	sdelay $0x1  }
0x163: {  	[tilespmem:v11+s10+$0x0] =	vst.idx.msk $0xffff, v10  }
0x164: {  	v10 =	vld.idx.msk [tilespmem:v12+s10+$0x0], $0xffff;
	_ =	sdelay $0x2  }
0x165: {  	v11 =	vor.u32 s22, v6;
	_ =	sdelay $0x1  }
0x166: {  	v10 =	vmul.f32 v10, v13;
	_ =	sdelay $0x1  }
0x167: {  	[tilespmem:v12+s10+$0x0] =	vst.idx.msk $0xffff, v10  }
0x168: {  	v10 =	vld.idx.msk [tilespmem:v11+s10+$0x0], $0xffff;
	_ =	sdelay $0x2  }
0x169: {  	v12 =	vor.u32 s22, v7;
	_ =	sdelay $0x1  }
0x16a: {  	v10 =	vmul.f32 v10, v13;
	_ =	sdelay $0x1  }
0x16b: {  	[tilespmem:v11+s10+$0x0] =	vst.idx.msk $0xffff, v10  }
0x16c: {  	v10 =	vld.idx.msk [tilespmem:v12+s10+$0x0], $0xffff;
	_ =	sdelay $0x2  }
0x16d: {  	v11 =	vor.u32 s22, v8;
	_ =	sdelay $0x1  }
0x16e: {  	v10 =	vmul.f32 v10, v13;
	_ =	sdelay $0x1  }
0x16f: {  	[tilespmem:v12+s10+$0x0] =	vst.idx.msk $0xffff, v10  }
0x170: {  	v12 =	vld.idx.msk [tilespmem:v11+s10+$0x0], $0xffff;
	_ =	sdelay $0x2  }
0x171: {  	v10 =	vor.u32 s22, v9;
	_ =	sdelay $0x1  }
0x172: {  	v12 =	vmul.f32 v12, v13;
	_ =	sdelay $0x1  }
0x173: {  	[tilespmem:v11+s10+$0x0] =	vst.idx.msk $0xffff, v12  }
0x174: {  	v14 =	vld.idx.msk [tilespmem:v10+s10+$0x0], $0xffff;
	_ =	sdelay $0x1  }
0x175: {  	s22 =	sadd.s32 $0x1, s21  }
0x176: {  	s17 =	simm.s32 $0x80;
	v12 =	vmov s22  }
0x177: {  	v11 =	vor.u32 s17, v0  }
0x178: {  	s18 =	simm.s32 $0x2;
	v13 =	vmul.f32 v14, v13  }
.LBB2_8:
0x179: {  	_ = 	snop  }
0x17a: {  	p1 =	sne.s32 s18, $0x4F;
	s20 =	smov.u32 s18;
	s18 =	sadd.s32 $0x1, s18;
	[tilespmem:v10+s10+$0x0] =	vst.idx.msk $0xffff, v13  }
0x17b: {  	v13 =	vld.idx.msk [tilespmem:v12+s9+$0x0], $0xffff  }
0x17c: {  	v10 =	vld.idx.msk [tilespmem:v11+s10+$0x0], $0xffff;
	_ =	sdelay $0x3  }
0x17d: {  	v12 =	vor.u32 s17, v3;
	_ =	sdelay $0x1  }
0x17e: {  	v10 =	vmul.f32 v10, v13;
	_ =	sdelay $0x1  }
0x17f: {  	[tilespmem:v11+s10+$0x0] =	vst.idx.msk $0xffff, v10  }
0x180: {  	v10 =	vld.idx.msk [tilespmem:v12+s10+$0x0], $0xffff;
	_ =	sdelay $0x3  }
0x181: {  	v11 =	vor.u32 s17, v4;
	_ =	sdelay $0x1  }
0x182: {  	v10 =	vmul.f32 v10, v13;
	_ =	sdelay $0x1  }
0x183: {  	[tilespmem:v12+s10+$0x0] =	vst.idx.msk $0xffff, v10  }
0x184: {  	v10 =	vld.idx.msk [tilespmem:v11+s10+$0x0], $0xffff;
	_ =	sdelay $0x3  }
0x185: {  	v12 =	vor.u32 s17, v5;
	_ =	sdelay $0x1  }
0x186: {  	v10 =	vmul.f32 v10, v13;
	_ =	sdelay $0x1  }
0x187: {  	[tilespmem:v11+s10+$0x0] =	vst.idx.msk $0xffff, v10  }
0x188: {  	v10 =	vld.idx.msk [tilespmem:v12+s10+$0x0], $0xffff;
	_ =	sdelay $0x3  }
0x189: {  	v11 =	vor.u32 s17, v6;
	_ =	sdelay $0x1  }
0x18a: {  	v10 =	vmul.f32 v10, v13;
	_ =	sdelay $0x1  }
0x18b: {  	[tilespmem:v12+s10+$0x0] =	vst.idx.msk $0xffff, v10  }
0x18c: {  	v10 =	vld.idx.msk [tilespmem:v11+s10+$0x0], $0xffff;
	_ =	sdelay $0x3  }
0x18d: {  	v12 =	vor.u32 s17, v7;
	_ =	sdelay $0x1  }
0x18e: {  	v10 =	vmul.f32 v10, v13;
	_ =	sdelay $0x1  }
0x18f: {  	[tilespmem:v11+s10+$0x0] =	vst.idx.msk $0xffff, v10  }
0x190: {  	v10 =	vld.idx.msk [tilespmem:v12+s10+$0x0], $0xffff;
	_ =	sdelay $0x3  }
0x191: {  	v11 =	vor.u32 s17, v8;
	_ =	sdelay $0x1  }
0x192: {  	v10 =	vmul.f32 v10, v13;
	_ =	sdelay $0x1  }
0x193: {  	[tilespmem:v12+s10+$0x0] =	vst.idx.msk $0xffff, v10  }
0x194: {  	v12 =	vld.idx.msk [tilespmem:v11+s10+$0x0], $0xffff;
	_ =	sdelay $0x3  }
0x195: {  	v10 =	vor.u32 s17, v9;
	_ =	sdelay $0x1  }
0x196: {  	v12 =	vmul.f32 v12, v13;
	_ =	sdelay $0x1  }
0x197: {  	[tilespmem:v11+s10+$0x0] =	vst.idx.msk $0xffff, v12  }
0x198: {  	v14 =	vld.idx.msk [tilespmem:v10+s10+$0x0], $0xffff;
	_ =	sdelay $0x1  }
.Ltmp5:
0x199: {  	(pc) =	sbr.rel @p1 .LBB2_8-.Ltmp5, $4  }
0x19a: {  	s17 =	sadd.s32 s20, s21  }
0x19b: {  	v12 =	vmov s17;
	s17 =	sshll.u32 s20, $0x7  }
0x19c: {  	v11 =	vor.u32 s17, v0  }
0x19d: {  	v13 =	vmul.f32 v14, v13  }
0x19e: {  	_ =	sdelay $0x3  }
0x19f: {  	[tilespmem:v10+s10+$0x0] =	vst.idx.msk $0xffff, v13  }
0x1a0: {  	v10 =	vld.idx.msk [tilespmem:v12+s9+$0x0], $0xffff  }
0x1a1: {  	v12 =	vld.idx.msk [tilespmem:v11+s10+$0x0], $0xffff;
	_ =	sdelay $0x2  }
0x1a2: {  	v13 =	vor.u32 s17, v3;
	_ =	sdelay $0x1  }
0x1a3: {  	v12 =	vmul.f32 v12, v10;
	_ =	sdelay $0x1  }
0x1a4: {  	[tilespmem:v11+s10+$0x0] =	vst.idx.msk $0xffff, v12  }
0x1a5: {  	v11 =	vld.idx.msk [tilespmem:v13+s10+$0x0], $0xffff;
	_ =	sdelay $0x2  }
0x1a6: {  	v12 =	vor.u32 s17, v4;
	_ =	sdelay $0x1  }
0x1a7: {  	v11 =	vmul.f32 v11, v10;
	_ =	sdelay $0x1  }
0x1a8: {  	[tilespmem:v13+s10+$0x0] =	vst.idx.msk $0xffff, v11  }
0x1a9: {  	v11 =	vld.idx.msk [tilespmem:v12+s10+$0x0], $0xffff;
	_ =	sdelay $0x2  }
0x1aa: {  	v13 =	vor.u32 s17, v5;
	_ =	sdelay $0x1  }
0x1ab: {  	v11 =	vmul.f32 v11, v10;
	_ =	sdelay $0x1  }
0x1ac: {  	[tilespmem:v12+s10+$0x0] =	vst.idx.msk $0xffff, v11  }
0x1ad: {  	v11 =	vld.idx.msk [tilespmem:v13+s10+$0x0], $0xffff;
	_ =	sdelay $0x2  }
0x1ae: {  	v12 =	vor.u32 s17, v6;
	_ =	sdelay $0x1  }
0x1af: {  	v11 =	vmul.f32 v11, v10;
	_ =	sdelay $0x1  }
0x1b0: {  	[tilespmem:v13+s10+$0x0] =	vst.idx.msk $0xffff, v11  }
0x1b1: {  	v11 =	vld.idx.msk [tilespmem:v12+s10+$0x0], $0xffff;
	_ =	sdelay $0x2  }
0x1b2: {  	v13 =	vor.u32 s17, v7;
	_ =	sdelay $0x1  }
0x1b3: {  	v11 =	vmul.f32 v11, v10;
	_ =	sdelay $0x1  }
0x1b4: {  	[tilespmem:v12+s10+$0x0] =	vst.idx.msk $0xffff, v11  }
0x1b5: {  	v11 =	vld.idx.msk [tilespmem:v13+s10+$0x0], $0xffff;
	_ =	sdelay $0x2  }
0x1b6: {  	v12 =	vor.u32 s17, v8;
	_ =	sdelay $0x1  }
0x1b7: {  	v11 =	vmul.f32 v11, v10;
	_ =	sdelay $0x1  }
0x1b8: {  	[tilespmem:v13+s10+$0x0] =	vst.idx.msk $0xffff, v11  }
0x1b9: {  	v11 =	vld.idx.msk [tilespmem:v12+s10+$0x0], $0xffff;
	_ =	sdelay $0x2  }
0x1ba: {  	v13 =	vor.u32 s17, v9;
	_ =	sdelay $0x1  }
0x1bb: {  	v11 =	vmul.f32 v11, v10;
	_ =	sdelay $0x1  }
0x1bc: {  	[tilespmem:v12+s10+$0x0] =	vst.idx.msk $0xffff, v11  }
0x1bd: {  	v11 =	vld.idx.msk [tilespmem:v13+s10+$0x0], $0xffff;
	_ =	sdelay $0x4  }
0x1be: {  	v10 =	vmul.f32 v11, v10;
	_ =	sdelay $0x1  }
0x1bf: {  	s18 =	rddreg [dreg:$0xe];
	s20 =	sadd.s32 $0x0, s2;
	s17 =	simm.s32 $0x0;
	[tilespmem:v13+s10+$0x0] =	vst.idx.msk $0xffff, v10  }
0x1c0: {  	[hbm4b:s18+s17] =	stream.linear.scatter [tilespmem:s10], [sflag:$0x4], $0x2800, $0x38;
	[tilespmem:$0x14380] =	vst v63  }
0x1c1: {  	s22 =	simm.s32 $0x0;
	v10 =	vmov s20;
	s20 =	rddreg [dreg:$0xf]  }
0x1c2: {  	v11 =	vor.u32 s22, v0;
	[tilespmem:s10], [sflag:$0x2] =	stream.linear.gather [hbm4b:s20+s17], $0x2800, $0x38;
	[tilespmem:$0x14380] =	vst v63  }
0x1c3: {  	_ =	swait.ge [sflag:s13], $0x2800  }
0x1c4: {  	[sflag:s13] =	ssyncset.done $0x0  }
0x1c5: {  	[sflag:s13] =	ssyncadd.s32 $0xFFFFD800  }
0x1c6: {  	v13 =	vld.idx.msk [tilespmem:v10+s9+$0x0], $0xffff  }
0x1c7: {  	v10 =	vld.idx.msk [tilespmem:v11+s11+$0x0], $0xffff;
	_ =	sdelay $0x2  }
0x1c8: {  	v12 =	vor.u32 s22, v3;
	_ =	sdelay $0x1  }
0x1c9: {  	v10 =	vmul.f32 v10, v13;
	_ =	sdelay $0x1  }
0x1ca: {  	[tilespmem:v11+s11+$0x0] =	vst.idx.msk $0xffff, v10  }
0x1cb: {  	v10 =	vld.idx.msk [tilespmem:v12+s11+$0x0], $0xffff;
	_ =	sdelay $0x2  }
0x1cc: {  	v11 =	vor.u32 s22, v4;
	_ =	sdelay $0x1  }
0x1cd: {  	v10 =	vmul.f32 v10, v13;
	_ =	sdelay $0x1  }
0x1ce: {  	[tilespmem:v12+s11+$0x0] =	vst.idx.msk $0xffff, v10  }
0x1cf: {  	v10 =	vld.idx.msk [tilespmem:v11+s11+$0x0], $0xffff;
	_ =	sdelay $0x2  }
0x1d0: {  	v12 =	vor.u32 s22, v5;
	_ =	sdelay $0x1  }
0x1d1: {  	v10 =	vmul.f32 v10, v13;
	_ =	sdelay $0x1  }
0x1d2: {  	[tilespmem:v11+s11+$0x0] =	vst.idx.msk $0xffff, v10  }
0x1d3: {  	v10 =	vld.idx.msk [tilespmem:v12+s11+$0x0], $0xffff;
	_ =	sdelay $0x2  }
0x1d4: {  	v11 =	vor.u32 s22, v6;
	_ =	sdelay $0x1  }
0x1d5: {  	v10 =	vmul.f32 v10, v13;
	_ =	sdelay $0x1  }
0x1d6: {  	[tilespmem:v12+s11+$0x0] =	vst.idx.msk $0xffff, v10  }
0x1d7: {  	v10 =	vld.idx.msk [tilespmem:v11+s11+$0x0], $0xffff;
	_ =	sdelay $0x2  }
0x1d8: {  	v12 =	vor.u32 s22, v7;
	_ =	sdelay $0x1  }
0x1d9: {  	v10 =	vmul.f32 v10, v13;
	_ =	sdelay $0x1  }
0x1da: {  	[tilespmem:v11+s11+$0x0] =	vst.idx.msk $0xffff, v10  }
0x1db: {  	v10 =	vld.idx.msk [tilespmem:v12+s11+$0x0], $0xffff;
	_ =	sdelay $0x2  }
0x1dc: {  	v11 =	vor.u32 s22, v8;
	_ =	sdelay $0x1  }
0x1dd: {  	v10 =	vmul.f32 v10, v13;
	_ =	sdelay $0x1  }
0x1de: {  	[tilespmem:v12+s11+$0x0] =	vst.idx.msk $0xffff, v10  }
0x1df: {  	v12 =	vld.idx.msk [tilespmem:v11+s11+$0x0], $0xffff;
	_ =	sdelay $0x2  }
0x1e0: {  	v10 =	vor.u32 s22, v9;
	_ =	sdelay $0x1  }
0x1e1: {  	v12 =	vmul.f32 v12, v13;
	_ =	sdelay $0x1  }
0x1e2: {  	[tilespmem:v11+s11+$0x0] =	vst.idx.msk $0xffff, v12  }
0x1e3: {  	v14 =	vld.idx.msk [tilespmem:v10+s11+$0x0], $0xffff;
	_ =	sdelay $0x1  }
0x1e4: {  	s22 =	sadd.s32 $0x1, s2  }
0x1e5: {  	s17 =	simm.s32 $0x80;
	v12 =	vmov s22  }
0x1e6: {  	v11 =	vor.u32 s17, v0  }
0x1e7: {  	s18 =	simm.s32 $0x2;
	v13 =	vmul.f32 v14, v13  }
.LBB2_10:
0x1e8: {  	_ = 	snop  }
0x1e9: {  	p1 =	sne.s32 s18, $0x4F;
	s20 =	smov.u32 s18;
	s18 =	sadd.s32 $0x1, s18;
	[tilespmem:v10+s11+$0x0] =	vst.idx.msk $0xffff, v13  }
0x1ea: {  	v13 =	vld.idx.msk [tilespmem:v12+s9+$0x0], $0xffff  }
0x1eb: {  	v10 =	vld.idx.msk [tilespmem:v11+s11+$0x0], $0xffff;
	_ =	sdelay $0x3  }
0x1ec: {  	v12 =	vor.u32 s17, v3;
	_ =	sdelay $0x1  }
0x1ed: {  	v10 =	vmul.f32 v10, v13;
	_ =	sdelay $0x1  }
0x1ee: {  	[tilespmem:v11+s11+$0x0] =	vst.idx.msk $0xffff, v10  }
0x1ef: {  	v10 =	vld.idx.msk [tilespmem:v12+s11+$0x0], $0xffff;
	_ =	sdelay $0x3  }
0x1f0: {  	v11 =	vor.u32 s17, v4;
	_ =	sdelay $0x1  }
0x1f1: {  	v10 =	vmul.f32 v10, v13;
	_ =	sdelay $0x1  }
0x1f2: {  	[tilespmem:v12+s11+$0x0] =	vst.idx.msk $0xffff, v10  }
0x1f3: {  	v10 =	vld.idx.msk [tilespmem:v11+s11+$0x0], $0xffff;
	_ =	sdelay $0x3  }
0x1f4: {  	v12 =	vor.u32 s17, v5;
	_ =	sdelay $0x1  }
0x1f5: {  	v10 =	vmul.f32 v10, v13;
	_ =	sdelay $0x1  }
0x1f6: {  	[tilespmem:v11+s11+$0x0] =	vst.idx.msk $0xffff, v10  }
0x1f7: {  	v10 =	vld.idx.msk [tilespmem:v12+s11+$0x0], $0xffff;
	_ =	sdelay $0x3  }
0x1f8: {  	v11 =	vor.u32 s17, v6;
	_ =	sdelay $0x1  }
0x1f9: {  	v10 =	vmul.f32 v10, v13;
	_ =	sdelay $0x1  }
0x1fa: {  	[tilespmem:v12+s11+$0x0] =	vst.idx.msk $0xffff, v10  }
0x1fb: {  	v10 =	vld.idx.msk [tilespmem:v11+s11+$0x0], $0xffff;
	_ =	sdelay $0x3  }
0x1fc: {  	v12 =	vor.u32 s17, v7;
	_ =	sdelay $0x1  }
0x1fd: {  	v10 =	vmul.f32 v10, v13;
	_ =	sdelay $0x1  }
0x1fe: {  	[tilespmem:v11+s11+$0x0] =	vst.idx.msk $0xffff, v10  }
0x1ff: {  	v10 =	vld.idx.msk [tilespmem:v12+s11+$0x0], $0xffff;
	_ =	sdelay $0x3  }
0x200: {  	v11 =	vor.u32 s17, v8;
	_ =	sdelay $0x1  }
0x201: {  	v10 =	vmul.f32 v10, v13;
	_ =	sdelay $0x1  }
0x202: {  	[tilespmem:v12+s11+$0x0] =	vst.idx.msk $0xffff, v10  }
0x203: {  	v12 =	vld.idx.msk [tilespmem:v11+s11+$0x0], $0xffff;
	_ =	sdelay $0x3  }
0x204: {  	v10 =	vor.u32 s17, v9;
	_ =	sdelay $0x1  }
0x205: {  	v12 =	vmul.f32 v12, v13;
	_ =	sdelay $0x1  }
0x206: {  	[tilespmem:v11+s11+$0x0] =	vst.idx.msk $0xffff, v12  }
0x207: {  	v14 =	vld.idx.msk [tilespmem:v10+s11+$0x0], $0xffff;
	_ =	sdelay $0x1  }
.Ltmp6:
0x208: {  	(pc) =	sbr.rel @p1 .LBB2_10-.Ltmp6, $4  }
0x209: {  	s17 =	sadd.s32 s20, s2  }
0x20a: {  	v12 =	vmov s17;
	s17 =	sshll.u32 s20, $0x7  }
0x20b: {  	v11 =	vor.u32 s17, v0  }
0x20c: {  	v13 =	vmul.f32 v14, v13  }
0x20d: {  	_ =	sdelay $0x3  }
0x20e: {  	[tilespmem:v10+s11+$0x0] =	vst.idx.msk $0xffff, v13  }
0x20f: {  	v10 =	vld.idx.msk [tilespmem:v12+s9+$0x0], $0xffff  }
0x210: {  	v12 =	vld.idx.msk [tilespmem:v11+s11+$0x0], $0xffff;
	_ =	sdelay $0x2  }
0x211: {  	v13 =	vor.u32 s17, v3;
	_ =	sdelay $0x1  }
0x212: {  	v12 =	vmul.f32 v12, v10;
	_ =	sdelay $0x1  }
0x213: {  	[tilespmem:v11+s11+$0x0] =	vst.idx.msk $0xffff, v12  }
0x214: {  	v11 =	vld.idx.msk [tilespmem:v13+s11+$0x0], $0xffff;
	_ =	sdelay $0x2  }
0x215: {  	v12 =	vor.u32 s17, v4;
	_ =	sdelay $0x1  }
0x216: {  	v11 =	vmul.f32 v11, v10;
	_ =	sdelay $0x1  }
0x217: {  	[tilespmem:v13+s11+$0x0] =	vst.idx.msk $0xffff, v11  }
0x218: {  	v11 =	vld.idx.msk [tilespmem:v12+s11+$0x0], $0xffff;
	_ =	sdelay $0x2  }
0x219: {  	v13 =	vor.u32 s17, v5;
	_ =	sdelay $0x1  }
0x21a: {  	v11 =	vmul.f32 v11, v10;
	_ =	sdelay $0x1  }
0x21b: {  	[tilespmem:v12+s11+$0x0] =	vst.idx.msk $0xffff, v11  }
0x21c: {  	v11 =	vld.idx.msk [tilespmem:v13+s11+$0x0], $0xffff;
	_ =	sdelay $0x2  }
0x21d: {  	v12 =	vor.u32 s17, v6;
	_ =	sdelay $0x1  }
0x21e: {  	v11 =	vmul.f32 v11, v10;
	_ =	sdelay $0x1  }
0x21f: {  	[tilespmem:v13+s11+$0x0] =	vst.idx.msk $0xffff, v11  }
0x220: {  	v11 =	vld.idx.msk [tilespmem:v12+s11+$0x0], $0xffff;
	_ =	sdelay $0x2  }
0x221: {  	v13 =	vor.u32 s17, v7;
	_ =	sdelay $0x1  }
0x222: {  	v11 =	vmul.f32 v11, v10;
	_ =	sdelay $0x1  }
0x223: {  	[tilespmem:v12+s11+$0x0] =	vst.idx.msk $0xffff, v11  }
0x224: {  	v11 =	vld.idx.msk [tilespmem:v13+s11+$0x0], $0xffff;
	_ =	sdelay $0x2  }
0x225: {  	v12 =	vor.u32 s17, v8;
	_ =	sdelay $0x1  }
0x226: {  	v11 =	vmul.f32 v11, v10;
	_ =	sdelay $0x1  }
0x227: {  	[tilespmem:v13+s11+$0x0] =	vst.idx.msk $0xffff, v11  }
0x228: {  	v11 =	vld.idx.msk [tilespmem:v12+s11+$0x0], $0xffff;
	_ =	sdelay $0x2  }
0x229: {  	v13 =	vor.u32 s17, v9;
	_ =	sdelay $0x1  }
0x22a: {  	v11 =	vmul.f32 v11, v10;
	_ =	sdelay $0x1  }
0x22b: {  	[tilespmem:v12+s11+$0x0] =	vst.idx.msk $0xffff, v11  }
0x22c: {  	v11 =	vld.idx.msk [tilespmem:v13+s11+$0x0], $0xffff;
	_ =	sdelay $0x4  }
0x22d: {  	v10 =	vmul.f32 v11, v10;
	_ =	sdelay $0x1  }
0x22e: {  	s20 =	rddreg [dreg:$0x10];
	[tilespmem:v13+s11+$0x0] =	vst.idx.msk $0xffff, v10  }
0x22f: {  	[hbm4b:s20+s3] =	stream.linear.scatter [tilespmem:s11], [sflag:$0x5], $0x2800, $0x38;
	[tilespmem:$0x14380] =	vst v63  }
0x230: {  	s22 =	sadd.s32 $0x0, s19;
	_ =	swait.ge [sflag:s14], $0x2800  }
0x231: {  	s18 =	simm.s32 @!p0 $0x0;
	s17 =	simm.s32 $0x0;
	[sflag:s14] =	ssyncset.done $0x0  }
0x232: {  	v10 =	vmov s22;
	s20 =	simm.s32 @!p0 $0xF100;
	s22 =	rddreg [dreg:$0x11];
	[sflag:s14] =	ssyncadd.s32 $0xFFFFD800  }
0x233: {  	v11 =	vor.u32 s17, v0;
	[tilespmem:s20], [sflag:$0x3] =	stream.linear.gather @!p0 [hbm4b:s22+s18], $0x2800, $0x38;
	[tilespmem:$0x14380] =	vst v63  }
0x234: {  	_ =	swait.ge [sflag:s12], $0x2800  }
0x235: {  	[sflag:s12] =	ssyncset.done $0x0  }
0x236: {  	[sflag:s12] =	ssyncadd.s32 $0xFFFFD800  }
0x237: {  	v13 =	vld.idx.msk [tilespmem:v10+s9+$0x0], $0xffff  }
0x238: {  	v10 =	vld.idx.msk [tilespmem:v11+s10+$0x0], $0xffff;
	_ =	sdelay $0x2  }
0x239: {  	v12 =	vor.u32 s17, v3;
	_ =	sdelay $0x1  }
0x23a: {  	v10 =	vmul.f32 v10, v13;
	_ =	sdelay $0x1  }
0x23b: {  	[tilespmem:v11+s10+$0x0] =	vst.idx.msk $0xffff, v10  }
0x23c: {  	v10 =	vld.idx.msk [tilespmem:v12+s10+$0x0], $0xffff;
	_ =	sdelay $0x2  }
0x23d: {  	v11 =	vor.u32 s17, v4;
	_ =	sdelay $0x1  }
0x23e: {  	v10 =	vmul.f32 v10, v13;
	_ =	sdelay $0x1  }
0x23f: {  	[tilespmem:v12+s10+$0x0] =	vst.idx.msk $0xffff, v10  }
0x240: {  	v10 =	vld.idx.msk [tilespmem:v11+s10+$0x0], $0xffff;
	_ =	sdelay $0x2  }
0x241: {  	v12 =	vor.u32 s17, v5;
	_ =	sdelay $0x1  }
0x242: {  	v10 =	vmul.f32 v10, v13;
	_ =	sdelay $0x1  }
0x243: {  	[tilespmem:v11+s10+$0x0] =	vst.idx.msk $0xffff, v10  }
0x244: {  	v10 =	vld.idx.msk [tilespmem:v12+s10+$0x0], $0xffff;
	_ =	sdelay $0x2  }
0x245: {  	v11 =	vor.u32 s17, v6;
	_ =	sdelay $0x1  }
0x246: {  	v10 =	vmul.f32 v10, v13;
	_ =	sdelay $0x1  }
0x247: {  	[tilespmem:v12+s10+$0x0] =	vst.idx.msk $0xffff, v10  }
0x248: {  	v10 =	vld.idx.msk [tilespmem:v11+s10+$0x0], $0xffff;
	_ =	sdelay $0x2  }
0x249: {  	v12 =	vor.u32 s17, v7;
	_ =	sdelay $0x1  }
0x24a: {  	v10 =	vmul.f32 v10, v13;
	_ =	sdelay $0x1  }
0x24b: {  	[tilespmem:v11+s10+$0x0] =	vst.idx.msk $0xffff, v10  }
0x24c: {  	v10 =	vld.idx.msk [tilespmem:v12+s10+$0x0], $0xffff;
	_ =	sdelay $0x2  }
0x24d: {  	v11 =	vor.u32 s17, v8;
	_ =	sdelay $0x1  }
0x24e: {  	v10 =	vmul.f32 v10, v13;
	_ =	sdelay $0x1  }
0x24f: {  	[tilespmem:v12+s10+$0x0] =	vst.idx.msk $0xffff, v10  }
0x250: {  	v12 =	vld.idx.msk [tilespmem:v11+s10+$0x0], $0xffff;
	_ =	sdelay $0x2  }
0x251: {  	v10 =	vor.u32 s17, v9;
	_ =	sdelay $0x1  }
0x252: {  	v12 =	vmul.f32 v12, v13;
	_ =	sdelay $0x1  }
0x253: {  	[tilespmem:v11+s10+$0x0] =	vst.idx.msk $0xffff, v12  }
0x254: {  	v14 =	vld.idx.msk [tilespmem:v10+s10+$0x0], $0xffff;
	_ =	sdelay $0x1  }
0x255: {  	s22 =	sadd.s32 $0x1, s19  }
0x256: {  	s17 =	simm.s32 $0x80;
	v12 =	vmov s22  }
0x257: {  	v11 =	vor.u32 s17, v0  }
0x258: {  	s18 =	simm.s32 $0x2;
	v13 =	vmul.f32 v14, v13  }
.LBB2_12:
0x259: {  	_ = 	snop  }
0x25a: {  	p1 =	sne.s32 s18, $0x4F;
	s20 =	smov.u32 s18;
	s18 =	sadd.s32 $0x1, s18;
	[tilespmem:v10+s10+$0x0] =	vst.idx.msk $0xffff, v13  }
0x25b: {  	v13 =	vld.idx.msk [tilespmem:v12+s9+$0x0], $0xffff  }
0x25c: {  	v10 =	vld.idx.msk [tilespmem:v11+s10+$0x0], $0xffff;
	_ =	sdelay $0x3  }
0x25d: {  	v12 =	vor.u32 s17, v3;
	_ =	sdelay $0x1  }
0x25e: {  	v10 =	vmul.f32 v10, v13;
	_ =	sdelay $0x1  }
0x25f: {  	[tilespmem:v11+s10+$0x0] =	vst.idx.msk $0xffff, v10  }
0x260: {  	v10 =	vld.idx.msk [tilespmem:v12+s10+$0x0], $0xffff;
	_ =	sdelay $0x3  }
0x261: {  	v11 =	vor.u32 s17, v4;
	_ =	sdelay $0x1  }
0x262: {  	v10 =	vmul.f32 v10, v13;
	_ =	sdelay $0x1  }
0x263: {  	[tilespmem:v12+s10+$0x0] =	vst.idx.msk $0xffff, v10  }
0x264: {  	v10 =	vld.idx.msk [tilespmem:v11+s10+$0x0], $0xffff;
	_ =	sdelay $0x3  }
0x265: {  	v12 =	vor.u32 s17, v5;
	_ =	sdelay $0x1  }
0x266: {  	v10 =	vmul.f32 v10, v13;
	_ =	sdelay $0x1  }
0x267: {  	[tilespmem:v11+s10+$0x0] =	vst.idx.msk $0xffff, v10  }
0x268: {  	v10 =	vld.idx.msk [tilespmem:v12+s10+$0x0], $0xffff;
	_ =	sdelay $0x3  }
0x269: {  	v11 =	vor.u32 s17, v6;
	_ =	sdelay $0x1  }
0x26a: {  	v10 =	vmul.f32 v10, v13;
	_ =	sdelay $0x1  }
0x26b: {  	[tilespmem:v12+s10+$0x0] =	vst.idx.msk $0xffff, v10  }
0x26c: {  	v10 =	vld.idx.msk [tilespmem:v11+s10+$0x0], $0xffff;
	_ =	sdelay $0x3  }
0x26d: {  	v12 =	vor.u32 s17, v7;
	_ =	sdelay $0x1  }
0x26e: {  	v10 =	vmul.f32 v10, v13;
	_ =	sdelay $0x1  }
0x26f: {  	[tilespmem:v11+s10+$0x0] =	vst.idx.msk $0xffff, v10  }
0x270: {  	v10 =	vld.idx.msk [tilespmem:v12+s10+$0x0], $0xffff;
	_ =	sdelay $0x3  }
0x271: {  	v11 =	vor.u32 s17, v8;
	_ =	sdelay $0x1  }
0x272: {  	v10 =	vmul.f32 v10, v13;
	_ =	sdelay $0x1  }
0x273: {  	[tilespmem:v12+s10+$0x0] =	vst.idx.msk $0xffff, v10  }
0x274: {  	v12 =	vld.idx.msk [tilespmem:v11+s10+$0x0], $0xffff;
	_ =	sdelay $0x3  }
0x275: {  	v10 =	vor.u32 s17, v9;
	_ =	sdelay $0x1  }
0x276: {  	v12 =	vmul.f32 v12, v13;
	_ =	sdelay $0x1  }
0x277: {  	[tilespmem:v11+s10+$0x0] =	vst.idx.msk $0xffff, v12  }
0x278: {  	v14 =	vld.idx.msk [tilespmem:v10+s10+$0x0], $0xffff;
	_ =	sdelay $0x1  }
.Ltmp7:
0x279: {  	(pc) =	sbr.rel @p1 .LBB2_12-.Ltmp7, $4  }
0x27a: {  	s17 =	sadd.s32 s20, s19  }
0x27b: {  	v12 =	vmov s17;
	s17 =	sshll.u32 s20, $0x7  }
0x27c: {  	v11 =	vor.u32 s17, v0  }
0x27d: {  	v13 =	vmul.f32 v14, v13  }
0x27e: {  	_ =	sdelay $0x3  }
0x27f: {  	[tilespmem:v10+s10+$0x0] =	vst.idx.msk $0xffff, v13  }
0x280: {  	v10 =	vld.idx.msk [tilespmem:v12+s9+$0x0], $0xffff  }
0x281: {  	v56 =	vld.idx.msk [tilespmem:v11+s10+$0x0], $0xffff;
	_ =	sdelay $0x2  }
0x282: {  	v57 =	vor.u32 s17, v3;
	_ =	sdelay $0x1  }
0x283: {  	v12 =	vmul.f32 v56, v10;
	_ =	sdelay $0x1  }
0x284: {  	[tilespmem:v11+s10+$0x0] =	vst.idx.msk $0xffff, v12  }
0x285: {  	v11 =	vld.idx.msk [tilespmem:v57+s10+$0x0], $0xffff;
	_ =	sdelay $0x2  }
0x286: {  	v58 =	vor.u32 s17, v4;
	_ =	sdelay $0x1  }
0x287: {  	v11 =	vmul.f32 v11, v10;
	_ =	sdelay $0x1  }
0x288: {  	[tilespmem:v57+s10+$0x0] =	vst.idx.msk $0xffff, v11  }
0x289: {  	v11 =	vld.idx.msk [tilespmem:v58+s10+$0x0], $0xffff;
	_ =	sdelay $0x2  }
0x28a: {  	v59 =	vor.u32 s17, v5;
	_ =	sdelay $0x1  }
0x28b: {  	v11 =	vmul.f32 v11, v10;
	_ =	sdelay $0x1  }
0x28c: {  	[tilespmem:v58+s10+$0x0] =	vst.idx.msk $0xffff, v11  }
0x28d: {  	v11 =	vld.idx.msk [tilespmem:v59+s10+$0x0], $0xffff;
	_ =	sdelay $0x2  }
0x28e: {  	v60 =	vor.u32 s17, v6;
	_ =	sdelay $0x1  }
0x28f: {  	v11 =	vmul.f32 v11, v10;
	_ =	sdelay $0x1  }
0x290: {  	[tilespmem:v59+s10+$0x0] =	vst.idx.msk $0xffff, v11  }
0x291: {  	v11 =	vld.idx.msk [tilespmem:v60+s10+$0x0], $0xffff;
	_ =	sdelay $0x2  }
0x292: {  	v61 =	vor.u32 s17, v7;
	_ =	sdelay $0x1  }
0x293: {  	v11 =	vmul.f32 v11, v10;
	_ =	sdelay $0x1  }
0x294: {  	[tilespmem:v60+s10+$0x0] =	vst.idx.msk $0xffff, v11  }
0x295: {  	v11 =	vld.idx.msk [tilespmem:v61+s10+$0x0], $0xffff;
	_ =	sdelay $0x2  }
0x296: {  	v62 =	vor.u32 s17, v8;
	_ =	sdelay $0x1  }
0x297: {  	v11 =	vmul.f32 v11, v10;
	_ =	sdelay $0x1  }
0x298: {  	[tilespmem:v61+s10+$0x0] =	vst.idx.msk $0xffff, v11  }
0x299: {  	v11 =	vld.idx.msk [tilespmem:v62+s10+$0x0], $0xffff;
	_ =	sdelay $0x2  }
0x29a: {  	v63 =	vor.u32 s17, v9;
	_ =	sdelay $0x1  }
0x29b: {  	v11 =	vmul.f32 v11, v10;
	_ =	sdelay $0x1  }
0x29c: {  	[tilespmem:v62+s10+$0x0] =	vst.idx.msk $0xffff, v11  }
0x29d: {  	v11 =	vld.idx.msk [tilespmem:v63+s10+$0x0], $0xffff;
	_ =	sdelay $0x4  }
0x29e: {  	v10 =	vmul.f32 v11, v10;
	_ =	sdelay $0x1  }
.Ltmp8:
0x29f: {  	s22 =	rddreg [dreg:$0x12];
	[tilespmem:v63+s10+$0x0] =	vst.idx.msk $0xffff, v10;
	(pc) =	sbr.rel @p0 .LBB2_17-.Ltmp8, $4  }
0x2a0: {  	[hbm4b:s22+s3] =	stream.linear.scatter [tilespmem:s10], [sflag:$0x4], $0x2800, $0x38;
	[tilespmem:$0x14380] =	vst v63  }
0x2a1: {  	_ =	swait.ge [sflag:s15], $0x2800  }
0x2a2: {  	[sflag:s15] =	ssyncset.done $0x0  }
0x2a3: {  	s17 =	simm.s32 $0x4;
	[sflag:s15] =	ssyncadd.s32 $0xFFFFD800  }
0x2a4: {  	s17 =	sadd.s32 $0x0, s4  }
0x2a5: {  	s22 =	simm.s32 $0x0;
	v10 =	vmov s17  }
0x2a6: {  	v11 =	vor.u32 s22, v0  }
0x2a7: {  	_ =	swait.ge [sflag:s13], $0x2800  }
0x2a8: {  	[sflag:s13] =	ssyncset.done $0x0  }
0x2a9: {  	[sflag:s13] =	ssyncadd.s32 $0xFFFFD800  }
0x2aa: {  	v13 =	vld.idx.msk [tilespmem:v10+s9+$0x0], $0xffff  }
0x2ab: {  	v10 =	vld.idx.msk [tilespmem:v11+s11+$0x0], $0xffff;
	_ =	sdelay $0x2  }
0x2ac: {  	v12 =	vor.u32 s22, v3;
	_ =	sdelay $0x1  }
0x2ad: {  	v10 =	vmul.f32 v10, v13;
	_ =	sdelay $0x1  }
0x2ae: {  	[tilespmem:v11+s11+$0x0] =	vst.idx.msk $0xffff, v10  }
0x2af: {  	v10 =	vld.idx.msk [tilespmem:v12+s11+$0x0], $0xffff;
	_ =	sdelay $0x2  }
0x2b0: {  	v11 =	vor.u32 s22, v4;
	_ =	sdelay $0x1  }
0x2b1: {  	v10 =	vmul.f32 v10, v13;
	_ =	sdelay $0x1  }
0x2b2: {  	[tilespmem:v12+s11+$0x0] =	vst.idx.msk $0xffff, v10  }
0x2b3: {  	v10 =	vld.idx.msk [tilespmem:v11+s11+$0x0], $0xffff;
	_ =	sdelay $0x2  }
0x2b4: {  	v12 =	vor.u32 s22, v5;
	_ =	sdelay $0x1  }
0x2b5: {  	v10 =	vmul.f32 v10, v13;
	_ =	sdelay $0x1  }
0x2b6: {  	[tilespmem:v11+s11+$0x0] =	vst.idx.msk $0xffff, v10  }
0x2b7: {  	v10 =	vld.idx.msk [tilespmem:v12+s11+$0x0], $0xffff;
	_ =	sdelay $0x2  }
0x2b8: {  	v11 =	vor.u32 s22, v6;
	_ =	sdelay $0x1  }
0x2b9: {  	v10 =	vmul.f32 v10, v13;
	_ =	sdelay $0x1  }
0x2ba: {  	[tilespmem:v12+s11+$0x0] =	vst.idx.msk $0xffff, v10  }
0x2bb: {  	v10 =	vld.idx.msk [tilespmem:v11+s11+$0x0], $0xffff;
	_ =	sdelay $0x2  }
0x2bc: {  	v12 =	vor.u32 s22, v7;
	_ =	sdelay $0x1  }
0x2bd: {  	v10 =	vmul.f32 v10, v13;
	_ =	sdelay $0x1  }
0x2be: {  	[tilespmem:v11+s11+$0x0] =	vst.idx.msk $0xffff, v10  }
0x2bf: {  	v10 =	vld.idx.msk [tilespmem:v12+s11+$0x0], $0xffff;
	_ =	sdelay $0x2  }
0x2c0: {  	v11 =	vor.u32 s22, v8;
	_ =	sdelay $0x1  }
0x2c1: {  	v10 =	vmul.f32 v10, v13;
	_ =	sdelay $0x1  }
0x2c2: {  	[tilespmem:v12+s11+$0x0] =	vst.idx.msk $0xffff, v10  }
0x2c3: {  	v12 =	vld.idx.msk [tilespmem:v11+s11+$0x0], $0xffff;
	_ =	sdelay $0x2  }
0x2c4: {  	v10 =	vor.u32 s22, v9;
	_ =	sdelay $0x1  }
0x2c5: {  	v12 =	vmul.f32 v12, v13;
	_ =	sdelay $0x1  }
0x2c6: {  	[tilespmem:v11+s11+$0x0] =	vst.idx.msk $0xffff, v12  }
0x2c7: {  	v14 =	vld.idx.msk [tilespmem:v10+s11+$0x0], $0xffff;
	_ =	sdelay $0x1  }
0x2c8: {  	s18 =	sadd.s32 $0x1, s4  }
0x2c9: {  	s17 =	simm.s32 $0x80;
	v12 =	vmov s18  }
0x2ca: {  	v11 =	vor.u32 s17, v0  }
0x2cb: {  	v13 =	vmul.f32 v14, v13  }
0x2cc: {  	s18 =	simm.s32 $0x2  }
.LBB2_15:
0x2cd: {  	p1 =	sne.s32 s18, $0x4F;
	[tilespmem:v10+s11+$0x0] =	vst.idx.msk $0xffff, v13;
	s20 =	smov.u32 s18;
	s18 =	sadd.s32 $0x1, s18  }
0x2ce: {  	v13 =	vld.idx.msk [tilespmem:v12+s9+$0x0], $0xffff  }
0x2cf: {  	v10 =	vld.idx.msk [tilespmem:v11+s11+$0x0], $0xffff;
	_ =	sdelay $0x3  }
0x2d0: {  	v12 =	vor.u32 s17, v3;
	_ =	sdelay $0x1  }
0x2d1: {  	v10 =	vmul.f32 v10, v13;
	_ =	sdelay $0x1  }
0x2d2: {  	[tilespmem:v11+s11+$0x0] =	vst.idx.msk $0xffff, v10  }
0x2d3: {  	v10 =	vld.idx.msk [tilespmem:v12+s11+$0x0], $0xffff;
	_ =	sdelay $0x3  }
0x2d4: {  	v11 =	vor.u32 s17, v4;
	_ =	sdelay $0x1  }
0x2d5: {  	v10 =	vmul.f32 v10, v13;
	_ =	sdelay $0x1  }
0x2d6: {  	[tilespmem:v12+s11+$0x0] =	vst.idx.msk $0xffff, v10  }
0x2d7: {  	v10 =	vld.idx.msk [tilespmem:v11+s11+$0x0], $0xffff;
	_ =	sdelay $0x3  }
0x2d8: {  	v12 =	vor.u32 s17, v5;
	_ =	sdelay $0x1  }
0x2d9: {  	v10 =	vmul.f32 v10, v13;
	_ =	sdelay $0x1  }
0x2da: {  	[tilespmem:v11+s11+$0x0] =	vst.idx.msk $0xffff, v10  }
0x2db: {  	v10 =	vld.idx.msk [tilespmem:v12+s11+$0x0], $0xffff;
	_ =	sdelay $0x3  }
0x2dc: {  	v11 =	vor.u32 s17, v6;
	_ =	sdelay $0x1  }
0x2dd: {  	v10 =	vmul.f32 v10, v13;
	_ =	sdelay $0x1  }
0x2de: {  	[tilespmem:v12+s11+$0x0] =	vst.idx.msk $0xffff, v10  }
0x2df: {  	v10 =	vld.idx.msk [tilespmem:v11+s11+$0x0], $0xffff;
	_ =	sdelay $0x3  }
0x2e0: {  	v12 =	vor.u32 s17, v7;
	_ =	sdelay $0x1  }
0x2e1: {  	v10 =	vmul.f32 v10, v13;
	_ =	sdelay $0x1  }
0x2e2: {  	[tilespmem:v11+s11+$0x0] =	vst.idx.msk $0xffff, v10  }
0x2e3: {  	v10 =	vld.idx.msk [tilespmem:v12+s11+$0x0], $0xffff;
	_ =	sdelay $0x3  }
0x2e4: {  	v11 =	vor.u32 s17, v8;
	_ =	sdelay $0x1  }
0x2e5: {  	v10 =	vmul.f32 v10, v13;
	_ =	sdelay $0x1  }
0x2e6: {  	[tilespmem:v12+s11+$0x0] =	vst.idx.msk $0xffff, v10  }
0x2e7: {  	v12 =	vld.idx.msk [tilespmem:v11+s11+$0x0], $0xffff;
	_ =	sdelay $0x3  }
0x2e8: {  	v10 =	vor.u32 s17, v9;
	_ =	sdelay $0x1  }
0x2e9: {  	v12 =	vmul.f32 v12, v13;
	_ =	sdelay $0x1  }
0x2ea: {  	[tilespmem:v11+s11+$0x0] =	vst.idx.msk $0xffff, v12  }
0x2eb: {  	v14 =	vld.idx.msk [tilespmem:v10+s11+$0x0], $0xffff;
	_ =	sdelay $0x1  }
.Ltmp9:
0x2ec: {  	(pc) =	sbr.rel @p1 .LBB2_15-.Ltmp9, $4  }
0x2ed: {  	s17 =	sadd.s32 s20, s4  }
0x2ee: {  	v12 =	vmov s17;
	s17 =	sshll.u32 s20, $0x7  }
0x2ef: {  	v11 =	vor.u32 s17, v0  }
0x2f0: {  	v13 =	vmul.f32 v14, v13  }
.Ltmp10:
0x2f1: {  	_ = 	snop;
	(pc) =	sbr.rel .LBB2_16-.Ltmp10, $1  }
0x2f2: {  	_ =	sdelay $0x3  }
.LBB2_18:
0x2f3: {  	_ =	sfence.sel $0x180000  }
0x2f4: {  	[bflag:$0x0] =	sbarrier.arrive $0xFFFF  }
0x2f5: {  	_ =	strace $0x90000047  }
0x2f6: {  	s0 =	stileid.u32;
	[bflag:$0x2] =	sbarrier.arrive $0xFFFF  }
0x2f7: {  	p0 =	sne.s32 s0, $0x0;
	s0 =	rddreg [dreg:$0x4]  }
0x2f8: {  	s0 =	sadd.s32 @!p0 $0x100000, s0  }
0x2f9: {  	[sflag:s0] =	ssyncadd.tile.s32 @!p0 $0x1;
	_ =	shalt  }
.Lfunc_end2:
_tile_overlayer_lowered:
.L_overlay_start_2:
0x2fa: {  	(tag) =	ssettag $0x2  }
0x2fb: {  	s0 =	rddreg [dreg:$0x0];
	s2 =	stileid.u32  }
0x2fc: {  	s1 =	rddreg [dreg:$0x1];
	p0 =	sne.s32 s2, $0x0  }
0x2fd: {  	s3 =	rddreg [dreg:$0x2];
	[bflag:$0x3] =	sbarrier.arrive $0xFFFF;
	s2 =	simm.s32 @!p0 $0x1C06  }
0x2fe: {  	[timem:s3], [sflag:s2] =	dma.local @!p0 [hbm:s0], s1  }
0x2ff: {  	s0 =	simm.s32 @!p0 $0x6  }
0x300: {  	_ =	swait.ge @!p0 [sflag:s0], s1  }
0x301: {  	s1 =	ssub.s32 @!p0 $0x0, s1;
	[sflag:s0] =	ssyncset.done @!p0 $0x0  }
0x302: {  	[sflag:s0] =	ssyncadd.s32 @!p0 s1  }
0x303: {  	[bflag:$0x3] =	sbarrier.arrive $0xFFFF  }
0x304: {  	_ =	shalt  }

// kernel: kernel.8.cloned.1.call-start
scs
__scs_entry_jumppad:
0x0: {  	(pc) =	sbr.rel $0x88, $3  }
0x1: {  	(tag) =	ssettag $0x0;
	lr =	simm.s32 $0x1  }
0x2: {  	[smem:$0x3F9F] =	sst lr;
	_ =	strace $0xD0000000  }
0x3: {  	_ = 	snop  }
0x4: {  	_ = 	snop  }
0x5: {  	_ = 	snop  }
0x6: {  	_ = 	snop  }
0x7: {  	_ = 	snop  }
__scs_overlays_trampoline_lowered:
0x8: {  	[smem:$0x3FAE] =	sst s0  }
0x9: {  	[smem:$0x3FAF] =	sst s1  }
0xa: {  	[smem:$0x3FB0] =	sst s2  }
0xb: {  	[smem:$0x3FB1] =	sst s3  }
0xc: {  	[smem:$0x3FB2] =	sst s4  }
0xd: {  	[smem:$0x3FB3] =	sst s5  }
0xe: {  	[smem:$0x3FB4] =	sst s6  }
0xf: {  	[smem:$0x3FB5] =	sst s7  }
0x10: {  	[smem:$0x3FB6] =	sst s8  }
0x11: {  	[smem:$0x3FB7] =	sst s9;
	s0 =	simm.s32 @!p0 $0x0  }
0x12: {  	s1 =	sld [smem:$0x3F9D];
	s0 =	simm.s32 @p0 $0x1  }
0x13: {  	[smem:$0x3FB8] =	sst s0;
	s0 =	simm.s32 @!p1 $0x0  }
0x14: {  	s2 =	sld [smem:$0x3F9C];
	s0 =	simm.s32 @p1 $0x1  }
0x15: {  	[smem:$0x3FB9] =	sst s0;
	s0 =	simm.s32 @!p2 $0x0  }
0x16: {  	s3 =	sld [smem:$0x3FDB];
	s0 =	simm.s32 @p2 $0x1  }
0x17: {  	s4 =	simm.s32 $0x1BF5;
	[smem:$0x3FBB] =	sst s0  }
0x18: {  	s0 =	sld [smem:$0x3F9E];
	_ =	swait.ge [sflag:s4], $0x0  }
0x19: {  	s7 =	sld [smem:$0x3F9F]  }
0x1a: {  	s8 =	sadd.s32 $0xFFFFE003, lr  }
0x1b: {  	s9 =	sadd.s32 $0xFFFFFEF7, lr;
	s5 =	simm.s32 $0xFFFFFFFF;
	p2 =	slt.u32 s8, $0xFFFFF086  }
0x1c: {  	p1 =	slt.u32 s9, $0xF7A;
	s5 =	simm.s32 @!p2 $0x0  }
0x1d: {  	s5 =	simm.s32 @p1 $0x1;
	p0 =	seq.s32 s7, s2  }
0x1e: {  	s7 =	smul.u32 @!p0 $0xF7A, s2;
	p2 =	seq.s32 @!p0 s5, $0x0  }
0x1f: {  	s9 =	smul.u32 $0xF7A, s1;
	s8 =	simm.s32 @!p0 $0x1BF5;
	p2 =	por !p2, p0  }
0x20: {  	[sflag:s8] =	ssyncset.s32 @!p0 $0xFFFFF086;
	s6 =	sadd.s32 @!p0 s3, s7;
	s7 =	simm.s32 @!p0 $0x108  }
0x21: {  	s3 =	sadd.s32 s3, s9;
	s6 =	sadd.s32 @!p0 $0x88, s6;
	s7 =	simm.s32 @p2 $0x1082  }
0x22: {  	[simem:s7], [sflag:s8] =	dma.local @!p0 [hbm:s6], $0xF7A  }
0x23: {  	s9 =	sor.u32 $0xD0000000, s2;
	s6 =	simm.s32 $0x108;
	_ =	swait.ge @!p0 [sflag:s8], $0x0  }
0x24: {  	s3 =	sadd.s32 $0x88, s3;
	s6 =	simm.s32 @!p1 $0x1082;
	[sflag:s4] =	ssyncset.s32 $0xFFFFF086  }
0x25: {  	[simem:s6], [sflag:s4] =	dma.local [hbm:s3], $0xF7A  }
0x26: {  	[smem:$0x3F9F] =	sst s1;
	(tag) =	ssettag s2;
	_ =	strace s9  }
0x27: {  	s1 =	sld [smem:$0x3FAF]  }
0x28: {  	s2 =	sld [smem:$0x3FB0]  }
0x29: {  	s4 =	sld [smem:$0x3FB2]  }
0x2a: {  	p0 =	seq.s32 s5, $0x0;
	s5 =	sld [smem:$0x3FB3]  }
0x2b: {  	s6 =	sld [smem:$0x3FB4]  }
0x2c: {  	s7 =	sld [smem:$0x3FB5]  }
0x2d: {  	s3 =	simm.s32 $0x108;
	s8 =	sld [smem:$0x3FB6]  }
0x2e: {  	s3 =	simm.s32 @!p0 $0x1082;
	s9 =	sld [smem:$0x3FB7]  }
0x2f: {  	lr =	sadd.s32 s0, s3;
	s0 =	sld [smem:$0x3FAE]  }
0x30: {  	s3 =	sld [smem:$0x3FB1]  }
0x31: {  	[smem:$0x3FBA] =	sst s10  }
0x32: {  	s10 =	sld [smem:$0x3FB8];
	_ =	sdelay $0x3  }
0x33: {  	p0 =	seq.s32 s10, $0x1;
	s10 =	sld [smem:$0x3FBA];
	_ =	sdelay $0x3  }
0x34: {  	[smem:$0x3FBA] =	sst s10  }
0x35: {  	s10 =	sld [smem:$0x3FB9];
	_ =	sdelay $0x3  }
0x36: {  	p1 =	seq.s32 s10, $0x1;
	s10 =	sld [smem:$0x3FBA];
	_ =	sdelay $0x3  }
0x37: {  	[smem:$0x3FBA] =	sst s10  }
0x38: {  	s10 =	sld [smem:$0x3FBB]  }
0x39: {  	_ = 	snop;
	(pc) =	sbr.ind lr, $3  }
0x3a: {  	_ = 	snop  }
0x3b: {  	_ = 	snop  }
0x3c: {  	p2 =	seq.s32 s10, $0x1;
	s10 =	sld [smem:$0x3FBA]  }
0x3d: {  	_ =	shalt  }
0x3e: {  	_ =	shalt  }
0x3f: {  	_ =	shalt  }
0x40: {  	_ =	shalt  }
0x41: {  	_ =	shalt  }
0x42: {  	_ =	shalt  }
0x43: {  	_ =	shalt  }
0x44: {  	_ =	shalt  }
0x45: {  	_ =	shalt  }
0x46: {  	_ =	shalt  }
0x47: {  	_ =	shalt  }
0x48: {  	_ =	shalt  }
0x49: {  	_ =	shalt  }
0x4a: {  	_ =	shalt  }
0x4b: {  	_ =	shalt  }
0x4c: {  	_ =	shalt  }
0x4d: {  	_ =	shalt  }
0x4e: {  	_ =	shalt  }
0x4f: {  	_ =	shalt  }
0x50: {  	_ =	shalt  }
0x51: {  	_ =	shalt  }
0x52: {  	_ =	shalt  }
0x53: {  	_ =	shalt  }
0x54: {  	_ =	shalt  }
0x55: {  	_ =	shalt  }
0x56: {  	_ =	shalt  }
0x57: {  	_ =	shalt  }
0x58: {  	_ =	shalt  }
0x59: {  	_ =	shalt  }
0x5a: {  	_ =	shalt  }
0x5b: {  	_ =	shalt  }
0x5c: {  	_ =	shalt  }
0x5d: {  	_ =	shalt  }
0x5e: {  	_ =	shalt  }
0x5f: {  	_ =	shalt  }
0x60: {  	_ =	shalt  }
0x61: {  	_ =	shalt  }
0x62: {  	_ =	shalt  }
0x63: {  	_ =	shalt  }
0x64: {  	_ =	shalt  }
0x65: {  	_ =	shalt  }
0x66: {  	_ =	shalt  }
0x67: {  	_ =	shalt  }
0x68: {  	_ =	shalt  }
0x69: {  	_ =	shalt  }
0x6a: {  	_ =	shalt  }
0x6b: {  	_ =	shalt  }
0x6c: {  	_ =	shalt  }
0x6d: {  	_ =	shalt  }
0x6e: {  	_ =	shalt  }
0x6f: {  	_ =	shalt  }
0x70: {  	_ =	shalt  }
0x71: {  	_ =	shalt  }
0x72: {  	_ =	shalt  }
0x73: {  	_ =	shalt  }
0x74: {  	_ =	shalt  }
0x75: {  	_ =	shalt  }
0x76: {  	_ =	shalt  }
0x77: {  	_ =	shalt  }
0x78: {  	_ =	shalt  }
0x79: {  	_ =	shalt  }
0x7a: {  	_ =	shalt  }
0x7b: {  	_ =	shalt  }
0x7c: {  	_ =	shalt  }
0x7d: {  	_ =	shalt  }
0x7e: {  	_ =	shalt  }
0x7f: {  	_ =	shalt  }
0x80: {  	_ =	shalt  }
0x81: {  	_ =	shalt  }
0x82: {  	_ =	shalt  }
0x83: {  	_ =	shalt  }
0x84: {  	_ =	shalt  }
0x85: {  	_ =	shalt  }
0x86: {  	_ =	shalt  }
0x87: {  	_ =	shalt  }
.Lfunc_end0:
.L_simem_size_0:
called_computation.1_lowered:
.L_overlay_start_0:
0x88: {  	s2 =	sld [smem:$0x3FD9]  }
0x89: {  	s3 =	sld [smem:$0x3FFE];
	_ =	sdelay $0x1  }
0x8a: {  	s1 =	srdreg.scid  }
0x8b: {  	s0 =	sand.u32 $0x1, s1  }
0x8c: {  	s17 =	sshll.u32 s0, $0xA;
	s2 =	sadd.s32 s3, s2  }
0x8d: {  	s2 =	sadd.s32 s2, s17  }
0x8e: {  	[smem:$0x3FC6] =	sst s2  }
0x8f: {  	_ = 	snop  }
0x90: {  	s2 =	sld [smem:$0x3FD0];
	(tm) =	ssettm $0x1  }
0x91: {  	s18 =	sld [smem:$0x3FFB];
	_ =	sdelay $0x3  }
0x92: {  	_ =	strace s18  }
0x93: {  	s3 =	sld [smem:$0x3FFC];
	_ =	sdelay $0x3  }
0x94: {  	_ =	strace s3  }
0x95: {  	s3 =	sld [smem:$0x3FFD];
	_ =	sdelay $0x3  }
0x96: {  	_ =	strace s3  }
0x97: {  	_ =	strace $0x8FFFFFFF  }
0x98: {  	s19 =	sld [smem:$0x3FDB];
	_ =	sdelay $0x1  }
0x99: {  	s4 =	simm.s32 $_scs_section_size  }
0x9a: {  	s5 =	simm.s32 $_size__tile_overlayer_lowered;
	s6 =	simm.s32 $_tile_overlayer_lowered  }
0x9b: {  	s22 =	simm.s32 $0x1BFF;
	s21 =	sshll.u32 s6, $0x1;
	s3 =	sadd.s32 s4, s19  }
0x9c: {  	s7 =	simm.s32 $0x0;
	s20 =	sshll.u32 s5, $0x1;
	s5 =	sadd.s32 s21, s3  }
0x9d: {  	[timem:s7], [sflag:s22] =	dma.local [hbm:s5], s20  }
0x9e: {  	_ =	swait.ge [sflag:s22], s20  }
0x9f: {  	s4 =	ssub.s32 $0x0, s20;
	[sflag:s22] =	ssyncset.done $0x0  }
0xa0: {  	[sflag:s22] =	ssyncadd.s32 s4;
	_ =	sdelay $0x1  }
0xa1: {  	s23 =	simm.s32 $0x1B8B  }
0xa2: {  	_ =	swait.ge [sflag:s23], $0x1  }
0xa3: {  	[sflag:s23] =	ssyncset.done $0x0  }
0xa4: {  	s25 =	simm.s32 $0x1B8E;
	s24 =	sld [smem:$0x3FFE];
	[sflag:s23] =	ssyncadd.s32 $0xFFFFFFFF  }
0xa5: {  	s26 =	simm.s32 $execute0_lowered;
	[smem:$0x3FD2] =	sst s25  }
0xa6: {  	s5 =	sshll.u32 s26, $0x1;
	_ =	strace $0x80000049;
	[dreg:$0x1] =	wrdreg $0xFFFFFFFF  }
0xa7: {  	s28 =	simm.s32 $_size_execute0_lowered;
	s3 =	sadd.s32 s3, s5;
	[dreg:$0x0] =	wrdreg $0x0  }
0xa8: {  	s5 =	sshll.u32 s28, $0x1;
	[dreg:$0x2] =	wrdreg s3  }
0xa9: {  	[dreg:$0x3] =	wrdreg s5  }
0xaa: {  	[dreg:$0x4] =	wrdreg $0xC0  }
0xab: {  	_ =	task [dreg:s7], $0x5FFFF  }
0xac: {  	[dreg:$0x1] =	wrdreg $0xFFFFFFFF  }
0xad: {  	[dreg:$0x0] =	wrdreg $0x60  }
0xae: {  	[dreg:$0x2] =	wrdreg s24  }
0xaf: {  	[dreg:$0x3] =	wrdreg s2  }
0xb0: {  	[dreg:$0x4] =	wrdreg $0xA7000  }
0xb1: {  	[dreg:$0x5] =	wrdreg $0x1DF800  }
0xb2: {  	[dreg:$0x6] =	wrdreg $0x9  }
0xb3: {  	_ =	task.clear_ibuf [dreg:s7], $0x7FFFF;
	_ =	strace $0x90000049  }
0xb4: {  	s29 =	simm.s32 $0x9;
	_ =	strace $0x8000004B  }
0xb5: {  	_ =	swait.ge [sflag:s29], $0x1  }
0xb6: {  	[sflag:s29] =	ssyncadd.s32 $0xFFFFFFFF  }
0xb7: {  	_ =	strace $0x9000004B  }
0xb8: {  	_ =	sfence  }
0xb9: {  	s30 =	sld [smem:$0x0];
	_ =	sdelay $0x2  }
0xba: {  	s31 =	sshll.u32 s1, $0xD;
	s1 =	sshrl.u32 s1, $0x2  }
0xbb: {  	s3 =	sand.u32 $0x4000, s31;
	s1 =	sadd.s32 s1, s30  }
0xbc: {  	s0 =	sor.u32 s3, s0;
	s1 =	sshll.u32 s1, $0x11  }
0xbd: {  	s0 =	sor.u32 s1, s0  }
0xbe: {  	s0 =	sadd.s32 $0x8F2B, s0  }
0xbf: {  	[sflag:s0] =	ssyncadd.remote.s32 $0x1  }
0xc0: {  	_ =	sfence.sel $0xFFFF  }
0xc1: {  	[dreg:$0x0] =	wrdreg $0xFFFFFFFF;
	(pc) =	sbr.abs _section_cstart, $3  }
0xc2: {  	[dreg:$0x1] =	wrdreg $0xFFFFFFFF  }
0xc3: {  	_ =	task.clear_ibuf [dreg:s7], $0x2FFFF;
	_ =	strace $0x9FFFFFFF  }
0xc4: {  	(tm) =	ssettm $0x7FFFFFFF  }
0xc5: {  	_ =	shalt  }
tec
execute0_lowered:
.L_overlay_start_1:
0x0: {  	(tag) =	ssettag $0x1  }
0x1: {  	s1 =	rddreg [dreg:$0x0]  }
0x2: {  	s8 =	rddreg [dreg:$0x1]  }
0x3: {  	s23 =	stileid.u32;
	s0 =	srdreg.scid  }
0x4: {  	s28 =	rddreg [dreg:$0x3];
	s7 =	sor.u32 $0x10, s23;
	s10 =	smul.u32 $0x500, s23  }
0x5: {  	s9 =	sadd.s32 $0x3CA00, s1;
	s3 =	sor.u32 $0x20, s23;
	s12 =	smul.u32 $0x500, s7  }
0x6: {  	s11 =	sand.u32 $0x1, s0;
	s4 =	sor.u32 $0x30, s23;
	s13 =	smul.u32 $0x500, s3  }
0x7: {  	s5 =	sor.u32 $0x40, s23;
	s6 =	sor.u32 $0x50, s23;
	s14 =	smul.u32 $0x500, s4  }
0x8: {  	s30 =	sadd.s32 $0x14600, s1;
	s31 =	sadd.s32 $0x3B800, s1;
	s16 =	smul.u32 $0x500, s5  }
0x9: {  	p2 =	sgt.u32 s23, $0xC;
	s0 =	ssub.s32 $0x2, s11;
	s17 =	smul.u32 $0x500, s6  }
0xa: {  	p0 =	sne.s32 s11, $0x0;
	s3 =	smul.u32 $0xA000, s3;
	s18 =	sadd.s32 s9, s10  }
0xb: {  	s4 =	smul.u32 $0xA000, s4;
	s21 =	sadd.s32 s8, s10;
	[dreg:$0x5] =	wrdreg s18  }
0xc: {  	s2 =	sshrl.u32 s0, $0x1;
	s22 =	sadd.s32 s9, s12;
	[dreg:$0xd] =	wrdreg s21  }
0xd: {  	s10 =	sadd.s32 $0xA00, s1;
	s19 =	sadd.s32 s9, s13;
	[dreg:$0x6] =	wrdreg s22  }
0xe: {  	s15 =	ssub.s32 s0, s2;
	s24 =	sadd.s32 s9, s14;
	[dreg:$0x7] =	wrdreg s19  }
0xf: {  	s2 =	sor.u32 $0x60, s23;
	s20 =	sadd.s32 s9, s16;
	[dreg:$0x8] =	wrdreg s24  }
0x10: {  	s0 =	sor.u32 $0x70, s23;
	s25 =	sadd.s32 s9, s17;
	[dreg:$0x9] =	wrdreg s20  }
0x11: {  	s3 =	sshrl.u32 s3, $0x2;
	[dreg:$0xa] =	wrdreg s25;
	s22 =	sadd.s32 s8, s12  }
0x12: {  	s4 =	sshrl.u32 s4, $0x2;
	s24 =	sadd.s32 s8, s13;
	[dreg:$0xe] =	wrdreg s22  }
0x13: {  	s18 =	smul.u32 $0x500, s2;
	s25 =	sadd.s32 s8, s14;
	[dreg:$0xf] =	wrdreg s24  }
0x14: {  	s19 =	smul.u32 $0x500, s0;
	s13 =	sadd.s32 s8, s16;
	[dreg:$0x10] =	wrdreg s25  }
0x15: {  	s14 =	sadd.s32 s8, s17;
	s16 =	smul.u32 $0x2710, s23;
	[dreg:$0x11] =	wrdreg s13  }
0x16: {  	s17 =	simm.s32 $0x0;
	s2 =	smul.u32 $0xA000, s2;
	[dreg:$0x12] =	wrdreg s14  }
0x17: {  	p1 =	sgt.u32 s0, $0x7C;
	s0 =	smul.u32 $0xA000, s0;
	[smem:$0x7FF] =	sst s17  }
0x18: {  	s13 =	smul.u32 $0xA000, s6;
	s6 =	simm.s32 $0x0;
	s26 =	sadd.s32 s9, s18  }
0x19: {  	s9 =	sadd.s32 s9, s19;
	s20 =	sadd.s32 s8, s18;
	[dreg:$0xb] =	wrdreg s26  }
0x1a: {  	s8 =	sadd.s32 s8, s19;
	[dreg:$0xc] =	wrdreg s9;
	s26 =	smul.u32 $0x27100, s11  }
0x1b: {  	s2 =	sshrl.u32 s2, $0x2;
	s0 =	sshrl.u32 s0, $0x2;
	[dreg:$0x13] =	wrdreg s20  }
0x1c: {  	[dreg:$0x14] =	wrdreg s8;
	s9 =	sadd.s32 $0xA800, s1;
	s21 =	sadd.s32 s16, s26  }
0x1d: {  	s11 =	smax.u32 s15, $0x1;
	s16 =	smul.u32 $0x280, s23;
	s22 =	sshrl.u32 s21, $0x3  }
0x1e: {  	s24 =	sadd.s32 $0xA0, s21;
	s26 =	sadd.s32 $0xF0, s21;
	s8 =	sadd.s32 $0x50, s21  }
0x1f: {  	s18 =	sadd.s32 s22, s10;
	s19 =	sadd.s32 s22, s9;
	s25 =	sshrl.u32 s24, $0x3  }
0x20: {  	s14 =	sshrl.u32 s26, $0x3;
	s8 =	sshrl.u32 s8, $0x3;
	s22 =	rddreg [dreg:$0x2]  }
0x21: {  	s12 =	sshrl.u32 s16, $0x3;
	s20 =	sadd.s32 s25, s10;
	s21 =	sadd.s32 s25, s9  }
0x22: {  	s24 =	sadd.s32 s14, s10;
	s25 =	sadd.s32 s14, s9;
	s26 =	sadd.s32 s8, s10  }
0x23: {  	s29 =	sadd.s32 s8, s9;
	s9 =	simm.s32 @!p0 $0x0;
	s14 =	smul.u32 $0xA000, s7  }
0x24: {  	s8 =	sadd.s32 s12, s1;
	s10 =	smul.u32 $0xA000, s23;
	s9 =	simm.s32 @p0 $0x1  }
0x25: {  	[smem:$0x7FB] =	sst s9;
	s9 =	sadd.s32 s16, s28;
	s16 =	sadd.s32 $0x3C400, s8  }
0x26: {  	s8 =	sadd.s32 $0x3BE00, s8;
	_ =	strace $0x8000004A;
	[dreg:$0x16] =	wrdreg s16  }
0x27: {  	s15 =	sshrl.u32 s13, $0x2;
	s12 =	smul.u32 $0xA000, s5;
	[dreg:$0x17] =	wrdreg s8  }
0x28: {  	s3 =	sadd.s32 s3, s22;
	s0 =	sadd.s32 s0, s22;
	[dreg:$0x18] =	wrdreg s11  }
0x29: {  	s1 =	sshrl.u32 s14, $0x2;
	s14 =	sadd.s32 s4, s22;
	[dreg:$0x1b] =	wrdreg s3  }
0x2a: {  	p0 =	slt.u32 s23, $0xD;
	s7 =	sshrl.u32 s10, $0x2;
	[dreg:$0x1c] =	wrdreg s14  }
0x2b: {  	s4 =	simm.s32 $0xA400;
	s7 =	sadd.s32 s7, s22;
	[smem:$0x7FC] =	sst s0  }
0x2c: {  	s1 =	sadd.s32 s1, s22;
	s16 =	sadd.s32 s2, s22;
	[dreg:$0x15] =	wrdreg s9  }
0x2d: {  	s0 =	simm.s32 @!p0 $0x0;
	s14 =	simm.s32 $0x11;
	[dreg:$0x19] =	wrdreg s7  }
0x2e: {  	s2 =	simm.s32 $0x400;
	s3 =	simm.s32 $0x5;
	[dreg:$0x1a] =	wrdreg s1  }
.Ltmp0:
0x2f: {  	s1 =	sshrl.u32 s12, $0x2;
	[dreg:$0x1f] =	wrdreg s16;
	(pc) =	sbr.rel .LBB2_1-.Ltmp0, $4  }
0x30: {  	s0 =	simm.s32 @p0 $0x1;
	s7 =	simm.s32 $0x12;
	s16 =	simm.s32 $0x1  }
0x31: {  	s12 =	simm.s32 $0x100;
	s1 =	sadd.s32 s1, s22;
	[smem:$0x7FD] =	sst s0  }
0x32: {  	s0 =	simm.s32 $0x300;
	[dreg:$0x1d] =	wrdreg s1;
	s1 =	sadd.s32 s15, s22  }
0x33: {  	v0 =	vimm.f32 $1.000000000e+00;
	v1 =	vimm.f32 $0.0e+00;
	s15 =	simm.s32 $0x200;
	[dreg:$0x1e] =	wrdreg s1;
	s1 =	simm.s32 $0x50  }
.LBB2_6:
0x34: {  	_ =	swait.ge [sflag:s14], $0x500  }
0x35: {  	[sflag:s14] =	ssyncset.done $0x0  }
0x36: {  	[sflag:s14] =	ssyncadd.s32 $0xFFFFFB00  }
.LBB2_7:
0x37: {  	s6 =	sadd.s32 $0x1, s6;
	s5 =	rddreg [dreg:$0x18]  }
0x38: {  	p0 =	sne.s32 s6, s5  }
.Ltmp1:
0x39: {  	_ = 	snop;
	(pc) =	sbr.rel @!p0 .LBB2_8-.Ltmp1, $1  }
0x3a: {  	_ =	sdelay $0x3  }
.LBB2_1:
0x3b: {  	[tilespmem:$0xA400] =	vst v0  }
0x3c: {  	[tilespmem:$0xA410] =	vst v0  }
0x3d: {  	[tilespmem:$0xA420] =	vst v0  }
0x3e: {  	[tilespmem:$0xA430] =	vst v0  }
0x3f: {  	[tilespmem:$0xA440] =	vst v0  }
0x40: {  	[tilespmem:$0xA480] =	vst v1  }
0x41: {  	[tilespmem:$0xA490] =	vst v1  }
0x42: {  	[tilespmem:$0xA4A0] =	vst v1  }
0x43: {  	[tilespmem:$0xA4B0] =	vst v1  }
0x44: {  	[tilespmem:$0xA4C0] =	vst v1  }
0x45: {  	[tilespmem:$0xA4D0] =	vst v1  }
0x46: {  	[tilespmem:$0xA4E0] =	vst v1  }
0x47: {  	[tilespmem:$0xA4F0] =	vst v1  }
0x48: {  	[tilespmem:$0xA500] =	vst v1  }
0x49: {  	[tilespmem:$0xA510] =	vst v1  }
0x4a: {  	[tilespmem:$0xA520] =	vst v1  }
0x4b: {  	[tilespmem:$0xA530] =	vst v1  }
0x4c: {  	[tilespmem:$0xA540] =	vst v1  }
0x4d: {  	[tilespmem:$0xA550] =	vst v1  }
0x4e: {  	[tilespmem:$0xA560] =	vst v1  }
0x4f: {  	[tilespmem:$0xA570] =	vst v1  }
0x50: {  	[tilespmem:$0xA580] =	vst v1  }
0x51: {  	[tilespmem:$0xA590] =	vst v1  }
0x52: {  	[tilespmem:$0xA5A0] =	vst v1  }
0x53: {  	[tilespmem:$0xA5B0] =	vst v1  }
0x54: {  	[tilespmem:$0xA5C0] =	vst v1  }
0x55: {  	[tilespmem:$0xA5D0] =	vst v1  }
0x56: {  	[tilespmem:$0xA5E0] =	vst v1  }
0x57: {  	[tilespmem:$0xA5F0] =	vst v1  }
0x58: {  	[tilespmem:$0xA600] =	vst v1  }
0x59: {  	[tilespmem:$0xA610] =	vst v1  }
0x5a: {  	[tilespmem:$0xA620] =	vst v1  }
0x5b: {  	[tilespmem:$0xA630] =	vst v1  }
0x5c: {  	[tilespmem:$0xA640] =	vst v1  }
0x5d: {  	[tilespmem:$0xA650] =	vst v1  }
0x5e: {  	[tilespmem:$0xA660] =	vst v1  }
0x5f: {  	[tilespmem:$0xA670] =	vst v1  }
0x60: {  	[tilespmem:$0xA680] =	vst v1  }
0x61: {  	[tilespmem:$0xA690] =	vst v1  }
0x62: {  	[tilespmem:$0xA6A0] =	vst v1  }
0x63: {  	[tilespmem:$0xA6B0] =	vst v1  }
0x64: {  	[tilespmem:$0xA6C0] =	vst v1  }
0x65: {  	[tilespmem:$0xA6D0] =	vst v1  }
0x66: {  	[tilespmem:$0xA6E0] =	vst v1  }
0x67: {  	[smem:$0x7F1] =	sst s6;
	[tilespmem:$0xA6F0] =	vst v1;
	s5 =	simm.s32 $0xA480;
	s13 =	stileid.u32  }
0x68: {  	[spmem:s9] =	stream.linear.scatter [tilespmem:s5], [sflag:$0x12], $0x280, $0x38;
	[tilespmem:$0x1E200] =	vst v63  }
0x69: {  	s5 =	sshll.u32 s13, $0x6;
	_ =	swait.ge [sflag:s7], $0x280  }
0x6a: {  	s6 =	sor.u32 $0x1C11, s5;
	s23 =	rddreg [dreg:$0x19]  }
0x6b: {  	[sflag:s7] =	ssyncset.done $0x0;
	[smem:$0x7F2] =	sst s5;
	s5 =	sshrl.u32 s23, $0x3  }
0x6c: {  	[sflag:s7] =	ssyncadd.s32 $0xFFFFFD80;
	[smem:$0x7F3] =	sst s5  }
0x6d: {  	[spmem:s5], [sflag:s6] =	dma.local [hbm:s31], $0x500  }
0x6e: {  	s5 =	rddreg [dreg:$0x1a]  }
0x6f: {  	s5 =	sshrl.u32 s5, $0x3  }
0x70: {  	[smem:$0x7F4] =	sst s5  }
0x71: {  	[spmem:s5], [sflag:s6] =	dma.local [hbm:s31], $0x500  }
0x72: {  	s5 =	rddreg [dreg:$0x1b]  }
0x73: {  	s5 =	sshrl.u32 s5, $0x3  }
0x74: {  	[smem:$0x7F5] =	sst s5  }
0x75: {  	[spmem:s5], [sflag:s6] =	dma.local [hbm:s31], $0x500  }
0x76: {  	s5 =	rddreg [dreg:$0x1c]  }
0x77: {  	s5 =	sshrl.u32 s5, $0x3  }
0x78: {  	[smem:$0x7F6] =	sst s5  }
0x79: {  	[spmem:s5], [sflag:s6] =	dma.local [hbm:s31], $0x500  }
0x7a: {  	s5 =	rddreg [dreg:$0x1d]  }
0x7b: {  	s5 =	sshrl.u32 s5, $0x3  }
0x7c: {  	[smem:$0x7F7] =	sst s5  }
0x7d: {  	[spmem:s5], [sflag:s6] =	dma.local [hbm:s31], $0x500  }
0x7e: {  	s5 =	rddreg [dreg:$0x1e]  }
0x7f: {  	s5 =	sshrl.u32 s5, $0x3  }
0x80: {  	[smem:$0x7F8] =	sst s5  }
0x81: {  	[spmem:s5], [sflag:s6] =	dma.local [hbm:s31], $0x500  }
0x82: {  	s5 =	rddreg [dreg:$0x1f]  }
0x83: {  	s5 =	sshrl.u32 s5, $0x3  }
0x84: {  	[smem:$0x7F9] =	sst s5  }
0x85: {  	[spmem:s5], [sflag:s6] =	dma.local [hbm:s31], $0x500  }
0x86: {  	s5 =	sld [smem:$0x7FC];
	_ =	sdelay $0x2  }
0x87: {  	s5 =	sshrl.u32 @!p1 s5, $0x3  }
0x88: {  	[smem:$0x7FA] =	sst s5  }
0x89: {  	[spmem:s5], [sflag:s6] =	dma.local @!p1 [hbm:s31], $0x500  }
0x8a: {  	_ =	swait.ge [sflag:s14], $0x500  }
0x8b: {  	[sflag:s14] =	ssyncset.done $0x0  }
0x8c: {  	[sflag:s14] =	ssyncadd.s32 $0xFFFFFB00  }
0x8d: {  	_ =	swait.ge [sflag:s14], $0x500  }
0x8e: {  	[sflag:s14] =	ssyncset.done $0x0  }
0x8f: {  	[sflag:s14] =	ssyncadd.s32 $0xFFFFFB00  }
0x90: {  	_ =	swait.ge [sflag:s14], $0x500  }
0x91: {  	[sflag:s14] =	ssyncset.done $0x0  }
0x92: {  	[sflag:s14] =	ssyncadd.s32 $0xFFFFFB00  }
0x93: {  	_ =	swait.ge [sflag:s14], $0x500  }
0x94: {  	[sflag:s14] =	ssyncset.done $0x0  }
0x95: {  	[sflag:s14] =	ssyncadd.s32 $0xFFFFFB00  }
0x96: {  	_ =	swait.ge [sflag:s14], $0x500  }
0x97: {  	[sflag:s14] =	ssyncset.done $0x0  }
0x98: {  	[sflag:s14] =	ssyncadd.s32 $0xFFFFFB00  }
0x99: {  	_ =	swait.ge [sflag:s14], $0x500  }
0x9a: {  	[sflag:s14] =	ssyncset.done $0x0  }
0x9b: {  	[sflag:s14] =	ssyncadd.s32 $0xFFFFFB00  }
0x9c: {  	_ =	swait.ge [sflag:s14], $0x500  }
0x9d: {  	[sflag:s14] =	ssyncset.done $0x0  }
0x9e: {  	s8 =	simm.s32 @!p2 $0x11;
	[sflag:s14] =	ssyncadd.s32 $0xFFFFFB00  }
0x9f: {  	_ =	swait.ge @!p2 [sflag:s8], $0x500  }
0xa0: {  	[sflag:s8] =	ssyncset.done @!p2 $0x0  }
0xa1: {  	[sflag:s8] =	ssyncadd.s32 @!p2 $0xFFFFFB00  }
0xa2: {  	s9 =	simm.s32 $0x0;
	s8 =	simm.s32 $0x3;
	[bflag:$0x0] =	sbarrier.arrive $0xFFFF  }
.LBB2_2:
0xa3: {  	s10 =	sadd.s32 $0xFFFFFFF9, s8  }
0xa4: {  	p3 =	sgt.u32 s10, $0x7C  }
0xa5: {  	s10 =	simm.s32 @!p3 $0x9  }
0xa6: {  	_ =	swait.ge @!p3 [sflag:s10], $0x2800  }
0xa7: {  	[sflag:s10] =	ssyncset.done @!p3 $0x0  }
0xa8: {  	[sflag:s10] =	ssyncadd.s32 @!p3 $0xFFFFD800;
	s10 =	simm.s32 @!p3 $0xD  }
0xa9: {  	_ =	swait.ge @!p3 [sflag:s10], $0x50  }
0xaa: {  	s23 =	sadd.s32 $0xFFFFFFFC, s8;
	[sflag:s10] =	ssyncset.done @!p3 $0x0  }
0xab: {  	s11 =	sadd.s32 s9, s19;
	p4 =	sgt.u32 s23, $0x7C;
	[sflag:s10] =	ssyncadd.s32 @!p3 $0xFFFFFFB0  }
0xac: {  	[tilespmem:s17], [sflag:$0x1] =	stream.linear.gather [hbm4b:s11+s17], $0x50, $0x38;
	[tilespmem:$0x1E200] =	vst v63  }
0xad: {  	s13 =	sadd.s32 s9, s18;
	s10 =	simm.s32 @!p4 $0x4  }
0xae: {  	[tilespmem:s15], [sflag:$0x1] =	stream.linear.gather [hbm4b:s13+s17], $0x50, $0x38;
	[tilespmem:$0x1E200] =	vst v63  }
0xaf: {  	_ =	swait.ge @!p4 [sflag:s10], $0x50  }
0xb0: {  	[sflag:s10] =	ssyncset.done @!p4 $0x0  }
0xb1: {  	[sflag:s10] =	ssyncadd.s32 @!p4 $0xFFFFFFB0  }
0xb2: {  	_ =	swait.ge @!p4 [sflag:s10], $0x50  }
0xb3: {  	s11 =	simm.s32 @!p4 $0x7C00;
	[sflag:s10] =	ssyncset.done @!p4 $0x0  }
0xb4: {  	s13 =	simm.s32 @!p4 $0x180;
	[sflag:s10] =	ssyncadd.s32 @!p4 $0xFFFFFFB0;
	s10 =	simm.s32 @!p4 $0x50  }
0xb5: {  	[tilespmem:s11], [sflag:$0x8] =	stream.indirect.gather @!p4 [hbm4b:s30+s10], $0x80, s13, s10, $0xb8;
	[tilespmem:$0x1E200] =	vst v63  }
0xb6: {  	s13 =	sadd.s32 @!p4 $0xFFFFFFFA, s8  }
0xb7: {  	p3 =	sgt.u32 @!p4 s13, $0x7C  }
0xb8: {  	p3 =	por p3, p4  }
0xb9: {  	s13 =	simm.s32 @!p3 $0x6  }
0xba: {  	_ =	swait.ge @!p3 [sflag:s13], $0x2800  }
0xbb: {  	s23 =	simm.s32 @!p3 $0x280;
	[sflag:s13] =	ssyncset.done @!p3 $0x0  }
0xbc: {  	s7 =	simm.s32 @!p3 $0x2C00;
	[sflag:s13] =	ssyncadd.s32 @!p3 $0xFFFFD800;
	s13 =	simm.s32 @!p3 $0x50  }
0xbd: {  	[spmem:s22] =	stream.indirect.scatter.add.f32 @!p3 [tilespmem:s7], [sflag:$0xA], $0x80, s23, s13, $0xb8;
	[tilespmem:$0x1E200] =	vst v63  }
0xbe: {  	p5 =	seq.s32 s9, $0x0;
	s7 =	simm.s32 @!p3 $0xA400  }
0xbf: {  	[spmem:s28] =	stream.indirect.scatter.add.f32 @!p3 [tilespmem:s7], [sflag:$0xE], $0x1, s23, s13, $0xb8;
	[tilespmem:$0x1E200] =	vst v63  }
0xc0: {  	s7 =	simm.s32 @!p5 $0xA  }
0xc1: {  	_ =	swait.ge @!p5 [sflag:s7], $0x2800  }
0xc2: {  	[sflag:s7] =	ssyncset.done @!p5 $0x0  }
0xc3: {  	s5 =	sadd.s32 $0xFFFFFFFE, s8;
	[sflag:s7] =	ssyncadd.s32 @!p5 $0xFFFFD800;
	s7 =	simm.s32 @!p5 $0xE  }
0xc4: {  	p6 =	sgt.u32 s5, $0x7C;
	_ =	swait.ge @!p5 [sflag:s7], $0x50  }
0xc5: {  	s23 =	simm.s32 @!p6 $0x0;
	[sflag:s7] =	ssyncset.done @!p5 $0x0  }
0xc6: {  	s13 =	simm.s32 @!p6 $0x80;
	[sflag:s7] =	ssyncadd.s32 @!p5 $0xFFFFFFB0;
	s7 =	sadd.s32 @!p6 s9, s29  }
0xc7: {  	[tilespmem:s13], [sflag:$0x2] =	stream.linear.gather @!p6 [hbm4b:s7+s23], $0x50, $0x38;
	[tilespmem:$0x1E200] =	vst v63  }
0xc8: {  	s5 =	simm.s32 @!p6 $0x280;
	s7 =	sadd.s32 @!p6 s9, s26  }
0xc9: {  	[tilespmem:s5], [sflag:$0x2] =	stream.linear.gather @!p6 [hbm4b:s7+s23], $0x50, $0x38;
	[tilespmem:$0x1E200] =	vst v63  }
0xca: {  	_ =	swait.ge [sflag:s16], $0x50  }
0xcb: {  	[sflag:s16] =	ssyncset.done $0x0  }
0xcc: {  	[sflag:s16] =	ssyncadd.s32 $0xFFFFFFB0  }
0xcd: {  	s23 =	sadd.s32 $0xFFFFFFFB, s8;
	_ =	swait.ge [sflag:s16], $0x50  }
0xce: {  	p3 =	sgt.u32 s23, $0x7C;
	[sflag:s16] =	ssyncset.done $0x0  }
0xcf: {  	s5 =	simm.s32 @!p3 $0x7;
	[sflag:s16] =	ssyncadd.s32 $0xFFFFFFB0  }
0xd0: {  	[tilespmem:s2], [sflag:$0x5] =	stream.indirect.gather [hbm4b:s30+s1], $0x80, s17, s1, $0xb8;
	[tilespmem:$0x1E200] =	vst v63  }
0xd1: {  	_ =	swait.ge @!p3 [sflag:s5], $0x2800  }
0xd2: {  	s7 =	simm.s32 @!p3 $0x300;
	[sflag:s5] =	ssyncset.done @!p3 $0x0  }
0xd3: {  	s23 =	simm.s32 @!p3 $0x5400;
	[sflag:s5] =	ssyncadd.s32 @!p3 $0xFFFFD800;
	s5 =	simm.s32 @!p3 $0x50  }
0xd4: {  	[spmem:s22] =	stream.indirect.scatter.add.f32 @!p3 [tilespmem:s23], [sflag:$0xB], $0x80, s7, s5, $0xb8;
	[tilespmem:$0x1E200] =	vst v63  }
0xd5: {  	s23 =	simm.s32 @!p3 $0xA400  }
0xd6: {  	[spmem:s28] =	stream.indirect.scatter.add.f32 @!p3 [tilespmem:s23], [sflag:$0xF], $0x1, s7, s5, $0xb8;
	[tilespmem:$0x1E200] =	vst v63  }
0xd7: {  	s5 =	simm.s32 @!p3 $0xB  }
0xd8: {  	_ =	swait.ge @!p3 [sflag:s5], $0x2800  }
0xd9: {  	[sflag:s5] =	ssyncset.done @!p3 $0x0  }
0xda: {  	s7 =	sadd.s32 @!p3 $0xFFFFFFFF, s8;
	[sflag:s5] =	ssyncadd.s32 @!p3 $0xFFFFD800;
	s5 =	simm.s32 @!p3 $0xF  }
0xdb: {  	p0 =	sgt.u32 @!p3 s7, $0x7C;
	_ =	swait.ge @!p3 [sflag:s5], $0x50  }
0xdc: {  	p0 =	por p3, !p0;
	[sflag:s5] =	ssyncset.done @!p3 $0x0  }
0xdd: {  	[sflag:s5] =	ssyncadd.s32 @!p3 $0xFFFFFFB0;
	s5 =	sadd.s32 @p0 s9, s21  }
0xde: {  	[tilespmem:s12], [sflag:$0x3] =	stream.linear.gather @p0 [hbm4b:s5+s17], $0x50, $0x38;
	[tilespmem:$0x1E200] =	vst v63  }
0xdf: {  	s5 =	sadd.s32 @p0 s9, s20  }
0xe0: {  	[tilespmem:s0], [sflag:$0x3] =	stream.linear.gather @p0 [hbm4b:s5+s17], $0x50, $0x38;
	[tilespmem:$0x1E200] =	vst v63  }
0xe1: {  	s5 =	simm.s32 @!p6 $0x2  }
0xe2: {  	_ =	swait.ge @!p6 [sflag:s5], $0x50  }
0xe3: {  	[sflag:s5] =	ssyncset.done @!p6 $0x0  }
0xe4: {  	[sflag:s5] =	ssyncadd.s32 @!p6 $0xFFFFFFB0  }
0xe5: {  	_ =	swait.ge @!p6 [sflag:s5], $0x50  }
0xe6: {  	[sflag:s5] =	ssyncset.done @!p6 $0x0  }
0xe7: {  	s7 =	simm.s32 @!p6 $0x2C00;
	[sflag:s5] =	ssyncadd.s32 @!p6 $0xFFFFFFB0;
	s5 =	simm.s32 @!p6 $0x50  }
0xe8: {  	[tilespmem:s7], [sflag:$0x6] =	stream.indirect.gather @!p6 [hbm4b:s30+s5], $0x80, s13, s5, $0xb8;
	[tilespmem:$0x1E200] =	vst v63  }
0xe9: {  	s5 =	simm.s32 @!p4 $0x8  }
0xea: {  	_ =	swait.ge @!p4 [sflag:s5], $0x2800  }
0xeb: {  	[sflag:s5] =	ssyncset.done @!p4 $0x0  }
0xec: {  	[sflag:s5] =	ssyncadd.s32 @!p4 $0xFFFFD800;
	s5 =	simm.s32 @!p4 $0x380  }
0xed: {  	[spmem:s22] =	stream.indirect.scatter.add.f32 @!p4 [tilespmem:s11], [sflag:$0xC], $0x80, s5, s10, $0xb8;
	[tilespmem:$0x1E200] =	vst v63  }
0xee: {  	s7 =	simm.s32 @!p4 $0xA400  }
0xef: {  	[spmem:s28] =	stream.indirect.scatter.add.f32 @!p4 [tilespmem:s7], [sflag:$0x10], $0x1, s5, s10, $0xb8;
	[tilespmem:$0x1E200] =	vst v63  }
0xf0: {  	s5 =	simm.s32 @!p5 $0xC  }
0xf1: {  	_ =	swait.ge @!p5 [sflag:s5], $0x2800  }
0xf2: {  	[sflag:s5] =	ssyncset.done @!p5 $0x0  }
0xf3: {  	p3 =	por @!p3 $0x0, $0x0;
	[sflag:s5] =	ssyncadd.s32 @!p5 $0xFFFFD800;
	s5 =	simm.s32 @!p5 $0x10  }
0xf4: {  	p3 =	por @p0 $0x1, $0x1;
	p0 =	sgt.u32 s8, $0x7C;
	_ =	swait.ge @!p5 [sflag:s5], $0x50  }
0xf5: {  	s7 =	simm.s32 @!p0 $0x0;
	[sflag:s5] =	ssyncset.done @!p5 $0x0  }
0xf6: {  	s10 =	simm.s32 @!p0 $0x180;
	[sflag:s5] =	ssyncadd.s32 @!p5 $0xFFFFFFB0;
	s5 =	sadd.s32 @!p0 s9, s25  }
0xf7: {  	[tilespmem:s10], [sflag:$0x4] =	stream.linear.gather @!p0 [hbm4b:s5+s7], $0x50, $0x38;
	[tilespmem:$0x1E200] =	vst v63  }
0xf8: {  	s5 =	sadd.s32 @!p0 s9, s24;
	s10 =	simm.s32 @!p0 $0x380  }
0xf9: {  	[tilespmem:s10], [sflag:$0x4] =	stream.linear.gather @!p0 [hbm4b:s5+s7], $0x50, $0x38;
	[tilespmem:$0x1E200] =	vst v63  }
0xfa: {  	s5 =	simm.s32 @p3 $0x3  }
0xfb: {  	_ =	swait.ge @p3 [sflag:s5], $0x50  }
0xfc: {  	[sflag:s5] =	ssyncset.done @p3 $0x0  }
0xfd: {  	[sflag:s5] =	ssyncadd.s32 @p3 $0xFFFFFFB0  }
0xfe: {  	_ =	swait.ge @p3 [sflag:s5], $0x50  }
0xff: {  	s9 =	sadd.s32 $0x28, s9;
	s7 =	simm.s32 @p3 $0x100;
	[sflag:s5] =	ssyncset.done @p3 $0x0  }
0x100: {  	s10 =	simm.s32 @p3 $0x5400;
	[sflag:s5] =	ssyncadd.s32 @p3 $0xFFFFFFB0;
	s5 =	simm.s32 @p3 $0x50  }
0x101: {  	[tilespmem:s10], [sflag:$0x7] =	stream.indirect.gather @p3 [hbm4b:s30+s5], $0x80, s7, s5, $0xb8;
	[tilespmem:$0x1E200] =	vst v63  }
0x102: {  	p0 =	sne.s32 s9, $0x500;
	_ =	swait.ge [sflag:s3], $0x2800  }
.Ltmp2:
0x103: {  	[sflag:s3] =	ssyncset.done $0x0;
	(pc) =	sbr.rel @p0 .LBB2_2-.Ltmp2, $4  }
0x104: {  	[sflag:s3] =	ssyncadd.s32 $0xFFFFD800  }
0x105: {  	[spmem:s22] =	stream.indirect.scatter.add.f32 [tilespmem:s2], [sflag:$0x9], $0x80, s15, s1, $0xb8;
	[tilespmem:$0x1E200] =	vst v63  }
0x106: {  	s8 =	sadd.s32 $0x4, s8  }
0x107: {  	[spmem:s28] =	stream.indirect.scatter.add.f32 [tilespmem:s4], [sflag:$0xD], $0x1, s15, s1, $0xb8;
	[tilespmem:$0x1E200] =	vst v63  }
0x108: {  	[bflag:$0x0] =	sbarrier.arrive $0xFFFF  }
0x109: {  	s23 =	sld [smem:$0x7FB];
	_ =	sdelay $0x2  }
0x10a: {  	p0 =	seq.s32 s23, $0x1  }
.Ltmp3:
0x10b: {  	_ = 	snop;
	(pc) =	sbr.rel @p0 .LBB2_5-.Ltmp3, $3  }
0x10c: {  	s5 =	sld [smem:$0x7F2];
	_ =	sdelay $0x1  }
0x10d: {  	s9 =	rddreg [dreg:$0x15]  }
0x10e: {  	s8 =	sshrl.u32 s9, $0x3;
	s7 =	sor.u32 $0x1C12, s5  }
0x10f: {  	s5 =	rddreg [dreg:$0x17]  }
0x110: {  	[hbm:s5], [sflag:s7] =	dma.local [spmem:s8], $0x50  }
0x111: {  	s7 =	simm.s32 $0x12  }
0x112: {  	_ =	swait.ge [sflag:s7], $0x50  }
0x113: {  	s13 =	sld [smem:$0x7F3]  }
0x114: {  	[sflag:s7] =	ssyncset.done $0x0  }
0x115: {  	s11 =	rddreg [dreg:$0xd];
	[sflag:s7] =	ssyncadd.s32 $0xFFFFFFB0  }
0x116: {  	[hbm:s11], [sflag:s6] =	dma.local [spmem:s13], $0x500  }
0x117: {  	s8 =	sld [smem:$0x7F4];
	_ =	sdelay $0x1  }
0x118: {  	s5 =	rddreg [dreg:$0xe]  }
0x119: {  	[hbm:s5], [sflag:s6] =	dma.local [spmem:s8], $0x500  }
0x11a: {  	s8 =	sld [smem:$0x7F5];
	_ =	sdelay $0x1  }
0x11b: {  	s5 =	rddreg [dreg:$0xf]  }
0x11c: {  	[hbm:s5], [sflag:s6] =	dma.local [spmem:s8], $0x500  }
0x11d: {  	s8 =	sld [smem:$0x7F6];
	_ =	sdelay $0x1  }
0x11e: {  	s5 =	rddreg [dreg:$0x10]  }
0x11f: {  	[hbm:s5], [sflag:s6] =	dma.local [spmem:s8], $0x500  }
0x120: {  	s8 =	sld [smem:$0x7F7];
	_ =	sdelay $0x1  }
0x121: {  	s5 =	rddreg [dreg:$0x11]  }
0x122: {  	[hbm:s5], [sflag:s6] =	dma.local [spmem:s8], $0x500  }
0x123: {  	s8 =	sld [smem:$0x7F8];
	_ =	sdelay $0x1  }
0x124: {  	s5 =	rddreg [dreg:$0x12]  }
0x125: {  	[hbm:s5], [sflag:s6] =	dma.local [spmem:s8], $0x500  }
0x126: {  	s8 =	sld [smem:$0x7F9];
	_ =	sdelay $0x1  }
0x127: {  	s5 =	rddreg [dreg:$0x13]  }
0x128: {  	[hbm:s5], [sflag:s6] =	dma.local [spmem:s8], $0x500  }
0x129: {  	s8 =	sld [smem:$0x7FA];
	_ =	sdelay $0x1  }
0x12a: {  	s5 =	rddreg [dreg:$0x14]  }
0x12b: {  	[hbm:s5], [sflag:s6] =	dma.local @!p1 [spmem:s8], $0x500  }
0x12c: {  	_ =	swait.ge [sflag:s14], $0x500  }
0x12d: {  	[sflag:s14] =	ssyncset.done $0x0  }
0x12e: {  	[sflag:s14] =	ssyncadd.s32 $0xFFFFFB00  }
0x12f: {  	_ =	swait.ge [sflag:s14], $0x500  }
0x130: {  	[sflag:s14] =	ssyncset.done $0x0  }
0x131: {  	[sflag:s14] =	ssyncadd.s32 $0xFFFFFB00  }
0x132: {  	_ =	swait.ge [sflag:s14], $0x500  }
0x133: {  	[sflag:s14] =	ssyncset.done $0x0  }
0x134: {  	[sflag:s14] =	ssyncadd.s32 $0xFFFFFB00  }
0x135: {  	_ =	swait.ge [sflag:s14], $0x500  }
0x136: {  	[sflag:s14] =	ssyncset.done $0x0  }
0x137: {  	[sflag:s14] =	ssyncadd.s32 $0xFFFFFB00  }
0x138: {  	_ =	swait.ge [sflag:s14], $0x500  }
0x139: {  	[sflag:s14] =	ssyncset.done $0x0  }
0x13a: {  	[sflag:s14] =	ssyncadd.s32 $0xFFFFFB00  }
0x13b: {  	_ =	swait.ge [sflag:s14], $0x500  }
0x13c: {  	[sflag:s14] =	ssyncset.done $0x0  }
0x13d: {  	[sflag:s14] =	ssyncadd.s32 $0xFFFFFB00  }
0x13e: {  	_ =	swait.ge [sflag:s14], $0x500  }
0x13f: {  	s23 =	sld [smem:$0x7FD];
	_ =	sdelay $0x2  }
0x140: {  	p0 =	seq.s32 s23, $0x1  }
.Ltmp4:
0x141: {  	_ = 	snop;
	(pc) =	sbr.rel @p0 .LBB2_6-.Ltmp4, $4  }
.Ltmp5:
0x142: {  	_ = 	snop;
	(pc) =	sbr.rel @!p0 .LBB2_7-.Ltmp5, $4  }
0x143: {  	_ = 	snop  }
0x144: {  	[sflag:s14] =	ssyncset.done $0x0;
	s6 =	sld [smem:$0x7F1]  }
0x145: {  	[sflag:s14] =	ssyncadd.s32 $0xFFFFFB00  }
0x146: {  	_ = 	snop  }
.LBB2_5:
0x147: {  	s5 =	rddreg [dreg:$0x16]  }
0x148: {  	[hbm:s5], [sflag:s7] =	dma.local [spmem:s8], $0x50  }
0x149: {  	s7 =	simm.s32 $0x12  }
0x14a: {  	_ =	swait.ge [sflag:s7], $0x50  }
0x14b: {  	s23 =	sld [smem:$0x7F3]  }
0x14c: {  	[sflag:s7] =	ssyncset.done $0x0  }
0x14d: {  	s13 =	rddreg [dreg:$0x5];
	[sflag:s7] =	ssyncadd.s32 $0xFFFFFFB0  }
0x14e: {  	[hbm:s13], [sflag:s6] =	dma.local [spmem:s23], $0x500  }
0x14f: {  	s8 =	sld [smem:$0x7F4];
	_ =	sdelay $0x1  }
0x150: {  	s5 =	rddreg [dreg:$0x6]  }
0x151: {  	[hbm:s5], [sflag:s6] =	dma.local [spmem:s8], $0x500  }
0x152: {  	s8 =	sld [smem:$0x7F5];
	_ =	sdelay $0x1  }
0x153: {  	s5 =	rddreg [dreg:$0x7]  }
0x154: {  	[hbm:s5], [sflag:s6] =	dma.local [spmem:s8], $0x500  }
0x155: {  	s8 =	sld [smem:$0x7F6];
	_ =	sdelay $0x1  }
0x156: {  	s5 =	rddreg [dreg:$0x8]  }
0x157: {  	[hbm:s5], [sflag:s6] =	dma.local [spmem:s8], $0x500  }
0x158: {  	s8 =	sld [smem:$0x7F7];
	_ =	sdelay $0x1  }
0x159: {  	s5 =	rddreg [dreg:$0x9]  }
0x15a: {  	[hbm:s5], [sflag:s6] =	dma.local [spmem:s8], $0x500  }
0x15b: {  	s8 =	sld [smem:$0x7F8];
	_ =	sdelay $0x1  }
0x15c: {  	s5 =	rddreg [dreg:$0xa]  }
0x15d: {  	[hbm:s5], [sflag:s6] =	dma.local [spmem:s8], $0x500  }
0x15e: {  	s8 =	sld [smem:$0x7F9];
	_ =	sdelay $0x1  }
0x15f: {  	s5 =	rddreg [dreg:$0xb]  }
0x160: {  	[hbm:s5], [sflag:s6] =	dma.local [spmem:s8], $0x500  }
0x161: {  	s8 =	sld [smem:$0x7FA];
	_ =	sdelay $0x1  }
0x162: {  	s5 =	rddreg [dreg:$0xc]  }
0x163: {  	[hbm:s5], [sflag:s6] =	dma.local @!p1 [spmem:s8], $0x500  }
0x164: {  	_ =	swait.ge [sflag:s14], $0x500  }
0x165: {  	[sflag:s14] =	ssyncset.done $0x0  }
0x166: {  	[sflag:s14] =	ssyncadd.s32 $0xFFFFFB00  }
0x167: {  	_ =	swait.ge [sflag:s14], $0x500  }
0x168: {  	[sflag:s14] =	ssyncset.done $0x0  }
0x169: {  	[sflag:s14] =	ssyncadd.s32 $0xFFFFFB00  }
0x16a: {  	_ =	swait.ge [sflag:s14], $0x500  }
0x16b: {  	[sflag:s14] =	ssyncset.done $0x0  }
0x16c: {  	[sflag:s14] =	ssyncadd.s32 $0xFFFFFB00  }
0x16d: {  	_ =	swait.ge [sflag:s14], $0x500  }
0x16e: {  	[sflag:s14] =	ssyncset.done $0x0  }
0x16f: {  	[sflag:s14] =	ssyncadd.s32 $0xFFFFFB00  }
0x170: {  	_ =	swait.ge [sflag:s14], $0x500  }
0x171: {  	[sflag:s14] =	ssyncset.done $0x0  }
0x172: {  	[sflag:s14] =	ssyncadd.s32 $0xFFFFFB00  }
0x173: {  	_ =	swait.ge [sflag:s14], $0x500  }
.Ltmp6:
0x174: {  	[sflag:s14] =	ssyncset.done $0x0;
	(pc) =	sbr.rel @p2 .LBB2_7-.Ltmp6, $4  }
.Ltmp7:
0x175: {  	[sflag:s14] =	ssyncadd.s32 $0xFFFFFB00;
	(pc) =	sbr.rel @!p2 .LBB2_6-.Ltmp7, $4  }
0x176: {  	_ =	swait.ge [sflag:s14], $0x500  }
0x177: {  	[sflag:s14] =	ssyncset.done $0x0;
	s6 =	sld [smem:$0x7F1]  }
0x178: {  	[sflag:s14] =	ssyncadd.s32 $0xFFFFFB00  }
0x179: {  	_ = 	snop  }
.LBB2_8:
0x17a: {  	_ =	sfence.sel $0x180000  }
0x17b: {  	[bflag:$0x0] =	sbarrier.arrive $0xFFFF  }
0x17c: {  	_ =	strace $0x9000004A  }
0x17d: {  	s0 =	stileid.u32;
	[bflag:$0x2] =	sbarrier.arrive $0xFFFF  }
0x17e: {  	p0 =	sne.s32 s0, $0x0;
	s0 =	rddreg [dreg:$0x4]  }
0x17f: {  	s0 =	sadd.s32 @!p0 $0x100000, s0  }
0x180: {  	[sflag:s0] =	ssyncadd.tile.s32 @!p0 $0x1;
	_ =	shalt  }
.Lfunc_end2:
_tile_overlayer_lowered:
.L_overlay_start_2:
0x181: {  	(tag) =	ssettag $0x2  }
0x182: {  	s0 =	rddreg [dreg:$0x0];
	s2 =	stileid.u32  }
0x183: {  	s1 =	rddreg [dreg:$0x1];
	p0 =	sne.s32 s2, $0x0  }
0x184: {  	s3 =	rddreg [dreg:$0x2];
	[bflag:$0x3] =	sbarrier.arrive $0xFFFF;
	s2 =	simm.s32 @!p0 $0x1C12  }
0x185: {  	[timem:s3], [sflag:s2] =	dma.local @!p0 [hbm:s0], s1  }
0x186: {  	s0 =	simm.s32 @!p0 $0x12  }
0x187: {  	_ =	swait.ge @!p0 [sflag:s0], s1  }
0x188: {  	s1 =	ssub.s32 @!p0 $0x0, s1;
	[sflag:s0] =	ssyncset.done @!p0 $0x0  }
0x189: {  	[sflag:s0] =	ssyncadd.s32 @!p0 s1  }
0x18a: {  	[bflag:$0x3] =	sbarrier.arrive $0xFFFF  }
0x18b: {  	_ =	shalt  }

</sc_bundles>
